<compile_context>
chip_gen: v7x
topology: tpu7x:2x2x1
jax: 0.10.2.dev20260603
libtpu: 0.0.44.dev20260713+nightly
codegen_flags: <defaults>
</compile_context>

<pallas_src>
import functools

import jax
import jax.numpy as jnp
from jax import lax
from jax.experimental import pallas as pl
from jax.experimental.pallas import tpu as pltpu
from jax.experimental.pallas import tpu_sc as plsc

N_NODES = 10000
N_EDGES = 320000
D = 128
DH = D // 2
NC = 2
NS = 16
NW = NC * NS
EPT = N_EDGES // NW
EPT1 = N_EDGES // NS
CHUNK = 160
NCHUNK = EPT1 // CHUNK
RING = 4
NPAD = 10240
RPT = NPAD // NS

_mesh = plsc.VectorSubcoreMesh(
    core_axis_name="c", subcore_axis_name="s", num_cores=NC, num_subcores=NS
)


@functools.partial(
    pl.kernel,
    out_type=jax.ShapeDtypeStruct((NC, NPAD, DH), jnp.float32),
    mesh=_mesh,
    scratch_types=[
        pltpu.VMEM((EPT1,), jnp.int32),
        pltpu.VMEM((EPT1,), jnp.int32),
        pltpu.VMEM((RING, CHUNK, DH), jnp.float32),
        pltpu.VMEM((16, DH), jnp.float32),
        pltpu.VMEM_SHARED((NPAD, DH), jnp.float32),
        pltpu.SemaphoreType.DMA,
        pltpu.SemaphoreType.DMA,
        pltpu.SemaphoreType.DMA,
        pltpu.SemaphoreType.DMA,
    ],
    compiler_params=pltpu.CompilerParams(use_tc_tiling_on_sc=False),
)
def _segment_sum_sc(xs_hbm, ei_hbm, out_hbm,
                    col_v, row_v, bufs, zbuf, acc, sem0, sem1, sem2, sem3):
    c = lax.axis_index("c")
    s = lax.axis_index("s")

    zero16 = jnp.zeros((16,), jnp.float32)
    for i in range(16):
        for k in range(DH // 16):
            zbuf[i, pl.ds(k * 16, 16)] = zero16
    base_row = s * RPT
    for k in range(RPT // 16):
        pltpu.sync_copy(zbuf, acc.at[pl.ds(base_row + k * 16, 16)])
    plsc.subcore_barrier()

    pltpu.sync_copy(ei_hbm.at[1].at[pl.ds(s * EPT1, EPT1)], col_v)
    pltpu.sync_copy(ei_hbm.at[0].at[pl.ds(s * EPT1, EPT1)], row_v)

    x_hbm = xs_hbm.at[c]
    sems = (sem0, sem1, sem2, sem3)

    def cidx(j):
        return col_v.at[pl.ds(j * CHUNK, CHUNK)]

    def ridx(j):
        return row_v.at[pl.ds(j * CHUNK, CHUNK)]

    for b in range(RING - 1):
        pltpu.async_copy(x_hbm.at[cidx(b)], bufs.at[b], sems[b])

    def body(g, carry):
        for b in range(RING):
            j = g * RING + b

            @pl.when(j + RING - 1 < NCHUNK)
            def _():
                pltpu.async_copy(
                    x_hbm.at[cidx(j + RING - 1)],
                    bufs.at[(b + RING - 1) % RING],
                    sems[(b + RING - 1) % RING],
                )

            @pl.when(j < NCHUNK)
            def _():
                pltpu.make_async_copy(
                    x_hbm.at[cidx(j)], bufs.at[b], sems[b]
                ).wait()
                pltpu.sync_copy(bufs.at[b], acc.at[ridx(j)], add=True)

        return carry

    lax.fori_loop(0, (NCHUNK + RING - 1) // RING, body, 0)
    plsc.subcore_barrier()

    for k in range(RPT // 128):
        r0 = base_row + k * 128
        pltpu.sync_copy(acc.at[pl.ds(r0, 128)], out_hbm.at[c].at[pl.ds(r0, 128)])


def _dense_tc_body(x_ref, p_ref, ws_ref, wn_ref, bc_ref, w8_ref, b8_ref,
                   nl_ref, tab_ref):
    wn = wn_ref[...]
    h = jnp.maximum(
        jnp.dot(x_ref[...], ws_ref[...], preferred_element_type=jnp.float32)
        + jnp.dot(p_ref[0], wn[:DH, :], preferred_element_type=jnp.float32)
        + jnp.dot(p_ref[1], wn[DH:, :], preferred_element_type=jnp.float32)
        + bc_ref[...],
        0.0,
    )
    out8 = jnp.dot(h, w8_ref[...], preferred_element_type=jnp.float32) + b8_ref[...]
    nl_ref[...] = out8[:, 0:2].T
    tab_ref[...] = out8[:, 2:6].T


_BN = 1280


def _dense_tc(xp, partials, W_self, W_neigh, bc, w8, b8):
    return pl.pallas_call(
        _dense_tc_body,
        grid=(NPAD // _BN,),
        in_specs=[
            pl.BlockSpec((_BN, D), lambda i: (i, 0)),
            pl.BlockSpec((NC, _BN, DH), lambda i: (0, i, 0)),
            pl.BlockSpec((D, D), lambda i: (0, 0)),
            pl.BlockSpec((D, D), lambda i: (0, 0)),
            pl.BlockSpec((1, D), lambda i: (0, 0)),
            pl.BlockSpec((D, 8), lambda i: (0, 0)),
            pl.BlockSpec((1, 8), lambda i: (0, 0)),
        ],
        out_specs=[
            pl.BlockSpec((2, _BN), lambda i: (0, i)),
            pl.BlockSpec((4, _BN), lambda i: (0, i)),
        ],
        out_shape=[
            jax.ShapeDtypeStruct((2, NPAD), jnp.float32),
            jax.ShapeDtypeStruct((4, NPAD), jnp.float32),
        ],
    )(xp, partials, W_self, W_neigh, bc, w8, b8)


@functools.partial(
    pl.kernel,
    out_type=jax.ShapeDtypeStruct((2, N_EDGES), jnp.float32),
    mesh=_mesh,
    scratch_types=[
        pltpu.VMEM((NPAD * 4,), jnp.float32),
        pltpu.VMEM((EPT,), jnp.int32),
        pltpu.VMEM((EPT,), jnp.int32),
        pltpu.VMEM((EPT,), jnp.float32),
        pltpu.VMEM((EPT,), jnp.float32),
    ],
    compiler_params=pltpu.CompilerParams(
        needs_layout_passes=False, use_tc_tiling_on_sc=False
    ),
)
def _edge_logits_sc(tab_hbm, ei_hbm, out_hbm, tab_v, row_v, col_v, o0_v, o1_v):
    c = lax.axis_index("c")
    s = lax.axis_index("s")
    wid = c * NS + s
    pltpu.sync_copy(tab_hbm, tab_v)
    pltpu.sync_copy(ei_hbm.at[0].at[pl.ds(wid * EPT, EPT)], row_v)
    pltpu.sync_copy(ei_hbm.at[1].at[pl.ds(wid * EPT, EPT)], col_v)

    def one(i):
        r16 = row_v[pl.ds(i * 16, 16)]
        c16 = col_v[pl.ds(i * 16, 16)]
        o0_v[pl.ds(i * 16, 16)] = (
            plsc.load_gather(tab_v, [r16])
            + plsc.load_gather(tab_v, [c16 + 2 * NPAD])
        )
        o1_v[pl.ds(i * 16, 16)] = (
            plsc.load_gather(tab_v, [r16 + NPAD])
            + plsc.load_gather(tab_v, [c16 + 3 * NPAD])
        )

    def body(g, carry):
        one(g * 2)
        one(g * 2 + 1)
        return carry

    lax.fori_loop(0, EPT // 32, body, 0)
    one(EPT // 16 - 1)
    pltpu.sync_copy(o0_v, out_hbm.at[0].at[pl.ds(wid * EPT, EPT)])
    pltpu.sync_copy(o1_v, out_hbm.at[1].at[pl.ds(wid * EPT, EPT)])


def kernel(x, edge_index, W_self, W_neigh, b_core, W_node, b_node, W_edge, b_edge):
    ei = edge_index.astype(jnp.int32)
    xs = jnp.stack([x[:, :DH], x[:, DH:]])
    partials = _segment_sum_sc(xs, ei)
    w8 = (
        jnp.zeros((D, 8), jnp.float32)
        .at[:, 0:2].set(W_node)
        .at[:, 2:4].set(W_edge[:D])
        .at[:, 4:6].set(W_edge[D:])
    )
    b8 = (
        jnp.zeros((8,), jnp.float32)
        .at[0:2].set(b_node)
        .at[2:4].set(b_edge)
    )
    xp = jnp.pad(x, ((0, NPAD - N_NODES), (0, 0)))
    nlT, tab4 = _dense_tc(
        xp, partials, W_self, W_neigh, b_core.reshape(1, D), w8, b8.reshape(1, 8)
    )
    node_logits = nlT[:, :N_NODES].T
    edge_logits = _edge_logits_sc(tab4.reshape(-1), ei).T
    return (node_logits, edge_logits)

# --- scband reference (transcript-rebuilt; emitter-appended) ---
"""Pipeline reference for scband-parity-game-network-5171140625122 (READ-ONLY COPY).

The authoritative reference and input builder live on the scoring server;
editing this copy changes nothing except your own understanding.
"""

import jax, jax.numpy as jnp
import numpy as np

N_NODES = 10000
N_EDGES = 320000
D_FEAT = 128
N_CLASSES = 2


def setup_inputs(seed: int = 0) -> dict:
    key = jax.random.key(seed)
    ks = jax.random.split(key, 10)
    x = jax.random.normal(ks[0], (N_NODES, D_FEAT), dtype=jnp.float32)
    edge_index = jax.random.randint(ks[1], (2, N_EDGES), 0, N_NODES, dtype=jnp.int64)
    # core GNN layer params (GCN-style: self transform + neighbor aggregate transform)
    W_self = jax.random.normal(ks[2], (D_FEAT, D_FEAT), dtype=jnp.float32) * (1.0 / np.sqrt(D_FEAT))
    W_neigh = jax.random.normal(ks[3], (D_FEAT, D_FEAT), dtype=jnp.float32) * (1.0 / np.sqrt(D_FEAT))
    b_core = jnp.zeros((D_FEAT,), dtype=jnp.float32)
    # node classifier (linear D_FEAT -> 2)
    W_node = jax.random.normal(ks[4], (D_FEAT, N_CLASSES), dtype=jnp.float32) * (1.0 / np.sqrt(D_FEAT))
    b_node = jnp.zeros((N_CLASSES,), dtype=jnp.float32)
    # edge classifier (linear 2*D_FEAT -> 2)
    W_edge = jax.random.normal(ks[5], (2 * D_FEAT, N_CLASSES), dtype=jnp.float32) * (1.0 / np.sqrt(2 * D_FEAT))
    b_edge = jnp.zeros((N_CLASSES,), dtype=jnp.float32)
    return {
        "x": x,
        "edge_index": edge_index,
        "W_self": W_self,
        "W_neigh": W_neigh,
        "b_core": b_core,
        "W_node": W_node,
        "b_node": b_node,
        "W_edge": W_edge,
        "b_edge": b_edge,
    }


def reference(x, edge_index, W_self, W_neigh, b_core, W_node, b_node, W_edge, b_edge):
    row = edge_index[0]
    col = edge_index[1]
    # core: message passing (gather src features, scatter-add to dst)
    messages = jnp.take(x, col, axis=0)                       # gather [E, D]
    agg = jax.ops.segment_sum(messages, row, num_segments=N_NODES)  # scatter-add [N, D]
    h = jax.nn.relu(x @ W_self + agg @ W_neigh + b_core)
    # node classifier
    node_logits = h @ W_node + b_node
    # edge representation: concat endpoint features (two gathers)
    edge_rep = jnp.concatenate([jnp.take(h, row, axis=0), jnp.take(h, col, axis=0)], axis=1)
    edge_logits = edge_rep @ W_edge + b_edge
    return (node_logits, edge_logits)

if __name__ == "__main__":
    import jax
    _d = setup_inputs()
    print(jax.jit(kernel)(*tuple(_d.values())))

</pallas_src>

<mosaic_0001>
#map = affine_map<(d0, d1) -> (0, 0, 0)>
#map1 = affine_map<(d0, d1) -> (0, 0)>
module attributes {stable_mosaic.version = 14 : i64} {
  func.func @_segment_sum_sc(%arg0: i32, %arg1: i32, %arg2: memref<2x10000x64xf32, #tpu.memory_space<hbm>>, %arg3: memref<2x320000xi32, #tpu.memory_space<hbm>>, %arg4: memref<2x10240x64xf32, #tpu.memory_space<hbm>>, %arg5: memref<20000xi32, #tpu.memory_space<vmem>>, %arg6: memref<20000xi32, #tpu.memory_space<vmem>>, %arg7: memref<4x160x64xf32, #tpu.memory_space<vmem>>, %arg8: memref<16x64xf32, #tpu.memory_space<vmem>>, %arg9: memref<10240x64xf32, #tpu.memory_space<vmem_shared>>, %arg10: memref<!tpu.dma_semaphore, #tpu.memory_space<semaphore_mem>>, %arg11: memref<!tpu.dma_semaphore, #tpu.memory_space<semaphore_mem>>, %arg12: memref<!tpu.dma_semaphore, #tpu.memory_space<semaphore_mem>>, %arg13: memref<!tpu.dma_semaphore, #tpu.memory_space<semaphore_mem>>) attributes {dimension_semantics = [#tpu.dimension_semantics<core_parallel>, #tpu.dimension_semantics<subcore_parallel>], iteration_bounds = array<i64: 2, 16>, scalar_prefetch = 0 : i64, scratch_operands = 9 : i64, tpu.core_type = #tpu.core_type<sc_vector_subcore>, window_params = [{transform_indices = #map}, {transform_indices = #map1}, {transform_indices = #map}]} {
    %broadcast_in_dim3A = arith.constant 0.000000e+00 : f32
    %broadcast_in_dim3A_0 = vector.broadcast %broadcast_in_dim3A : f32 to vector<16xf32>
    %swap3A = arith.constant 0 : i32
    %swap3A_1 = arith.index_cast %swap3A : i32 to index
    %swap3A_2 = arith.constant 0 : index
    %swap3A_3 = tpu.vector_load %arg8[%swap3A_1, %swap3A_2] {strides = array<i32>} : memref<16x64xf32, #tpu.memory_space<vmem>>, vector<1x16xf32>,
    %swap3A_4 = vector.shape_cast %swap3A_3 : vector<1x16xf32> to vector<16xf32>
    %swap3A_5 = vector.shape_cast %broadcast_in_dim3A_0 : vector<16xf32> to vector<1x16xf32>
    tpu.vector_store %arg8[%swap3A_1, %swap3A_2], %swap3A_5 {strides = array<i32>} : memref<16x64xf32, #tpu.memory_space<vmem>>, vector<1x16xf32>,
    %swap3A_6 = arith.constant 0 : i32
    %swap3A_7 = arith.index_cast %swap3A_6 : i32 to index
    %swap3A_8 = arith.constant 16 : index
    %swap3A_9 = tpu.vector_load %arg8[%swap3A_7, %swap3A_8] {strides = array<i32>} : memref<16x64xf32, #tpu.memory_space<vmem>>, vector<1x16xf32>,
    %swap3A_10 = vector.shape_cast %swap3A_9 : vector<1x16xf32> to vector<16xf32>
    %swap3A_11 = vector.shape_cast %broadcast_in_dim3A_0 : vector<16xf32> to vector<1x16xf32>
    tpu.vector_store %arg8[%swap3A_7, %swap3A_8], %swap3A_11 {strides = array<i32>} : memref<16x64xf32, #tpu.memory_space<vmem>>, vector<1x16xf32>,
    %swap3A_12 = arith.constant 0 : i32
    %swap3A_13 = arith.index_cast %swap3A_12 : i32 to index
    %swap3A_14 = arith.constant 32 : index
    %swap3A_15 = tpu.vector_load %arg8[%swap3A_13, %swap3A_14] {strides = array<i32>} : memref<16x64xf32, #tpu.memory_space<vmem>>, vector<1x16xf32>,
    %swap3A_16 = vector.shape_cast %swap3A_15 : vector<1x16xf32> to vector<16xf32>
    %swap3A_17 = vector.shape_cast %broadcast_in_dim3A_0 : vector<16xf32> to vector<1x16xf32>
    tpu.vector_store %arg8[%swap3A_13, %swap3A_14], %swap3A_17 {strides = array<i32>} : memref<16x64xf32, #tpu.memory_space<vmem>>, vector<1x16xf32>,
    %swap3A_18 = arith.constant 0 : i32
    %swap3A_19 = arith.index_cast %swap3A_18 : i32 to index
    %swap3A_20 = arith.constant 48 : index
    %swap3A_21 = tpu.vector_load %arg8[%swap3A_19, %swap3A_20] {strides = array<i32>} : memref<16x64xf32, #tpu.memory_space<vmem>>, vector<1x16xf32>,
    %swap3A_22 = vector.shape_cast %swap3A_21 : vector<1x16xf32> to vector<16xf32>
    %swap3A_23 = vector.shape_cast %broadcast_in_dim3A_0 : vector<16xf32> to vector<1x16xf32>
    tpu.vector_store %arg8[%swap3A_19, %swap3A_20], %swap3A_23 {strides = array<i32>} : memref<16x64xf32, #tpu.memory_space<vmem>>, vector<1x16xf32>,
    %swap3A_24 = arith.constant 1 : i32
    %swap3A_25 = arith.index_cast %swap3A_24 : i32 to index
    %swap3A_26 = arith.constant 0 : index
    %swap3A_27 = tpu.vector_load %arg8[%swap3A_25, %swap3A_26] {strides = array<i32>} : memref<16x64xf32, #tpu.memory_space<vmem>>, vector<1x16xf32>,
    %swap3A_28 = vector.shape_cast %swap3A_27 : vector<1x16xf32> to vector<16xf32>
    %swap3A_29 = vector.shape_cast %broadcast_in_dim3A_0 : vector<16xf32> to vector<1x16xf32>
    tpu.vector_store %arg8[%swap3A_25, %swap3A_26], %swap3A_29 {strides = array<i32>} : memref<16x64xf32, #tpu.memory_space<vmem>>, vector<1x16xf32>,
    %swap3A_30 = arith.constant 1 : i32
    %swap3A_31 = arith.index_cast %swap3A_30 : i32 to index
    %swap3A_32 = arith.constant 16 : index
    %swap3A_33 = tpu.vector_load %arg8[%swap3A_31, %swap3A_32] {strides = array<i32>} : memref<16x64xf32, #tpu.memory_space<vmem>>, vector<1x16xf32>,
    %swap3A_34 = vector.shape_cast %swap3A_33 : vector<1x16xf32> to vector<16xf32>
    %swap3A_35 = vector.shape_cast %broadcast_in_dim3A_0 : vector<16xf32> to vector<1x16xf32>
    tpu.vector_store %arg8[%swap3A_31, %swap3A_32], %swap3A_35 {strides = array<i32>} : memref<16x64xf32, #tpu.memory_space<vmem>>, vector<1x16xf32>,
    %swap3A_36 = arith.constant 1 : i32
    %swap3A_37 = arith.index_cast %swap3A_36 : i32 to index
    %swap3A_38 = arith.constant 32 : index
    %swap3A_39 = tpu.vector_load %arg8[%swap3A_37, %swap3A_38] {strides = array<i32>} : memref<16x64xf32, #tpu.memory_space<vmem>>, vector<1x16xf32>,
    %swap3A_40 = vector.shape_cast %swap3A_39 : vector<1x16xf32> to vector<16xf32>
    %swap3A_41 = vector.shape_cast %broadcast_in_dim3A_0 : vector<16xf32> to vector<1x16xf32>
    tpu.vector_store %arg8[%swap3A_37, %swap3A_38], %swap3A_41 {strides = array<i32>} : memref<16x64xf32, #tpu.memory_space<vmem>>, vector<1x16xf32>,
    %swap3A_42 = arith.constant 1 : i32
    %swap3A_43 = arith.index_cast %swap3A_42 : i32 to index
    %swap3A_44 = arith.constant 48 : index
    %swap3A_45 = tpu.vector_load %arg8[%swap3A_43, %swap3A_44] {strides = array<i32>} : memref<16x64xf32, #tpu.memory_space<vmem>>, vector<1x16xf32>,
    %swap3A_46 = vector.shape_cast %swap3A_45 : vector<1x16xf32> to vector<16xf32>
    %swap3A_47 = vector.shape_cast %broadcast_in_dim3A_0 : vector<16xf32> to vector<1x16xf32>
    tpu.vector_store %arg8[%swap3A_43, %swap3A_44], %swap3A_47 {strides = array<i32>} : memref<16x64xf32, #tpu.memory_space<vmem>>, vector<1x16xf32>,
    %swap3A_48 = arith.constant 2 : i32
    %swap3A_49 = arith.index_cast %swap3A_48 : i32 to index
    %swap3A_50 = arith.constant 0 : index
    %swap3A_51 = tpu.vector_load %arg8[%swap3A_49, %swap3A_50] {strides = array<i32>} : memref<16x64xf32, #tpu.memory_space<vmem>>, vector<1x16xf32>,
    %swap3A_52 = vector.shape_cast %swap3A_51 : vector<1x16xf32> to vector<16xf32>
    %swap3A_53 = vector.shape_cast %broadcast_in_dim3A_0 : vector<16xf32> to vector<1x16xf32>
    tpu.vector_store %arg8[%swap3A_49, %swap3A_50], %swap3A_53 {strides = array<i32>} : memref<16x64xf32, #tpu.memory_space<vmem>>, vector<1x16xf32>,
    %swap3A_54 = arith.constant 2 : i32
    %swap3A_55 = arith.index_cast %swap3A_54 : i32 to index
    %swap3A_56 = arith.constant 16 : index
    %swap3A_57 = tpu.vector_load %arg8[%swap3A_55, %swap3A_56] {strides = array<i32>} : memref<16x64xf32, #tpu.memory_space<vmem>>, vector<1x16xf32>,
    %swap3A_58 = vector.shape_cast %swap3A_57 : vector<1x16xf32> to vector<16xf32>
    %swap3A_59 = vector.shape_cast %broadcast_in_dim3A_0 : vector<16xf32> to vector<1x16xf32>
    tpu.vector_store %arg8[%swap3A_55, %swap3A_56], %swap3A_59 {strides = array<i32>} : memref<16x64xf32, #tpu.memory_space<vmem>>, vector<1x16xf32>,
    %swap3A_60 = arith.constant 2 : i32
    %swap3A_61 = arith.index_cast %swap3A_60 : i32 to index
    %swap3A_62 = arith.constant 32 : index
    %swap3A_63 = tpu.vector_load %arg8[%swap3A_61, %swap3A_62] {strides = array<i32>} : memref<16x64xf32, #tpu.memory_space<vmem>>, vector<1x16xf32>,
    %swap3A_64 = vector.shape_cast %swap3A_63 : vector<1x16xf32> to vector<16xf32>
    %swap3A_65 = vector.shape_cast %broadcast_in_dim3A_0 : vector<16xf32> to vector<1x16xf32>
    tpu.vector_store %arg8[%swap3A_61, %swap3A_62], %swap3A_65 {strides = array<i32>} : memref<16x64xf32, #tpu.memory_space<vmem>>, vector<1x16xf32>,
    %swap3A_66 = arith.constant 2 : i32
    %swap3A_67 = arith.index_cast %swap3A_66 : i32 to index
    %swap3A_68 = arith.constant 48 : index
    %swap3A_69 = tpu.vector_load %arg8[%swap3A_67, %swap3A_68] {strides = array<i32>} : memref<16x64xf32, #tpu.memory_space<vmem>>, vector<1x16xf32>,
    %swap3A_70 = vector.shape_cast %swap3A_69 : vector<1x16xf32> to vector<16xf32>
    %swap3A_71 = vector.shape_cast %broadcast_in_dim3A_0 : vector<16xf32> to vector<1x16xf32>
    tpu.vector_store %arg8[%swap3A_67, %swap3A_68], %swap3A_71 {strides = array<i32>} : memref<16x64xf32, #tpu.memory_space<vmem>>, vector<1x16xf32>,
    %swap3A_72 = arith.constant 3 : i32
    %swap3A_73 = arith.index_cast %swap3A_72 : i32 to index
    %swap3A_74 = arith.constant 0 : index
    %swap3A_75 = tpu.vector_load %arg8[%swap3A_73, %swap3A_74] {strides = array<i32>} : memref<16x64xf32, #tpu.memory_space<vmem>>, vector<1x16xf32>,
    %swap3A_76 = vector.shape_cast %swap3A_75 : vector<1x16xf32> to vector<16xf32>
    %swap3A_77 = vector.shape_cast %broadcast_in_dim3A_0 : vector<16xf32> to vector<1x16xf32>
    tpu.vector_store %arg8[%swap3A_73, %swap3A_74], %swap3A_77 {strides = array<i32>} : memref<16x64xf32, #tpu.memory_space<vmem>>, vector<1x16xf32>,
    %swap3A_78 = arith.constant 3 : i32
    %swap3A_79 = arith.index_cast %swap3A_78 : i32 to index
    %swap3A_80 = arith.constant 16 : index
    %swap3A_81 = tpu.vector_load %arg8[%swap3A_79, %swap3A_80] {strides = array<i32>} : memref<16x64xf32, #tpu.memory_space<vmem>>, vector<1x16xf32>,
    %swap3A_82 = vector.shape_cast %swap3A_81 : vector<1x16xf32> to vector<16xf32>
    %swap3A_83 = vector.shape_cast %broadcast_in_dim3A_0 : vector<16xf32> to vector<1x16xf32>
    tpu.vector_store %arg8[%swap3A_79, %swap3A_80], %swap3A_83 {strides = array<i32>} : memref<16x64xf32, #tpu.memory_space<vmem>>, vector<1x16xf32>,
    %swap3A_84 = arith.constant 3 : i32
    %swap3A_85 = arith.index_cast %swap3A_84 : i32 to index
    %swap3A_86 = arith.constant 32 : index
    %swap3A_87 = tpu.vector_load %arg8[%swap3A_85, %swap3A_86] {strides = array<i32>} : memref<16x64xf32, #tpu.memory_space<vmem>>, vector<1x16xf32>,
    %swap3A_88 = vector.shape_cast %swap3A_87 : vector<1x16xf32> to vector<16xf32>
    %swap3A_89 = vector.shape_cast %broadcast_in_dim3A_0 : vector<16xf32> to vector<1x16xf32>
    tpu.vector_store %arg8[%swap3A_85, %swap3A_86], %swap3A_89 {strides = array<i32>} : memref<16x64xf32, #tpu.memory_space<vmem>>, vector<1x16xf32>,
    %swap3A_90 = arith.constant 3 : i32
    %swap3A_91 = arith.index_cast %swap3A_90 : i32 to index
    %swap3A_92 = arith.constant 48 : index
    %swap3A_93 = tpu.vector_load %arg8[%swap3A_91, %swap3A_92] {strides = array<i32>} : memref<16x64xf32, #tpu.memory_space<vmem>>, vector<1x16xf32>,
    %swap3A_94 = vector.shape_cast %swap3A_93 : vector<1x16xf32> to vector<16xf32>
    %swap3A_95 = vector.shape_cast %broadcast_in_dim3A_0 : vector<16xf32> to vector<1x16xf32>
    tpu.vector_store %arg8[%swap3A_91, %swap3A_92], %swap3A_95 {strides = array<i32>} : memref<16x64xf32, #tpu.memory_space<vmem>>, vector<1x16xf32>,
    %swap3A_96 = arith.constant 4 : i32
    %swap3A_97 = arith.index_cast %swap3A_96 : i32 to index
    %swap3A_98 = arith.constant 0 : index
    %swap3A_99 = tpu.vector_load %arg8[%swap3A_97, %swap3A_98] {strides = array<i32>} : memref<16x64xf32, #tpu.memory_space<vmem>>, vector<1x16xf32>,
    %swap3A_100 = vector.shape_cast %swap3A_99 : vector<1x16xf32> to vector<16xf32>
    %swap3A_101 = vector.shape_cast %broadcast_in_dim3A_0 : vector<16xf32> to vector<1x16xf32>
    tpu.vector_store %arg8[%swap3A_97, %swap3A_98], %swap3A_101 {strides = array<i32>} : memref<16x64xf32, #tpu.memory_space<vmem>>, vector<1x16xf32>,
    %swap3A_102 = arith.constant 4 : i32
    %swap3A_103 = arith.index_cast %swap3A_102 : i32 to index
    %swap3A_104 = arith.constant 16 : index
    %swap3A_105 = tpu.vector_load %arg8[%swap3A_103, %swap3A_104] {strides = array<i32>} : memref<16x64xf32, #tpu.memory_space<vmem>>, vector<1x16xf32>,
    %swap3A_106 = vector.shape_cast %swap3A_105 : vector<1x16xf32> to vector<16xf32>
    %swap3A_107 = vector.shape_cast %broadcast_in_dim3A_0 : vector<16xf32> to vector<1x16xf32>
    tpu.vector_store %arg8[%swap3A_103, %swap3A_104], %swap3A_107 {strides = array<i32>} : memref<16x64xf32, #tpu.memory_space<vmem>>, vector<1x16xf32>,
    %swap3A_108 = arith.constant 4 : i32
    %swap3A_109 = arith.index_cast %swap3A_108 : i32 to index
    %swap3A_110 = arith.constant 32 : index
    %swap3A_111 = tpu.vector_load %arg8[%swap3A_109, %swap3A_110] {strides = array<i32>} : memref<16x64xf32, #tpu.memory_space<vmem>>, vector<1x16xf32>,
    %swap3A_112 = vector.shape_cast %swap3A_111 : vector<1x16xf32> to vector<16xf32>
    %swap3A_113 = vector.shape_cast %broadcast_in_dim3A_0 : vector<16xf32> to vector<1x16xf32>
    tpu.vector_store %arg8[%swap3A_109, %swap3A_110], %swap3A_113 {strides = array<i32>} : memref<16x64xf32, #tpu.memory_space<vmem>>, vector<1x16xf32>,
    %swap3A_114 = arith.constant 4 : i32
    %swap3A_115 = arith.index_cast %swap3A_114 : i32 to index
    %swap3A_116 = arith.constant 48 : index
    %swap3A_117 = tpu.vector_load %arg8[%swap3A_115, %swap3A_116] {strides = array<i32>} : memref<16x64xf32, #tpu.memory_space<vmem>>, vector<1x16xf32>,
    %swap3A_118 = vector.shape_cast %swap3A_117 : vector<1x16xf32> to vector<16xf32>
    %swap3A_119 = vector.shape_cast %broadcast_in_dim3A_0 : vector<16xf32> to vector<1x16xf32>
    tpu.vector_store %arg8[%swap3A_115, %swap3A_116], %swap3A_119 {strides = array<i32>} : memref<16x64xf32, #tpu.memory_space<vmem>>, vector<1x16xf32>,
    %swap3A_120 = arith.constant 5 : i32
    %swap3A_121 = arith.index_cast %swap3A_120 : i32 to index
    %swap3A_122 = arith.constant 0 : index
    %swap3A_123 = tpu.vector_load %arg8[%swap3A_121, %swap3A_122] {strides = array<i32>} : memref<16x64xf32, #tpu.memory_space<vmem>>, vector<1x16xf32>,
    %swap3A_124 = vector.shape_cast %swap3A_123 : vector<1x16xf32> to vector<16xf32>
    %swap3A_125 = vector.shape_cast %broadcast_in_dim3A_0 : vector<16xf32> to vector<1x16xf32>
    tpu.vector_store %arg8[%swap3A_121, %swap3A_122], %swap3A_125 {strides = array<i32>} : memref<16x64xf32, #tpu.memory_space<vmem>>, vector<1x16xf32>,
    %swap3A_126 = arith.constant 5 : i32
    %swap3A_127 = arith.index_cast %swap3A_126 : i32 to index
    %swap3A_128 = arith.constant 16 : index
    %swap3A_129 = tpu.vector_load %arg8[%swap3A_127, %swap3A_128] {strides = array<i32>} : memref<16x64xf32, #tpu.memory_space<vmem>>, vector<1x16xf32>,
    %swap3A_130 = vector.shape_cast %swap3A_129 : vector<1x16xf32> to vector<16xf32>
    %swap3A_131 = vector.shape_cast %broadcast_in_dim3A_0 : vector<16xf32> to vector<1x16xf32>
    tpu.vector_store %arg8[%swap3A_127, %swap3A_128], %swap3A_131 {strides = array<i32>} : memref<16x64xf32, #tpu.memory_space<vmem>>, vector<1x16xf32>,
    %swap3A_132 = arith.constant 5 : i32
    %swap3A_133 = arith.index_cast %swap3A_132 : i32 to index
    %swap3A_134 = arith.constant 32 : index
    %swap3A_135 = tpu.vector_load %arg8[%swap3A_133, %swap3A_134] {strides = array<i32>} : memref<16x64xf32, #tpu.memory_space<vmem>>, vector<1x16xf32>,
    %swap3A_136 = vector.shape_cast %swap3A_135 : vector<1x16xf32> to vector<16xf32>
    %swap3A_137 = vector.shape_cast %broadcast_in_dim3A_0 : vector<16xf32> to vector<1x16xf32>
    tpu.vector_store %arg8[%swap3A_133, %swap3A_134], %swap3A_137 {strides = array<i32>} : memref<16x64xf32, #tpu.memory_space<vmem>>, vector<1x16xf32>,
    %swap3A_138 = arith.constant 5 : i32
    %swap3A_139 = arith.index_cast %swap3A_138 : i32 to index
    %swap3A_140 = arith.constant 48 : index
    %swap3A_141 = tpu.vector_load %arg8[%swap3A_139, %swap3A_140] {strides = array<i32>} : memref<16x64xf32, #tpu.memory_space<vmem>>, vector<1x16xf32>,
    %swap3A_142 = vector.shape_cast %swap3A_141 : vector<1x16xf32> to vector<16xf32>
    %swap3A_143 = vector.shape_cast %broadcast_in_dim3A_0 : vector<16xf32> to vector<1x16xf32>
    tpu.vector_store %arg8[%swap3A_139, %swap3A_140], %swap3A_143 {strides = array<i32>} : memref<16x64xf32, #tpu.memory_space<vmem>>, vector<1x16xf32>,
    %swap3A_144 = arith.constant 6 : i32
    %swap3A_145 = arith.index_cast %swap3A_144 : i32 to index
    %swap3A_146 = arith.constant 0 : index
    %swap3A_147 = tpu.vector_load %arg8[%swap3A_145, %swap3A_146] {strides = array<i32>} : memref<16x64xf32, #tpu.memory_space<vmem>>, vector<1x16xf32>,
    %swap3A_148 = vector.shape_cast %swap3A_147 : vector<1x16xf32> to vector<16xf32>
    %swap3A_149 = vector.shape_cast %broadcast_in_dim3A_0 : vector<16xf32> to vector<1x16xf32>
    tpu.vector_store %arg8[%swap3A_145, %swap3A_146], %swap3A_149 {strides = array<i32>} : memref<16x64xf32, #tpu.memory_space<vmem>>, vector<1x16xf32>,
    %swap3A_150 = arith.constant 6 : i32
    %swap3A_151 = arith.index_cast %swap3A_150 : i32 to index
    %swap3A_152 = arith.constant 16 : index
    %swap3A_153 = tpu.vector_load %arg8[%swap3A_151, %swap3A_152] {strides = array<i32>} : memref<16x64xf32, #tpu.memory_space<vmem>>, vector<1x16xf32>,
    %swap3A_154 = vector.shape_cast %swap3A_153 : vector<1x16xf32> to vector<16xf32>
    %swap3A_155 = vector.shape_cast %broadcast_in_dim3A_0 : vector<16xf32> to vector<1x16xf32>
    tpu.vector_store %arg8[%swap3A_151, %swap3A_152], %swap3A_155 {strides = array<i32>} : memref<16x64xf32, #tpu.memory_space<vmem>>, vector<1x16xf32>,
    %swap3A_156 = arith.constant 6 : i32
    %swap3A_157 = arith.index_cast %swap3A_156 : i32 to index
    %swap3A_158 = arith.constant 32 : index
    %swap3A_159 = tpu.vector_load %arg8[%swap3A_157, %swap3A_158] {strides = array<i32>} : memref<16x64xf32, #tpu.memory_space<vmem>>, vector<1x16xf32>,
    %swap3A_160 = vector.shape_cast %swap3A_159 : vector<1x16xf32> to vector<16xf32>
    %swap3A_161 = vector.shape_cast %broadcast_in_dim3A_0 : vector<16xf32> to vector<1x16xf32>
    tpu.vector_store %arg8[%swap3A_157, %swap3A_158], %swap3A_161 {strides = array<i32>} : memref<16x64xf32, #tpu.memory_space<vmem>>, vector<1x16xf32>,
    %swap3A_162 = arith.constant 6 : i32
    %swap3A_163 = arith.index_cast %swap3A_162 : i32 to index
    %swap3A_164 = arith.constant 48 : index
    %swap3A_165 = tpu.vector_load %arg8[%swap3A_163, %swap3A_164] {strides = array<i32>} : memref<16x64xf32, #tpu.memory_space<vmem>>, vector<1x16xf32>,
    %swap3A_166 = vector.shape_cast %swap3A_165 : vector<1x16xf32> to vector<16xf32>
    %swap3A_167 = vector.shape_cast %broadcast_in_dim3A_0 : vector<16xf32> to vector<1x16xf32>
    tpu.vector_store %arg8[%swap3A_163, %swap3A_164], %swap3A_167 {strides = array<i32>} : memref<16x64xf32, #tpu.memory_space<vmem>>, vector<1x16xf32>,
    %swap3A_168 = arith.constant 7 : i32
    %swap3A_169 = arith.index_cast %swap3A_168 : i32 to index
    %swap3A_170 = arith.constant 0 : index
    %swap3A_171 = tpu.vector_load %arg8[%swap3A_169, %swap3A_170] {strides = array<i32>} : memref<16x64xf32, #tpu.memory_space<vmem>>, vector<1x16xf32>,
    %swap3A_172 = vector.shape_cast %swap3A_171 : vector<1x16xf32> to vector<16xf32>
    %swap3A_173 = vector.shape_cast %broadcast_in_dim3A_0 : vector<16xf32> to vector<1x16xf32>
    tpu.vector_store %arg8[%swap3A_169, %swap3A_170], %swap3A_173 {strides = array<i32>} : memref<16x64xf32, #tpu.memory_space<vmem>>, vector<1x16xf32>,
    %swap3A_174 = arith.constant 7 : i32
    %swap3A_175 = arith.index_cast %swap3A_174 : i32 to index
    %swap3A_176 = arith.constant 16 : index
    %swap3A_177 = tpu.vector_load %arg8[%swap3A_175, %swap3A_176] {strides = array<i32>} : memref<16x64xf32, #tpu.memory_space<vmem>>, vector<1x16xf32>,
    %swap3A_178 = vector.shape_cast %swap3A_177 : vector<1x16xf32> to vector<16xf32>
    %swap3A_179 = vector.shape_cast %broadcast_in_dim3A_0 : vector<16xf32> to vector<1x16xf32>
    tpu.vector_store %arg8[%swap3A_175, %swap3A_176], %swap3A_179 {strides = array<i32>} : memref<16x64xf32, #tpu.memory_space<vmem>>, vector<1x16xf32>,
    %swap3A_180 = arith.constant 7 : i32
    %swap3A_181 = arith.index_cast %swap3A_180 : i32 to index
    %swap3A_182 = arith.constant 32 : index
    %swap3A_183 = tpu.vector_load %arg8[%swap3A_181, %swap3A_182] {strides = array<i32>} : memref<16x64xf32, #tpu.memory_space<vmem>>, vector<1x16xf32>,
    %swap3A_184 = vector.shape_cast %swap3A_183 : vector<1x16xf32> to vector<16xf32>
    %swap3A_185 = vector.shape_cast %broadcast_in_dim3A_0 : vector<16xf32> to vector<1x16xf32>
    tpu.vector_store %arg8[%swap3A_181, %swap3A_182], %swap3A_185 {strides = array<i32>} : memref<16x64xf32, #tpu.memory_space<vmem>>, vector<1x16xf32>,
    %swap3A_186 = arith.constant 7 : i32
    %swap3A_187 = arith.index_cast %swap3A_186 : i32 to index
    %swap3A_188 = arith.constant 48 : index
    %swap3A_189 = tpu.vector_load %arg8[%swap3A_187, %swap3A_188] {strides = array<i32>} : memref<16x64xf32, #tpu.memory_space<vmem>>, vector<1x16xf32>,
    %swap3A_190 = vector.shape_cast %swap3A_189 : vector<1x16xf32> to vector<16xf32>
    %swap3A_191 = vector.shape_cast %broadcast_in_dim3A_0 : vector<16xf32> to vector<1x16xf32>
    tpu.vector_store %arg8[%swap3A_187, %swap3A_188], %swap3A_191 {strides = array<i32>} : memref<16x64xf32, #tpu.memory_space<vmem>>, vector<1x16xf32>,
    %swap3A_192 = arith.constant 8 : i32
    %swap3A_193 = arith.index_cast %swap3A_192 : i32 to index
    %swap3A_194 = arith.constant 0 : index
    %swap3A_195 = tpu.vector_load %arg8[%swap3A_193, %swap3A_194] {strides = array<i32>} : memref<16x64xf32, #tpu.memory_space<vmem>>, vector<1x16xf32>,
    %swap3A_196 = vector.shape_cast %swap3A_195 : vector<1x16xf32> to vector<16xf32>
    %swap3A_197 = vector.shape_cast %broadcast_in_dim3A_0 : vector<16xf32> to vector<1x16xf32>
    tpu.vector_store %arg8[%swap3A_193, %swap3A_194], %swap3A_197 {strides = array<i32>} : memref<16x64xf32, #tpu.memory_space<vmem>>, vector<1x16xf32>,
    %swap3A_198 = arith.constant 8 : i32
    %swap3A_199 = arith.index_cast %swap3A_198 : i32 to index
    %swap3A_200 = arith.constant 16 : index
    %swap3A_201 = tpu.vector_load %arg8[%swap3A_199, %swap3A_200] {strides = array<i32>} : memref<16x64xf32, #tpu.memory_space<vmem>>, vector<1x16xf32>,
    %swap3A_202 = vector.shape_cast %swap3A_201 : vector<1x16xf32> to vector<16xf32>
    %swap3A_203 = vector.shape_cast %broadcast_in_dim3A_0 : vector<16xf32> to vector<1x16xf32>
    tpu.vector_store %arg8[%swap3A_199, %swap3A_200], %swap3A_203 {strides = array<i32>} : memref<16x64xf32, #tpu.memory_space<vmem>>, vector<1x16xf32>,
    %swap3A_204 = arith.constant 8 : i32
    %swap3A_205 = arith.index_cast %swap3A_204 : i32 to index
    %swap3A_206 = arith.constant 32 : index
    %swap3A_207 = tpu.vector_load %arg8[%swap3A_205, %swap3A_206] {strides = array<i32>} : memref<16x64xf32, #tpu.memory_space<vmem>>, vector<1x16xf32>,
    %swap3A_208 = vector.shape_cast %swap3A_207 : vector<1x16xf32> to vector<16xf32>
    %swap3A_209 = vector.shape_cast %broadcast_in_dim3A_0 : vector<16xf32> to vector<1x16xf32>
    tpu.vector_store %arg8[%swap3A_205, %swap3A_206], %swap3A_209 {strides = array<i32>} : memref<16x64xf32, #tpu.memory_space<vmem>>, vector<1x16xf32>,
    %swap3A_210 = arith.constant 8 : i32
    %swap3A_211 = arith.index_cast %swap3A_210 : i32 to index
    %swap3A_212 = arith.constant 48 : index
    %swap3A_213 = tpu.vector_load %arg8[%swap3A_211, %swap3A_212] {strides = array<i32>} : memref<16x64xf32, #tpu.memory_space<vmem>>, vector<1x16xf32>,
    %swap3A_214 = vector.shape_cast %swap3A_213 : vector<1x16xf32> to vector<16xf32>
    %swap3A_215 = vector.shape_cast %broadcast_in_dim3A_0 : vector<16xf32> to vector<1x16xf32>
    tpu.vector_store %arg8[%swap3A_211, %swap3A_212], %swap3A_215 {strides = array<i32>} : memref<16x64xf32, #tpu.memory_space<vmem>>, vector<1x16xf32>,
    %swap3A_216 = arith.constant 9 : i32
    %swap3A_217 = arith.index_cast %swap3A_216 : i32 to index
    %swap3A_218 = arith.constant 0 : index
    %swap3A_219 = tpu.vector_load %arg8[%swap3A_217, %swap3A_218] {strides = array<i32>} : memref<16x64xf32, #tpu.memory_space<vmem>>, vector<1x16xf32>,
    %swap3A_220 = vector.shape_cast %swap3A_219 : vector<1x16xf32> to vector<16xf32>
    %swap3A_221 = vector.shape_cast %broadcast_in_dim3A_0 : vector<16xf32> to vector<1x16xf32>
    tpu.vector_store %arg8[%swap3A_217, %swap3A_218], %swap3A_221 {strides = array<i32>} : memref<16x64xf32, #tpu.memory_space<vmem>>, vector<1x16xf32>,
    %swap3A_222 = arith.constant 9 : i32
    %swap3A_223 = arith.index_cast %swap3A_222 : i32 to index
    %swap3A_224 = arith.constant 16 : index
    %swap3A_225 = tpu.vector_load %arg8[%swap3A_223, %swap3A_224] {strides = array<i32>} : memref<16x64xf32, #tpu.memory_space<vmem>>, vector<1x16xf32>,
    %swap3A_226 = vector.shape_cast %swap3A_225 : vector<1x16xf32> to vector<16xf32>
    %swap3A_227 = vector.shape_cast %broadcast_in_dim3A_0 : vector<16xf32> to vector<1x16xf32>
    tpu.vector_store %arg8[%swap3A_223, %swap3A_224], %swap3A_227 {strides = array<i32>} : memref<16x64xf32, #tpu.memory_space<vmem>>, vector<1x16xf32>,
    %swap3A_228 = arith.constant 9 : i32
    %swap3A_229 = arith.index_cast %swap3A_228 : i32 to index
    %swap3A_230 = arith.constant 32 : index
    %swap3A_231 = tpu.vector_load %arg8[%swap3A_229, %swap3A_230] {strides = array<i32>} : memref<16x64xf32, #tpu.memory_space<vmem>>, vector<1x16xf32>,
    %swap3A_232 = vector.shape_cast %swap3A_231 : vector<1x16xf32> to vector<16xf32>
    %swap3A_233 = vector.shape_cast %broadcast_in_dim3A_0 : vector<16xf32> to vector<1x16xf32>
    tpu.vector_store %arg8[%swap3A_229, %swap3A_230], %swap3A_233 {strides = array<i32>} : memref<16x64xf32, #tpu.memory_space<vmem>>, vector<1x16xf32>,
    %swap3A_234 = arith.constant 9 : i32
    %swap3A_235 = arith.index_cast %swap3A_234 : i32 to index
    %swap3A_236 = arith.constant 48 : index
    %swap3A_237 = tpu.vector_load %arg8[%swap3A_235, %swap3A_236] {strides = array<i32>} : memref<16x64xf32, #tpu.memory_space<vmem>>, vector<1x16xf32>,
    %swap3A_238 = vector.shape_cast %swap3A_237 : vector<1x16xf32> to vector<16xf32>
    %swap3A_239 = vector.shape_cast %broadcast_in_dim3A_0 : vector<16xf32> to vector<1x16xf32>
    tpu.vector_store %arg8[%swap3A_235, %swap3A_236], %swap3A_239 {strides = array<i32>} : memref<16x64xf32, #tpu.memory_space<vmem>>, vector<1x16xf32>,
    %swap3A_240 = arith.constant 10 : i32
    %swap3A_241 = arith.index_cast %swap3A_240 : i32 to index
    %swap3A_242 = arith.constant 0 : index
    %swap3A_243 = tpu.vector_load %arg8[%swap3A_241, %swap3A_242] {strides = array<i32>} : memref<16x64xf32, #tpu.memory_space<vmem>>, vector<1x16xf32>,
    %swap3A_244 = vector.shape_cast %swap3A_243 : vector<1x16xf32> to vector<16xf32>
    %swap3A_245 = vector.shape_cast %broadcast_in_dim3A_0 : vector<16xf32> to vector<1x16xf32>
    tpu.vector_store %arg8[%swap3A_241, %swap3A_242], %swap3A_245 {strides = array<i32>} : memref<16x64xf32, #tpu.memory_space<vmem>>, vector<1x16xf32>,
    %swap3A_246 = arith.constant 10 : i32
    %swap3A_247 = arith.index_cast %swap3A_246 : i32 to index
    %swap3A_248 = arith.constant 16 : index
    %swap3A_249 = tpu.vector_load %arg8[%swap3A_247, %swap3A_248] {strides = array<i32>} : memref<16x64xf32, #tpu.memory_space<vmem>>, vector<1x16xf32>,
    %swap3A_250 = vector.shape_cast %swap3A_249 : vector<1x16xf32> to vector<16xf32>
    %swap3A_251 = vector.shape_cast %broadcast_in_dim3A_0 : vector<16xf32> to vector<1x16xf32>
    tpu.vector_store %arg8[%swap3A_247, %swap3A_248], %swap3A_251 {strides = array<i32>} : memref<16x64xf32, #tpu.memory_space<vmem>>, vector<1x16xf32>,
    %swap3A_252 = arith.constant 10 : i32
    %swap3A_253 = arith.index_cast %swap3A_252 : i32 to index
    %swap3A_254 = arith.constant 32 : index
    %swap3A_255 = tpu.vector_load %arg8[%swap3A_253, %swap3A_254] {strides = array<i32>} : memref<16x64xf32, #tpu.memory_space<vmem>>, vector<1x16xf32>,
    %swap3A_256 = vector.shape_cast %swap3A_255 : vector<1x16xf32> to vector<16xf32>
    %swap3A_257 = vector.shape_cast %broadcast_in_dim3A_0 : vector<16xf32> to vector<1x16xf32>
    tpu.vector_store %arg8[%swap3A_253, %swap3A_254], %swap3A_257 {strides = array<i32>} : memref<16x64xf32, #tpu.memory_space<vmem>>, vector<1x16xf32>,
    %swap3A_258 = arith.constant 10 : i32
    %swap3A_259 = arith.index_cast %swap3A_258 : i32 to index
    %swap3A_260 = arith.constant 48 : index
    %swap3A_261 = tpu.vector_load %arg8[%swap3A_259, %swap3A_260] {strides = array<i32>} : memref<16x64xf32, #tpu.memory_space<vmem>>, vector<1x16xf32>,
    %swap3A_262 = vector.shape_cast %swap3A_261 : vector<1x16xf32> to vector<16xf32>
    %swap3A_263 = vector.shape_cast %broadcast_in_dim3A_0 : vector<16xf32> to vector<1x16xf32>
    tpu.vector_store %arg8[%swap3A_259, %swap3A_260], %swap3A_263 {strides = array<i32>} : memref<16x64xf32, #tpu.memory_space<vmem>>, vector<1x16xf32>,
    %swap3A_264 = arith.constant 11 : i32
    %swap3A_265 = arith.index_cast %swap3A_264 : i32 to index
    %swap3A_266 = arith.constant 0 : index
    %swap3A_267 = tpu.vector_load %arg8[%swap3A_265, %swap3A_266] {strides = array<i32>} : memref<16x64xf32, #tpu.memory_space<vmem>>, vector<1x16xf32>,
    %swap3A_268 = vector.shape_cast %swap3A_267 : vector<1x16xf32> to vector<16xf32>
    %swap3A_269 = vector.shape_cast %broadcast_in_dim3A_0 : vector<16xf32> to vector<1x16xf32>
    tpu.vector_store %arg8[%swap3A_265, %swap3A_266], %swap3A_269 {strides = array<i32>} : memref<16x64xf32, #tpu.memory_space<vmem>>, vector<1x16xf32>,
    %swap3A_270 = arith.constant 11 : i32
    %swap3A_271 = arith.index_cast %swap3A_270 : i32 to index
    %swap3A_272 = arith.constant 16 : index
    %swap3A_273 = tpu.vector_load %arg8[%swap3A_271, %swap3A_272] {strides = array<i32>} : memref<16x64xf32, #tpu.memory_space<vmem>>, vector<1x16xf32>,
    %swap3A_274 = vector.shape_cast %swap3A_273 : vector<1x16xf32> to vector<16xf32>
    %swap3A_275 = vector.shape_cast %broadcast_in_dim3A_0 : vector<16xf32> to vector<1x16xf32>
    tpu.vector_store %arg8[%swap3A_271, %swap3A_272], %swap3A_275 {strides = array<i32>} : memref<16x64xf32, #tpu.memory_space<vmem>>, vector<1x16xf32>,
    %swap3A_276 = arith.constant 11 : i32
    %swap3A_277 = arith.index_cast %swap3A_276 : i32 to index
    %swap3A_278 = arith.constant 32 : index
    %swap3A_279 = tpu.vector_load %arg8[%swap3A_277, %swap3A_278] {strides = array<i32>} : memref<16x64xf32, #tpu.memory_space<vmem>>, vector<1x16xf32>,
    %swap3A_280 = vector.shape_cast %swap3A_279 : vector<1x16xf32> to vector<16xf32>
    %swap3A_281 = vector.shape_cast %broadcast_in_dim3A_0 : vector<16xf32> to vector<1x16xf32>
    tpu.vector_store %arg8[%swap3A_277, %swap3A_278], %swap3A_281 {strides = array<i32>} : memref<16x64xf32, #tpu.memory_space<vmem>>, vector<1x16xf32>,
    %swap3A_282 = arith.constant 11 : i32
    %swap3A_283 = arith.index_cast %swap3A_282 : i32 to index
    %swap3A_284 = arith.constant 48 : index
    %swap3A_285 = tpu.vector_load %arg8[%swap3A_283, %swap3A_284] {strides = array<i32>} : memref<16x64xf32, #tpu.memory_space<vmem>>, vector<1x16xf32>,
    %swap3A_286 = vector.shape_cast %swap3A_285 : vector<1x16xf32> to vector<16xf32>
    %swap3A_287 = vector.shape_cast %broadcast_in_dim3A_0 : vector<16xf32> to vector<1x16xf32>
    tpu.vector_store %arg8[%swap3A_283, %swap3A_284], %swap3A_287 {strides = array<i32>} : memref<16x64xf32, #tpu.memory_space<vmem>>, vector<1x16xf32>,
    %swap3A_288 = arith.constant 12 : i32
    %swap3A_289 = arith.index_cast %swap3A_288 : i32 to index
    %swap3A_290 = arith.constant 0 : index
    %swap3A_291 = tpu.vector_load %arg8[%swap3A_289, %swap3A_290] {strides = array<i32>} : memref<16x64xf32, #tpu.memory_space<vmem>>, vector<1x16xf32>,
    %swap3A_292 = vector.shape_cast %swap3A_291 : vector<1x16xf32> to vector<16xf32>
    %swap3A_293 = vector.shape_cast %broadcast_in_dim3A_0 : vector<16xf32> to vector<1x16xf32>
    tpu.vector_store %arg8[%swap3A_289, %swap3A_290], %swap3A_293 {strides = array<i32>} : memref<16x64xf32, #tpu.memory_space<vmem>>, vector<1x16xf32>,
    %swap3A_294 = arith.constant 12 : i32
    %swap3A_295 = arith.index_cast %swap3A_294 : i32 to index
    %swap3A_296 = arith.constant 16 : index
    %swap3A_297 = tpu.vector_load %arg8[%swap3A_295, %swap3A_296] {strides = array<i32>} : memref<16x64xf32, #tpu.memory_space<vmem>>, vector<1x16xf32>,
    %swap3A_298 = vector.shape_cast %swap3A_297 : vector<1x16xf32> to vector<16xf32>
    %swap3A_299 = vector.shape_cast %broadcast_in_dim3A_0 : vector<16xf32> to vector<1x16xf32>
    tpu.vector_store %arg8[%swap3A_295, %swap3A_296], %swap3A_299 {strides = array<i32>} : memref<16x64xf32, #tpu.memory_space<vmem>>, vector<1x16xf32>,
    %swap3A_300 = arith.constant 12 : i32
    %swap3A_301 = arith.index_cast %swap3A_300 : i32 to index
    %swap3A_302 = arith.constant 32 : index
    %swap3A_303 = tpu.vector_load %arg8[%swap3A_301, %swap3A_302] {strides = array<i32>} : memref<16x64xf32, #tpu.memory_space<vmem>>, vector<1x16xf32>,
    %swap3A_304 = vector.shape_cast %swap3A_303 : vector<1x16xf32> to vector<16xf32>
    %swap3A_305 = vector.shape_cast %broadcast_in_dim3A_0 : vector<16xf32> to vector<1x16xf32>
    tpu.vector_store %arg8[%swap3A_301, %swap3A_302], %swap3A_305 {strides = array<i32>} : memref<16x64xf32, #tpu.memory_space<vmem>>, vector<1x16xf32>,
    %swap3A_306 = arith.constant 12 : i32
    %swap3A_307 = arith.index_cast %swap3A_306 : i32 to index
    %swap3A_308 = arith.constant 48 : index
    %swap3A_309 = tpu.vector_load %arg8[%swap3A_307, %swap3A_308] {strides = array<i32>} : memref<16x64xf32, #tpu.memory_space<vmem>>, vector<1x16xf32>,
    %swap3A_310 = vector.shape_cast %swap3A_309 : vector<1x16xf32> to vector<16xf32>
    %swap3A_311 = vector.shape_cast %broadcast_in_dim3A_0 : vector<16xf32> to vector<1x16xf32>
    tpu.vector_store %arg8[%swap3A_307, %swap3A_308], %swap3A_311 {strides = array<i32>} : memref<16x64xf32, #tpu.memory_space<vmem>>, vector<1x16xf32>,
    %swap3A_312 = arith.constant 13 : i32
    %swap3A_313 = arith.index_cast %swap3A_312 : i32 to index
    %swap3A_314 = arith.constant 0 : index
    %swap3A_315 = tpu.vector_load %arg8[%swap3A_313, %swap3A_314] {strides = array<i32>} : memref<16x64xf32, #tpu.memory_space<vmem>>, vector<1x16xf32>,
    %swap3A_316 = vector.shape_cast %swap3A_315 : vector<1x16xf32> to vector<16xf32>
    %swap3A_317 = vector.shape_cast %broadcast_in_dim3A_0 : vector<16xf32> to vector<1x16xf32>
    tpu.vector_store %arg8[%swap3A_313, %swap3A_314], %swap3A_317 {strides = array<i32>} : memref<16x64xf32, #tpu.memory_space<vmem>>, vector<1x16xf32>,
    %swap3A_318 = arith.constant 13 : i32
    %swap3A_319 = arith.index_cast %swap3A_318 : i32 to index
    %swap3A_320 = arith.constant 16 : index
    %swap3A_321 = tpu.vector_load %arg8[%swap3A_319, %swap3A_320] {strides = array<i32>} : memref<16x64xf32, #tpu.memory_space<vmem>>, vector<1x16xf32>,
    %swap3A_322 = vector.shape_cast %swap3A_321 : vector<1x16xf32> to vector<16xf32>
    %swap3A_323 = vector.shape_cast %broadcast_in_dim3A_0 : vector<16xf32> to vector<1x16xf32>
    tpu.vector_store %arg8[%swap3A_319, %swap3A_320], %swap3A_323 {strides = array<i32>} : memref<16x64xf32, #tpu.memory_space<vmem>>, vector<1x16xf32>,
    %swap3A_324 = arith.constant 13 : i32
    %swap3A_325 = arith.index_cast %swap3A_324 : i32 to index
    %swap3A_326 = arith.constant 32 : index
    %swap3A_327 = tpu.vector_load %arg8[%swap3A_325, %swap3A_326] {strides = array<i32>} : memref<16x64xf32, #tpu.memory_space<vmem>>, vector<1x16xf32>,
    %swap3A_328 = vector.shape_cast %swap3A_327 : vector<1x16xf32> to vector<16xf32>
    %swap3A_329 = vector.shape_cast %broadcast_in_dim3A_0 : vector<16xf32> to vector<1x16xf32>
    tpu.vector_store %arg8[%swap3A_325, %swap3A_326], %swap3A_329 {strides = array<i32>} : memref<16x64xf32, #tpu.memory_space<vmem>>, vector<1x16xf32>,
    %swap3A_330 = arith.constant 13 : i32
    %swap3A_331 = arith.index_cast %swap3A_330 : i32 to index
    %swap3A_332 = arith.constant 48 : index
    %swap3A_333 = tpu.vector_load %arg8[%swap3A_331, %swap3A_332] {strides = array<i32>} : memref<16x64xf32, #tpu.memory_space<vmem>>, vector<1x16xf32>,
    %swap3A_334 = vector.shape_cast %swap3A_333 : vector<1x16xf32> to vector<16xf32>
    %swap3A_335 = vector.shape_cast %broadcast_in_dim3A_0 : vector<16xf32> to vector<1x16xf32>
    tpu.vector_store %arg8[%swap3A_331, %swap3A_332], %swap3A_335 {strides = array<i32>} : memref<16x64xf32, #tpu.memory_space<vmem>>, vector<1x16xf32>,
    %swap3A_336 = arith.constant 14 : i32
    %swap3A_337 = arith.index_cast %swap3A_336 : i32 to index
    %swap3A_338 = arith.constant 0 : index
    %swap3A_339 = tpu.vector_load %arg8[%swap3A_337, %swap3A_338] {strides = array<i32>} : memref<16x64xf32, #tpu.memory_space<vmem>>, vector<1x16xf32>,
    %swap3A_340 = vector.shape_cast %swap3A_339 : vector<1x16xf32> to vector<16xf32>
    %swap3A_341 = vector.shape_cast %broadcast_in_dim3A_0 : vector<16xf32> to vector<1x16xf32>
    tpu.vector_store %arg8[%swap3A_337, %swap3A_338], %swap3A_341 {strides = array<i32>} : memref<16x64xf32, #tpu.memory_space<vmem>>, vector<1x16xf32>,
    %swap3A_342 = arith.constant 14 : i32
    %swap3A_343 = arith.index_cast %swap3A_342 : i32 to index
    %swap3A_344 = arith.constant 16 : index
    %swap3A_345 = tpu.vector_load %arg8[%swap3A_343, %swap3A_344] {strides = array<i32>} : memref<16x64xf32, #tpu.memory_space<vmem>>, vector<1x16xf32>,
    %swap3A_346 = vector.shape_cast %swap3A_345 : vector<1x16xf32> to vector<16xf32>
    %swap3A_347 = vector.shape_cast %broadcast_in_dim3A_0 : vector<16xf32> to vector<1x16xf32>
    tpu.vector_store %arg8[%swap3A_343, %swap3A_344], %swap3A_347 {strides = array<i32>} : memref<16x64xf32, #tpu.memory_space<vmem>>, vector<1x16xf32>,
    %swap3A_348 = arith.constant 14 : i32
    %swap3A_349 = arith.index_cast %swap3A_348 : i32 to index
    %swap3A_350 = arith.constant 32 : index
    %swap3A_351 = tpu.vector_load %arg8[%swap3A_349, %swap3A_350] {strides = array<i32>} : memref<16x64xf32, #tpu.memory_space<vmem>>, vector<1x16xf32>,
    %swap3A_352 = vector.shape_cast %swap3A_351 : vector<1x16xf32> to vector<16xf32>
    %swap3A_353 = vector.shape_cast %broadcast_in_dim3A_0 : vector<16xf32> to vector<1x16xf32>
    tpu.vector_store %arg8[%swap3A_349, %swap3A_350], %swap3A_353 {strides = array<i32>} : memref<16x64xf32, #tpu.memory_space<vmem>>, vector<1x16xf32>,
    %swap3A_354 = arith.constant 14 : i32
    %swap3A_355 = arith.index_cast %swap3A_354 : i32 to index
    %swap3A_356 = arith.constant 48 : index
    %swap3A_357 = tpu.vector_load %arg8[%swap3A_355, %swap3A_356] {strides = array<i32>} : memref<16x64xf32, #tpu.memory_space<vmem>>, vector<1x16xf32>,
    %swap3A_358 = vector.shape_cast %swap3A_357 : vector<1x16xf32> to vector<16xf32>
    %swap3A_359 = vector.shape_cast %broadcast_in_dim3A_0 : vector<16xf32> to vector<1x16xf32>
    tpu.vector_store %arg8[%swap3A_355, %swap3A_356], %swap3A_359 {strides = array<i32>} : memref<16x64xf32, #tpu.memory_space<vmem>>, vector<1x16xf32>,
    %swap3A_360 = arith.constant 15 : i32
    %swap3A_361 = arith.index_cast %swap3A_360 : i32 to index
    %swap3A_362 = arith.constant 0 : index
    %swap3A_363 = tpu.vector_load %arg8[%swap3A_361, %swap3A_362] {strides = array<i32>} : memref<16x64xf32, #tpu.memory_space<vmem>>, vector<1x16xf32>,
    %swap3A_364 = vector.shape_cast %swap3A_363 : vector<1x16xf32> to vector<16xf32>
    %swap3A_365 = vector.shape_cast %broadcast_in_dim3A_0 : vector<16xf32> to vector<1x16xf32>
    tpu.vector_store %arg8[%swap3A_361, %swap3A_362], %swap3A_365 {strides = array<i32>} : memref<16x64xf32, #tpu.memory_space<vmem>>, vector<1x16xf32>,
    %swap3A_366 = arith.constant 15 : i32
    %swap3A_367 = arith.index_cast %swap3A_366 : i32 to index
    %swap3A_368 = arith.constant 16 : index
    %swap3A_369 = tpu.vector_load %arg8[%swap3A_367, %swap3A_368] {strides = array<i32>} : memref<16x64xf32, #tpu.memory_space<vmem>>, vector<1x16xf32>,
    %swap3A_370 = vector.shape_cast %swap3A_369 : vector<1x16xf32> to vector<16xf32>
    %swap3A_371 = vector.shape_cast %broadcast_in_dim3A_0 : vector<16xf32> to vector<1x16xf32>
    tpu.vector_store %arg8[%swap3A_367, %swap3A_368], %swap3A_371 {strides = array<i32>} : memref<16x64xf32, #tpu.memory_space<vmem>>, vector<1x16xf32>,
    %swap3A_372 = arith.constant 15 : i32
    %swap3A_373 = arith.index_cast %swap3A_372 : i32 to index
    %swap3A_374 = arith.constant 32 : index
    %swap3A_375 = tpu.vector_load %arg8[%swap3A_373, %swap3A_374] {strides = array<i32>} : memref<16x64xf32, #tpu.memory_space<vmem>>, vector<1x16xf32>,
    %swap3A_376 = vector.shape_cast %swap3A_375 : vector<1x16xf32> to vector<16xf32>
    %swap3A_377 = vector.shape_cast %broadcast_in_dim3A_0 : vector<16xf32> to vector<1x16xf32>
    tpu.vector_store %arg8[%swap3A_373, %swap3A_374], %swap3A_377 {strides = array<i32>} : memref<16x64xf32, #tpu.memory_space<vmem>>, vector<1x16xf32>,
    %swap3A_378 = arith.constant 15 : i32
    %swap3A_379 = arith.index_cast %swap3A_378 : i32 to index
    %swap3A_380 = arith.constant 48 : index
    %swap3A_381 = tpu.vector_load %arg8[%swap3A_379, %swap3A_380] {strides = array<i32>} : memref<16x64xf32, #tpu.memory_space<vmem>>, vector<1x16xf32>,
    %swap3A_382 = vector.shape_cast %swap3A_381 : vector<1x16xf32> to vector<16xf32>
    %swap3A_383 = vector.shape_cast %broadcast_in_dim3A_0 : vector<16xf32> to vector<1x16xf32>
    tpu.vector_store %arg8[%swap3A_379, %swap3A_380], %swap3A_383 {strides = array<i32>} : memref<16x64xf32, #tpu.memory_space<vmem>>, vector<1x16xf32>,
    %mul3A = arith.constant 640 : i32
    %mul3A_384 = arith.muli %arg1, %mul3A : i32
    %add3A = arith.constant 0 : i32
    %add3A_385 = arith.addi %mul3A_384, %add3A : i32
    "tpu.region"() ({
      %run_scoped3A_526 = tpu.sem_alloc : memref<!tpu.dma_semaphore, #tpu.memory_space<semaphore_mem>>
      %dma_start3A_527 = arith.constant 0 : i32
      %dma_start3A_528 = tpu.memref_slice %arg9[%add3A_385, %dma_start3A_527] : memref<10240x64xf32, #tpu.memory_space<vmem_shared>> -> memref<16x64xf32, #tpu.memory_space<vmem_shared>>
      %dma_start3A_529 = arith.constant 0 : i32
      %dma_start3A_530 = tpu.memref_slice %arg9[%add3A_385, %dma_start3A_529] : memref<10240x64xf32, #tpu.memory_space<vmem_shared>> -> memref<16x64xf32, #tpu.memory_space<vmem_shared>>
      tpu.enqueue_dma source(%arg8 : memref<16x64xf32, #tpu.memory_space<vmem>>) target(%dma_start3A_530 : memref<16x64xf32, #tpu.memory_space<vmem_shared>>) target_semaphore(%run_scoped3A_526 : memref<!tpu.dma_semaphore, #tpu.memory_space<semaphore_mem>>)
      %dma_wait3A = arith.constant 0 : i32
      %dma_wait3A_531 = tpu.memref_slice %arg9[%add3A_385, %dma_wait3A] : memref<10240x64xf32, #tpu.memory_space<vmem_shared>> -> memref<16x64xf32, #tpu.memory_space<vmem_shared>>
      %dma_wait3A_532 = arith.constant 0 : i32
      %dma_wait3A_533 = tpu.memref_slice %arg9[%add3A_385, %dma_wait3A_532] : memref<10240x64xf32, #tpu.memory_space<vmem_shared>> -> memref<16x64xf32, #tpu.memory_space<vmem_shared>>
      tpu.wait_dma2 semaphore(%run_scoped3A_526 : memref<!tpu.dma_semaphore, #tpu.memory_space<semaphore_mem>>) src(%arg8 : memref<16x64xf32, #tpu.memory_space<vmem>>) dst(%dma_wait3A_533 : memref<16x64xf32, #tpu.memory_space<vmem_shared>>)
      tpu.yield
    }) : () -> ()
    %add3A_386 = arith.constant 16 : i32
    %add3A_387 = arith.addi %mul3A_384, %add3A_386 : i32
    "tpu.region"() ({
      %run_scoped3A_526 = tpu.sem_alloc : memref<!tpu.dma_semaphore, #tpu.memory_space<semaphore_mem>>
      %dma_start3A_527 = arith.constant 0 : i32
      %dma_start3A_528 = tpu.memref_slice %arg9[%add3A_387, %dma_start3A_527] : memref<10240x64xf32, #tpu.memory_space<vmem_shared>> -> memref<16x64xf32, #tpu.memory_space<vmem_shared>>
      %dma_start3A_529 = arith.constant 0 : i32
      %dma_start3A_530 = tpu.memref_slice %arg9[%add3A_387, %dma_start3A_529] : memref<10240x64xf32, #tpu.memory_space<vmem_shared>> -> memref<16x64xf32, #tpu.memory_space<vmem_shared>>
      tpu.enqueue_dma source(%arg8 : memref<16x64xf32, #tpu.memory_space<vmem>>) target(%dma_start3A_530 : memref<16x64xf32, #tpu.memory_space<vmem_shared>>) target_semaphore(%run_scoped3A_526 : memref<!tpu.dma_semaphore, #tpu.memory_space<semaphore_mem>>)
      %dma_wait3A = arith.constant 0 : i32
      %dma_wait3A_531 = tpu.memref_slice %arg9[%add3A_387, %dma_wait3A] : memref<10240x64xf32, #tpu.memory_space<vmem_shared>> -> memref<16x64xf32, #tpu.memory_space<vmem_shared>>
      %dma_wait3A_532 = arith.constant 0 : i32
      %dma_wait3A_533 = tpu.memref_slice %arg9[%add3A_387, %dma_wait3A_532] : memref<10240x64xf32, #tpu.memory_space<vmem_shared>> -> memref<16x64xf32, #tpu.memory_space<vmem_shared>>
      tpu.wait_dma2 semaphore(%run_scoped3A_526 : memref<!tpu.dma_semaphore, #tpu.memory_space<semaphore_mem>>) src(%arg8 : memref<16x64xf32, #tpu.memory_space<vmem>>) dst(%dma_wait3A_533 : memref<16x64xf32, #tpu.memory_space<vmem_shared>>)
      tpu.yield
    }) : () -> ()
    %add3A_388 = arith.constant 32 : i32
    %add3A_389 = arith.addi %mul3A_384, %add3A_388 : i32
    "tpu.region"() ({
      %run_scoped3A_526 = tpu.sem_alloc : memref<!tpu.dma_semaphore, #tpu.memory_space<semaphore_mem>>
      %dma_start3A_527 = arith.constant 0 : i32
      %dma_start3A_528 = tpu.memref_slice %arg9[%add3A_389, %dma_start3A_527] : memref<10240x64xf32, #tpu.memory_space<vmem_shared>> -> memref<16x64xf32, #tpu.memory_space<vmem_shared>>
      %dma_start3A_529 = arith.constant 0 : i32
      %dma_start3A_530 = tpu.memref_slice %arg9[%add3A_389, %dma_start3A_529] : memref<10240x64xf32, #tpu.memory_space<vmem_shared>> -> memref<16x64xf32, #tpu.memory_space<vmem_shared>>
      tpu.enqueue_dma source(%arg8 : memref<16x64xf32, #tpu.memory_space<vmem>>) target(%dma_start3A_530 : memref<16x64xf32, #tpu.memory_space<vmem_shared>>) target_semaphore(%run_scoped3A_526 : memref<!tpu.dma_semaphore, #tpu.memory_space<semaphore_mem>>)
      %dma_wait3A = arith.constant 0 : i32
      %dma_wait3A_531 = tpu.memref_slice %arg9[%add3A_389, %dma_wait3A] : memref<10240x64xf32, #tpu.memory_space<vmem_shared>> -> memref<16x64xf32, #tpu.memory_space<vmem_shared>>
      %dma_wait3A_532 = arith.constant 0 : i32
      %dma_wait3A_533 = tpu.memref_slice %arg9[%add3A_389, %dma_wait3A_532] : memref<10240x64xf32, #tpu.memory_space<vmem_shared>> -> memref<16x64xf32, #tpu.memory_space<vmem_shared>>
      tpu.wait_dma2 semaphore(%run_scoped3A_526 : memref<!tpu.dma_semaphore, #tpu.memory_space<semaphore_mem>>) src(%arg8 : memref<16x64xf32, #tpu.memory_space<vmem>>) dst(%dma_wait3A_533 : memref<16x64xf32, #tpu.memory_space<vmem_shared>>)
      tpu.yield
    }) : () -> ()
    %add3A_390 = arith.constant 48 : i32
    %add3A_391 = arith.addi %mul3A_384, %add3A_390 : i32
    "tpu.region"() ({
      %run_scoped3A_526 = tpu.sem_alloc : memref<!tpu.dma_semaphore, #tpu.memory_space<semaphore_mem>>
      %dma_start3A_527 = arith.constant 0 : i32
      %dma_start3A_528 = tpu.memref_slice %arg9[%add3A_391, %dma_start3A_527] : memref<10240x64xf32, #tpu.memory_space<vmem_shared>> -> memref<16x64xf32, #tpu.memory_space<vmem_shared>>
      %dma_start3A_529 = arith.constant 0 : i32
      %dma_start3A_530 = tpu.memref_slice %arg9[%add3A_391, %dma_start3A_529] : memref<10240x64xf32, #tpu.memory_space<vmem_shared>> -> memref<16x64xf32, #tpu.memory_space<vmem_shared>>
      tpu.enqueue_dma source(%arg8 : memref<16x64xf32, #tpu.memory_space<vmem>>) target(%dma_start3A_530 : memref<16x64xf32, #tpu.memory_space<vmem_shared>>) target_semaphore(%run_scoped3A_526 : memref<!tpu.dma_semaphore, #tpu.memory_space<semaphore_mem>>)
      %dma_wait3A = arith.constant 0 : i32
      %dma_wait3A_531 = tpu.memref_slice %arg9[%add3A_391, %dma_wait3A] : memref<10240x64xf32, #tpu.memory_space<vmem_shared>> -> memref<16x64xf32, #tpu.memory_space<vmem_shared>>
      %dma_wait3A_532 = arith.constant 0 : i32
      %dma_wait3A_533 = tpu.memref_slice %arg9[%add3A_391, %dma_wait3A_532] : memref<10240x64xf32, #tpu.memory_space<vmem_shared>> -> memref<16x64xf32, #tpu.memory_space<vmem_shared>>
      tpu.wait_dma2 semaphore(%run_scoped3A_526 : memref<!tpu.dma_semaphore, #tpu.memory_space<semaphore_mem>>) src(%arg8 : memref<16x64xf32, #tpu.memory_space<vmem>>) dst(%dma_wait3A_533 : memref<16x64xf32, #tpu.memory_space<vmem_shared>>)
      tpu.yield
    }) : () -> ()
    %add3A_392 = arith.constant 64 : i32
    %add3A_393 = arith.addi %mul3A_384, %add3A_392 : i32
    "tpu.region"() ({
      %run_scoped3A_526 = tpu.sem_alloc : memref<!tpu.dma_semaphore, #tpu.memory_space<semaphore_mem>>
      %dma_start3A_527 = arith.constant 0 : i32
      %dma_start3A_528 = tpu.memref_slice %arg9[%add3A_393, %dma_start3A_527] : memref<10240x64xf32, #tpu.memory_space<vmem_shared>> -> memref<16x64xf32, #tpu.memory_space<vmem_shared>>
      %dma_start3A_529 = arith.constant 0 : i32
      %dma_start3A_530 = tpu.memref_slice %arg9[%add3A_393, %dma_start3A_529] : memref<10240x64xf32, #tpu.memory_space<vmem_shared>> -> memref<16x64xf32, #tpu.memory_space<vmem_shared>>
      tpu.enqueue_dma source(%arg8 : memref<16x64xf32, #tpu.memory_space<vmem>>) target(%dma_start3A_530 : memref<16x64xf32, #tpu.memory_space<vmem_shared>>) target_semaphore(%run_scoped3A_526 : memref<!tpu.dma_semaphore, #tpu.memory_space<semaphore_mem>>)
      %dma_wait3A = arith.constant 0 : i32
      %dma_wait3A_531 = tpu.memref_slice %arg9[%add3A_393, %dma_wait3A] : memref<10240x64xf32, #tpu.memory_space<vmem_shared>> -> memref<16x64xf32, #tpu.memory_space<vmem_shared>>
      %dma_wait3A_532 = arith.constant 0 : i32
      %dma_wait3A_533 = tpu.memref_slice %arg9[%add3A_393, %dma_wait3A_532] : memref<10240x64xf32, #tpu.memory_space<vmem_shared>> -> memref<16x64xf32, #tpu.memory_space<vmem_shared>>
      tpu.wait_dma2 semaphore(%run_scoped3A_526 : memref<!tpu.dma_semaphore, #tpu.memory_space<semaphore_mem>>) src(%arg8 : memref<16x64xf32, #tpu.memory_space<vmem>>) dst(%dma_wait3A_533 : memref<16x64xf32, #tpu.memory_space<vmem_shared>>)
      tpu.yield
    }) : () -> ()
    %add3A_394 = arith.constant 80 : i32
    %add3A_395 = arith.addi %mul3A_384, %add3A_394 : i32
    "tpu.region"() ({
      %run_scoped3A_526 = tpu.sem_alloc : memref<!tpu.dma_semaphore, #tpu.memory_space<semaphore_mem>>
      %dma_start3A_527 = arith.constant 0 : i32
      %dma_start3A_528 = tpu.memref_slice %arg9[%add3A_395, %dma_start3A_527] : memref<10240x64xf32, #tpu.memory_space<vmem_shared>> -> memref<16x64xf32, #tpu.memory_space<vmem_shared>>
      %dma_start3A_529 = arith.constant 0 : i32
      %dma_start3A_530 = tpu.memref_slice %arg9[%add3A_395, %dma_start3A_529] : memref<10240x64xf32, #tpu.memory_space<vmem_shared>> -> memref<16x64xf32, #tpu.memory_space<vmem_shared>>
      tpu.enqueue_dma source(%arg8 : memref<16x64xf32, #tpu.memory_space<vmem>>) target(%dma_start3A_530 : memref<16x64xf32, #tpu.memory_space<vmem_shared>>) target_semaphore(%run_scoped3A_526 : memref<!tpu.dma_semaphore, #tpu.memory_space<semaphore_mem>>)
      %dma_wait3A = arith.constant 0 : i32
      %dma_wait3A_531 = tpu.memref_slice %arg9[%add3A_395, %dma_wait3A] : memref<10240x64xf32, #tpu.memory_space<vmem_shared>> -> memref<16x64xf32, #tpu.memory_space<vmem_shared>>
      %dma_wait3A_532 = arith.constant 0 : i32
      %dma_wait3A_533 = tpu.memref_slice %arg9[%add3A_395, %dma_wait3A_532] : memref<10240x64xf32, #tpu.memory_space<vmem_shared>> -> memref<16x64xf32, #tpu.memory_space<vmem_shared>>
      tpu.wait_dma2 semaphore(%run_scoped3A_526 : memref<!tpu.dma_semaphore, #tpu.memory_space<semaphore_mem>>) src(%arg8 : memref<16x64xf32, #tpu.memory_space<vmem>>) dst(%dma_wait3A_533 : memref<16x64xf32, #tpu.memory_space<vmem_shared>>)
      tpu.yield
    }) : () -> ()
    %add3A_396 = arith.constant 96 : i32
    %add3A_397 = arith.addi %mul3A_384, %add3A_396 : i32
    "tpu.region"() ({
      %run_scoped3A_526 = tpu.sem_alloc : memref<!tpu.dma_semaphore, #tpu.memory_space<semaphore_mem>>
      %dma_start3A_527 = arith.constant 0 : i32
      %dma_start3A_528 = tpu.memref_slice %arg9[%add3A_397, %dma_start3A_527] : memref<10240x64xf32, #tpu.memory_space<vmem_shared>> -> memref<16x64xf32, #tpu.memory_space<vmem_shared>>
      %dma_start3A_529 = arith.constant 0 : i32
      %dma_start3A_530 = tpu.memref_slice %arg9[%add3A_397, %dma_start3A_529] : memref<10240x64xf32, #tpu.memory_space<vmem_shared>> -> memref<16x64xf32, #tpu.memory_space<vmem_shared>>
      tpu.enqueue_dma source(%arg8 : memref<16x64xf32, #tpu.memory_space<vmem>>) target(%dma_start3A_530 : memref<16x64xf32, #tpu.memory_space<vmem_shared>>) target_semaphore(%run_scoped3A_526 : memref<!tpu.dma_semaphore, #tpu.memory_space<semaphore_mem>>)
      %dma_wait3A = arith.constant 0 : i32
      %dma_wait3A_531 = tpu.memref_slice %arg9[%add3A_397, %dma_wait3A] : memref<10240x64xf32, #tpu.memory_space<vmem_shared>> -> memref<16x64xf32, #tpu.memory_space<vmem_shared>>
      %dma_wait3A_532 = arith.constant 0 : i32
      %dma_wait3A_533 = tpu.memref_slice %arg9[%add3A_397, %dma_wait3A_532] : memref<10240x64xf32, #tpu.memory_space<vmem_shared>> -> memref<16x64xf32, #tpu.memory_space<vmem_shared>>
      tpu.wait_dma2 semaphore(%run_scoped3A_526 : memref<!tpu.dma_semaphore, #tpu.memory_space<semaphore_mem>>) src(%arg8 : memref<16x64xf32, #tpu.memory_space<vmem>>) dst(%dma_wait3A_533 : memref<16x64xf32, #tpu.memory_space<vmem_shared>>)
      tpu.yield
    }) : () -> ()
    %add3A_398 = arith.constant 112 : i32
    %add3A_399 = arith.addi %mul3A_384, %add3A_398 : i32
    "tpu.region"() ({
      %run_scoped3A_526 = tpu.sem_alloc : memref<!tpu.dma_semaphore, #tpu.memory_space<semaphore_mem>>
      %dma_start3A_527 = arith.constant 0 : i32
      %dma_start3A_528 = tpu.memref_slice %arg9[%add3A_399, %dma_start3A_527] : memref<10240x64xf32, #tpu.memory_space<vmem_shared>> -> memref<16x64xf32, #tpu.memory_space<vmem_shared>>
      %dma_start3A_529 = arith.constant 0 : i32
      %dma_start3A_530 = tpu.memref_slice %arg9[%add3A_399, %dma_start3A_529] : memref<10240x64xf32, #tpu.memory_space<vmem_shared>> -> memref<16x64xf32, #tpu.memory_space<vmem_shared>>
      tpu.enqueue_dma source(%arg8 : memref<16x64xf32, #tpu.memory_space<vmem>>) target(%dma_start3A_530 : memref<16x64xf32, #tpu.memory_space<vmem_shared>>) target_semaphore(%run_scoped3A_526 : memref<!tpu.dma_semaphore, #tpu.memory_space<semaphore_mem>>)
      %dma_wait3A = arith.constant 0 : i32
      %dma_wait3A_531 = tpu.memref_slice %arg9[%add3A_399, %dma_wait3A] : memref<10240x64xf32, #tpu.memory_space<vmem_shared>> -> memref<16x64xf32, #tpu.memory_space<vmem_shared>>
      %dma_wait3A_532 = arith.constant 0 : i32
      %dma_wait3A_533 = tpu.memref_slice %arg9[%add3A_399, %dma_wait3A_532] : memref<10240x64xf32, #tpu.memory_space<vmem_shared>> -> memref<16x64xf32, #tpu.memory_space<vmem_shared>>
      tpu.wait_dma2 semaphore(%run_scoped3A_526 : memref<!tpu.dma_semaphore, #tpu.memory_space<semaphore_mem>>) src(%arg8 : memref<16x64xf32, #tpu.memory_space<vmem>>) dst(%dma_wait3A_533 : memref<16x64xf32, #tpu.memory_space<vmem_shared>>)
      tpu.yield
    }) : () -> ()
    %add3A_400 = arith.constant 128 : i32
    %add3A_401 = arith.addi %mul3A_384, %add3A_400 : i32
    "tpu.region"() ({
      %run_scoped3A_526 = tpu.sem_alloc : memref<!tpu.dma_semaphore, #tpu.memory_space<semaphore_mem>>
      %dma_start3A_527 = arith.constant 0 : i32
      %dma_start3A_528 = tpu.memref_slice %arg9[%add3A_401, %dma_start3A_527] : memref<10240x64xf32, #tpu.memory_space<vmem_shared>> -> memref<16x64xf32, #tpu.memory_space<vmem_shared>>
      %dma_start3A_529 = arith.constant 0 : i32
      %dma_start3A_530 = tpu.memref_slice %arg9[%add3A_401, %dma_start3A_529] : memref<10240x64xf32, #tpu.memory_space<vmem_shared>> -> memref<16x64xf32, #tpu.memory_space<vmem_shared>>
      tpu.enqueue_dma source(%arg8 : memref<16x64xf32, #tpu.memory_space<vmem>>) target(%dma_start3A_530 : memref<16x64xf32, #tpu.memory_space<vmem_shared>>) target_semaphore(%run_scoped3A_526 : memref<!tpu.dma_semaphore, #tpu.memory_space<semaphore_mem>>)
      %dma_wait3A = arith.constant 0 : i32
      %dma_wait3A_531 = tpu.memref_slice %arg9[%add3A_401, %dma_wait3A] : memref<10240x64xf32, #tpu.memory_space<vmem_shared>> -> memref<16x64xf32, #tpu.memory_space<vmem_shared>>
      %dma_wait3A_532 = arith.constant 0 : i32
      %dma_wait3A_533 = tpu.memref_slice %arg9[%add3A_401, %dma_wait3A_532] : memref<10240x64xf32, #tpu.memory_space<vmem_shared>> -> memref<16x64xf32, #tpu.memory_space<vmem_shared>>
      tpu.wait_dma2 semaphore(%run_scoped3A_526 : memref<!tpu.dma_semaphore, #tpu.memory_space<semaphore_mem>>) src(%arg8 : memref<16x64xf32, #tpu.memory_space<vmem>>) dst(%dma_wait3A_533 : memref<16x64xf32, #tpu.memory_space<vmem_shared>>)
      tpu.yield
    }) : () -> ()
    %add3A_402 = arith.constant 144 : i32
    %add3A_403 = arith.addi %mul3A_384, %add3A_402 : i32
    "tpu.region"() ({
      %run_scoped3A_526 = tpu.sem_alloc : memref<!tpu.dma_semaphore, #tpu.memory_space<semaphore_mem>>
      %dma_start3A_527 = arith.constant 0 : i32
      %dma_start3A_528 = tpu.memref_slice %arg9[%add3A_403, %dma_start3A_527] : memref<10240x64xf32, #tpu.memory_space<vmem_shared>> -> memref<16x64xf32, #tpu.memory_space<vmem_shared>>
      %dma_start3A_529 = arith.constant 0 : i32
      %dma_start3A_530 = tpu.memref_slice %arg9[%add3A_403, %dma_start3A_529] : memref<10240x64xf32, #tpu.memory_space<vmem_shared>> -> memref<16x64xf32, #tpu.memory_space<vmem_shared>>
      tpu.enqueue_dma source(%arg8 : memref<16x64xf32, #tpu.memory_space<vmem>>) target(%dma_start3A_530 : memref<16x64xf32, #tpu.memory_space<vmem_shared>>) target_semaphore(%run_scoped3A_526 : memref<!tpu.dma_semaphore, #tpu.memory_space<semaphore_mem>>)
      %dma_wait3A = arith.constant 0 : i32
      %dma_wait3A_531 = tpu.memref_slice %arg9[%add3A_403, %dma_wait3A] : memref<10240x64xf32, #tpu.memory_space<vmem_shared>> -> memref<16x64xf32, #tpu.memory_space<vmem_shared>>
      %dma_wait3A_532 = arith.constant 0 : i32
      %dma_wait3A_533 = tpu.memref_slice %arg9[%add3A_403, %dma_wait3A_532] : memref<10240x64xf32, #tpu.memory_space<vmem_shared>> -> memref<16x64xf32, #tpu.memory_space<vmem_shared>>
      tpu.wait_dma2 semaphore(%run_scoped3A_526 : memref<!tpu.dma_semaphore, #tpu.memory_space<semaphore_mem>>) src(%arg8 : memref<16x64xf32, #tpu.memory_space<vmem>>) dst(%dma_wait3A_533 : memref<16x64xf32, #tpu.memory_space<vmem_shared>>)
      tpu.yield
    }) : () -> ()
    %add3A_404 = arith.constant 160 : i32
    %add3A_405 = arith.addi %mul3A_384, %add3A_404 : i32
    "tpu.region"() ({
      %run_scoped3A_526 = tpu.sem_alloc : memref<!tpu.dma_semaphore, #tpu.memory_space<semaphore_mem>>
      %dma_start3A_527 = arith.constant 0 : i32
      %dma_start3A_528 = tpu.memref_slice %arg9[%add3A_405, %dma_start3A_527] : memref<10240x64xf32, #tpu.memory_space<vmem_shared>> -> memref<16x64xf32, #tpu.memory_space<vmem_shared>>
      %dma_start3A_529 = arith.constant 0 : i32
      %dma_start3A_530 = tpu.memref_slice %arg9[%add3A_405, %dma_start3A_529] : memref<10240x64xf32, #tpu.memory_space<vmem_shared>> -> memref<16x64xf32, #tpu.memory_space<vmem_shared>>
      tpu.enqueue_dma source(%arg8 : memref<16x64xf32, #tpu.memory_space<vmem>>) target(%dma_start3A_530 : memref<16x64xf32, #tpu.memory_space<vmem_shared>>) target_semaphore(%run_scoped3A_526 : memref<!tpu.dma_semaphore, #tpu.memory_space<semaphore_mem>>)
      %dma_wait3A = arith.constant 0 : i32
      %dma_wait3A_531 = tpu.memref_slice %arg9[%add3A_405, %dma_wait3A] : memref<10240x64xf32, #tpu.memory_space<vmem_shared>> -> memref<16x64xf32, #tpu.memory_space<vmem_shared>>
      %dma_wait3A_532 = arith.constant 0 : i32
      %dma_wait3A_533 = tpu.memref_slice %arg9[%add3A_405, %dma_wait3A_532] : memref<10240x64xf32, #tpu.memory_space<vmem_shared>> -> memref<16x64xf32, #tpu.memory_space<vmem_shared>>
      tpu.wait_dma2 semaphore(%run_scoped3A_526 : memref<!tpu.dma_semaphore, #tpu.memory_space<semaphore_mem>>) src(%arg8 : memref<16x64xf32, #tpu.memory_space<vmem>>) dst(%dma_wait3A_533 : memref<16x64xf32, #tpu.memory_space<vmem_shared>>)
      tpu.yield
    }) : () -> ()
    %add3A_406 = arith.constant 176 : i32
    %add3A_407 = arith.addi %mul3A_384, %add3A_406 : i32
    "tpu.region"() ({
      %run_scoped3A_526 = tpu.sem_alloc : memref<!tpu.dma_semaphore, #tpu.memory_space<semaphore_mem>>
      %dma_start3A_527 = arith.constant 0 : i32
      %dma_start3A_528 = tpu.memref_slice %arg9[%add3A_407, %dma_start3A_527] : memref<10240x64xf32, #tpu.memory_space<vmem_shared>> -> memref<16x64xf32, #tpu.memory_space<vmem_shared>>
      %dma_start3A_529 = arith.constant 0 : i32
      %dma_start3A_530 = tpu.memref_slice %arg9[%add3A_407, %dma_start3A_529] : memref<10240x64xf32, #tpu.memory_space<vmem_shared>> -> memref<16x64xf32, #tpu.memory_space<vmem_shared>>
      tpu.enqueue_dma source(%arg8 : memref<16x64xf32, #tpu.memory_space<vmem>>) target(%dma_start3A_530 : memref<16x64xf32, #tpu.memory_space<vmem_shared>>) target_semaphore(%run_scoped3A_526 : memref<!tpu.dma_semaphore, #tpu.memory_space<semaphore_mem>>)
      %dma_wait3A = arith.constant 0 : i32
      %dma_wait3A_531 = tpu.memref_slice %arg9[%add3A_407, %dma_wait3A] : memref<10240x64xf32, #tpu.memory_space<vmem_shared>> -> memref<16x64xf32, #tpu.memory_space<vmem_shared>>
      %dma_wait3A_532 = arith.constant 0 : i32
      %dma_wait3A_533 = tpu.memref_slice %arg9[%add3A_407, %dma_wait3A_532] : memref<10240x64xf32, #tpu.memory_space<vmem_shared>> -> memref<16x64xf32, #tpu.memory_space<vmem_shared>>
      tpu.wait_dma2 semaphore(%run_scoped3A_526 : memref<!tpu.dma_semaphore, #tpu.memory_space<semaphore_mem>>) src(%arg8 : memref<16x64xf32, #tpu.memory_space<vmem>>) dst(%dma_wait3A_533 : memref<16x64xf32, #tpu.memory_space<vmem_shared>>)
      tpu.yield
    }) : () -> ()
    %add3A_408 = arith.constant 192 : i32
    %add3A_409 = arith.addi %mul3A_384, %add3A_408 : i32
    "tpu.region"() ({
      %run_scoped3A_526 = tpu.sem_alloc : memref<!tpu.dma_semaphore, #tpu.memory_space<semaphore_mem>>
      %dma_start3A_527 = arith.constant 0 : i32
      %dma_start3A_528 = tpu.memref_slice %arg9[%add3A_409, %dma_start3A_527] : memref<10240x64xf32, #tpu.memory_space<vmem_shared>> -> memref<16x64xf32, #tpu.memory_space<vmem_shared>>
      %dma_start3A_529 = arith.constant 0 : i32
      %dma_start3A_530 = tpu.memref_slice %arg9[%add3A_409, %dma_start3A_529] : memref<10240x64xf32, #tpu.memory_space<vmem_shared>> -> memref<16x64xf32, #tpu.memory_space<vmem_shared>>
      tpu.enqueue_dma source(%arg8 : memref<16x64xf32, #tpu.memory_space<vmem>>) target(%dma_start3A_530 : memref<16x64xf32, #tpu.memory_space<vmem_shared>>) target_semaphore(%run_scoped3A_526 : memref<!tpu.dma_semaphore, #tpu.memory_space<semaphore_mem>>)
      %dma_wait3A = arith.constant 0 : i32
      %dma_wait3A_531 = tpu.memref_slice %arg9[%add3A_409, %dma_wait3A] : memref<10240x64xf32, #tpu.memory_space<vmem_shared>> -> memref<16x64xf32, #tpu.memory_space<vmem_shared>>
      %dma_wait3A_532 = arith.constant 0 : i32
      %dma_wait3A_533 = tpu.memref_slice %arg9[%add3A_409, %dma_wait3A_532] : memref<10240x64xf32, #tpu.memory_space<vmem_shared>> -> memref<16x64xf32, #tpu.memory_space<vmem_shared>>
      tpu.wait_dma2 semaphore(%run_scoped3A_526 : memref<!tpu.dma_semaphore, #tpu.memory_space<semaphore_mem>>) src(%arg8 : memref<16x64xf32, #tpu.memory_space<vmem>>) dst(%dma_wait3A_533 : memref<16x64xf32, #tpu.memory_space<vmem_shared>>)
      tpu.yield
    }) : () -> ()
    %add3A_410 = arith.constant 208 : i32
    %add3A_411 = arith.addi %mul3A_384, %add3A_410 : i32
    "tpu.region"() ({
      %run_scoped3A_526 = tpu.sem_alloc : memref<!tpu.dma_semaphore, #tpu.memory_space<semaphore_mem>>
      %dma_start3A_527 = arith.constant 0 : i32
      %dma_start3A_528 = tpu.memref_slice %arg9[%add3A_411, %dma_start3A_527] : memref<10240x64xf32, #tpu.memory_space<vmem_shared>> -> memref<16x64xf32, #tpu.memory_space<vmem_shared>>
      %dma_start3A_529 = arith.constant 0 : i32
      %dma_start3A_530 = tpu.memref_slice %arg9[%add3A_411, %dma_start3A_529] : memref<10240x64xf32, #tpu.memory_space<vmem_shared>> -> memref<16x64xf32, #tpu.memory_space<vmem_shared>>
      tpu.enqueue_dma source(%arg8 : memref<16x64xf32, #tpu.memory_space<vmem>>) target(%dma_start3A_530 : memref<16x64xf32, #tpu.memory_space<vmem_shared>>) target_semaphore(%run_scoped3A_526 : memref<!tpu.dma_semaphore, #tpu.memory_space<semaphore_mem>>)
      %dma_wait3A = arith.constant 0 : i32
      %dma_wait3A_531 = tpu.memref_slice %arg9[%add3A_411, %dma_wait3A] : memref<10240x64xf32, #tpu.memory_space<vmem_shared>> -> memref<16x64xf32, #tpu.memory_space<vmem_shared>>
      %dma_wait3A_532 = arith.constant 0 : i32
      %dma_wait3A_533 = tpu.memref_slice %arg9[%add3A_411, %dma_wait3A_532] : memref<10240x64xf32, #tpu.memory_space<vmem_shared>> -> memref<16x64xf32, #tpu.memory_space<vmem_shared>>
      tpu.wait_dma2 semaphore(%run_scoped3A_526 : memref<!tpu.dma_semaphore, #tpu.memory_space<semaphore_mem>>) src(%arg8 : memref<16x64xf32, #tpu.memory_space<vmem>>) dst(%dma_wait3A_533 : memref<16x64xf32, #tpu.memory_space<vmem_shared>>)
      tpu.yield
    }) : () -> ()
    %add3A_412 = arith.constant 224 : i32
    %add3A_413 = arith.addi %mul3A_384, %add3A_412 : i32
    "tpu.region"() ({
      %run_scoped3A_526 = tpu.sem_alloc : memref<!tpu.dma_semaphore, #tpu.memory_space<semaphore_mem>>
      %dma_start3A_527 = arith.constant 0 : i32
      %dma_start3A_528 = tpu.memref_slice %arg9[%add3A_413, %dma_start3A_527] : memref<10240x64xf32, #tpu.memory_space<vmem_shared>> -> memref<16x64xf32, #tpu.memory_space<vmem_shared>>
      %dma_start3A_529 = arith.constant 0 : i32
      %dma_start3A_530 = tpu.memref_slice %arg9[%add3A_413, %dma_start3A_529] : memref<10240x64xf32, #tpu.memory_space<vmem_shared>> -> memref<16x64xf32, #tpu.memory_space<vmem_shared>>
      tpu.enqueue_dma source(%arg8 : memref<16x64xf32, #tpu.memory_space<vmem>>) target(%dma_start3A_530 : memref<16x64xf32, #tpu.memory_space<vmem_shared>>) target_semaphore(%run_scoped3A_526 : memref<!tpu.dma_semaphore, #tpu.memory_space<semaphore_mem>>)
      %dma_wait3A = arith.constant 0 : i32
      %dma_wait3A_531 = tpu.memref_slice %arg9[%add3A_413, %dma_wait3A] : memref<10240x64xf32, #tpu.memory_space<vmem_shared>> -> memref<16x64xf32, #tpu.memory_space<vmem_shared>>
      %dma_wait3A_532 = arith.constant 0 : i32
      %dma_wait3A_533 = tpu.memref_slice %arg9[%add3A_413, %dma_wait3A_532] : memref<10240x64xf32, #tpu.memory_space<vmem_shared>> -> memref<16x64xf32, #tpu.memory_space<vmem_shared>>
      tpu.wait_dma2 semaphore(%run_scoped3A_526 : memref<!tpu.dma_semaphore, #tpu.memory_space<semaphore_mem>>) src(%arg8 : memref<16x64xf32, #tpu.memory_space<vmem>>) dst(%dma_wait3A_533 : memref<16x64xf32, #tpu.memory_space<vmem_shared>>)
      tpu.yield
    }) : () -> ()
    %add3A_414 = arith.constant 240 : i32
    %add3A_415 = arith.addi %mul3A_384, %add3A_414 : i32
    "tpu.region"() ({
      %run_scoped3A_526 = tpu.sem_alloc : memref<!tpu.dma_semaphore, #tpu.memory_space<semaphore_mem>>
      %dma_start3A_527 = arith.constant 0 : i32
      %dma_start3A_528 = tpu.memref_slice %arg9[%add3A_415, %dma_start3A_527] : memref<10240x64xf32, #tpu.memory_space<vmem_shared>> -> memref<16x64xf32, #tpu.memory_space<vmem_shared>>
      %dma_start3A_529 = arith.constant 0 : i32
      %dma_start3A_530 = tpu.memref_slice %arg9[%add3A_415, %dma_start3A_529] : memref<10240x64xf32, #tpu.memory_space<vmem_shared>> -> memref<16x64xf32, #tpu.memory_space<vmem_shared>>
      tpu.enqueue_dma source(%arg8 : memref<16x64xf32, #tpu.memory_space<vmem>>) target(%dma_start3A_530 : memref<16x64xf32, #tpu.memory_space<vmem_shared>>) target_semaphore(%run_scoped3A_526 : memref<!tpu.dma_semaphore, #tpu.memory_space<semaphore_mem>>)
      %dma_wait3A = arith.constant 0 : i32
      %dma_wait3A_531 = tpu.memref_slice %arg9[%add3A_415, %dma_wait3A] : memref<10240x64xf32, #tpu.memory_space<vmem_shared>> -> memref<16x64xf32, #tpu.memory_space<vmem_shared>>
      %dma_wait3A_532 = arith.constant 0 : i32
      %dma_wait3A_533 = tpu.memref_slice %arg9[%add3A_415, %dma_wait3A_532] : memref<10240x64xf32, #tpu.memory_space<vmem_shared>> -> memref<16x64xf32, #tpu.memory_space<vmem_shared>>
      tpu.wait_dma2 semaphore(%run_scoped3A_526 : memref<!tpu.dma_semaphore, #tpu.memory_space<semaphore_mem>>) src(%arg8 : memref<16x64xf32, #tpu.memory_space<vmem>>) dst(%dma_wait3A_533 : memref<16x64xf32, #tpu.memory_space<vmem_shared>>)
      tpu.yield
    }) : () -> ()
    %add3A_416 = arith.constant 256 : i32
    %add3A_417 = arith.addi %mul3A_384, %add3A_416 : i32
    "tpu.region"() ({
      %run_scoped3A_526 = tpu.sem_alloc : memref<!tpu.dma_semaphore, #tpu.memory_space<semaphore_mem>>
      %dma_start3A_527 = arith.constant 0 : i32
      %dma_start3A_528 = tpu.memref_slice %arg9[%add3A_417, %dma_start3A_527] : memref<10240x64xf32, #tpu.memory_space<vmem_shared>> -> memref<16x64xf32, #tpu.memory_space<vmem_shared>>
      %dma_start3A_529 = arith.constant 0 : i32
      %dma_start3A_530 = tpu.memref_slice %arg9[%add3A_417, %dma_start3A_529] : memref<10240x64xf32, #tpu.memory_space<vmem_shared>> -> memref<16x64xf32, #tpu.memory_space<vmem_shared>>
      tpu.enqueue_dma source(%arg8 : memref<16x64xf32, #tpu.memory_space<vmem>>) target(%dma_start3A_530 : memref<16x64xf32, #tpu.memory_space<vmem_shared>>) target_semaphore(%run_scoped3A_526 : memref<!tpu.dma_semaphore, #tpu.memory_space<semaphore_mem>>)
      %dma_wait3A = arith.constant 0 : i32
      %dma_wait3A_531 = tpu.memref_slice %arg9[%add3A_417, %dma_wait3A] : memref<10240x64xf32, #tpu.memory_space<vmem_shared>> -> memref<16x64xf32, #tpu.memory_space<vmem_shared>>
      %dma_wait3A_532 = arith.constant 0 : i32
      %dma_wait3A_533 = tpu.memref_slice %arg9[%add3A_417, %dma_wait3A_532] : memref<10240x64xf32, #tpu.memory_space<vmem_shared>> -> memref<16x64xf32, #tpu.memory_space<vmem_shared>>
      tpu.wait_dma2 semaphore(%run_scoped3A_526 : memref<!tpu.dma_semaphore, #tpu.memory_space<semaphore_mem>>) src(%arg8 : memref<16x64xf32, #tpu.memory_space<vmem>>) dst(%dma_wait3A_533 : memref<16x64xf32, #tpu.memory_space<vmem_shared>>)
      tpu.yield
    }) : () -> ()
    %add3A_418 = arith.constant 272 : i32
    %add3A_419 = arith.addi %mul3A_384, %add3A_418 : i32
    "tpu.region"() ({
      %run_scoped3A_526 = tpu.sem_alloc : memref<!tpu.dma_semaphore, #tpu.memory_space<semaphore_mem>>
      %dma_start3A_527 = arith.constant 0 : i32
      %dma_start3A_528 = tpu.memref_slice %arg9[%add3A_419, %dma_start3A_527] : memref<10240x64xf32, #tpu.memory_space<vmem_shared>> -> memref<16x64xf32, #tpu.memory_space<vmem_shared>>
      %dma_start3A_529 = arith.constant 0 : i32
      %dma_start3A_530 = tpu.memref_slice %arg9[%add3A_419, %dma_start3A_529] : memref<10240x64xf32, #tpu.memory_space<vmem_shared>> -> memref<16x64xf32, #tpu.memory_space<vmem_shared>>
      tpu.enqueue_dma source(%arg8 : memref<16x64xf32, #tpu.memory_space<vmem>>) target(%dma_start3A_530 : memref<16x64xf32, #tpu.memory_space<vmem_shared>>) target_semaphore(%run_scoped3A_526 : memref<!tpu.dma_semaphore, #tpu.memory_space<semaphore_mem>>)
      %dma_wait3A = arith.constant 0 : i32
      %dma_wait3A_531 = tpu.memref_slice %arg9[%add3A_419, %dma_wait3A] : memref<10240x64xf32, #tpu.memory_space<vmem_shared>> -> memref<16x64xf32, #tpu.memory_space<vmem_shared>>
      %dma_wait3A_532 = arith.constant 0 : i32
      %dma_wait3A_533 = tpu.memref_slice %arg9[%add3A_419, %dma_wait3A_532] : memref<10240x64xf32, #tpu.memory_space<vmem_shared>> -> memref<16x64xf32, #tpu.memory_space<vmem_shared>>
      tpu.wait_dma2 semaphore(%run_scoped3A_526 : memref<!tpu.dma_semaphore, #tpu.memory_space<semaphore_mem>>) src(%arg8 : memref<16x64xf32, #tpu.memory_space<vmem>>) dst(%dma_wait3A_533 : memref<16x64xf32, #tpu.memory_space<vmem_shared>>)
      tpu.yield
    }) : () -> ()
    %add3A_420 = arith.constant 288 : i32
    %add3A_421 = arith.addi %mul3A_384, %add3A_420 : i32
    "tpu.region"() ({
      %run_scoped3A_526 = tpu.sem_alloc : memref<!tpu.dma_semaphore, #tpu.memory_space<semaphore_mem>>
      %dma_start3A_527 = arith.constant 0 : i32
      %dma_start3A_528 = tpu.memref_slice %arg9[%add3A_421, %dma_start3A_527] : memref<10240x64xf32, #tpu.memory_space<vmem_shared>> -> memref<16x64xf32, #tpu.memory_space<vmem_shared>>
      %dma_start3A_529 = arith.constant 0 : i32
      %dma_start3A_530 = tpu.memref_slice %arg9[%add3A_421, %dma_start3A_529] : memref<10240x64xf32, #tpu.memory_space<vmem_shared>> -> memref<16x64xf32, #tpu.memory_space<vmem_shared>>
      tpu.enqueue_dma source(%arg8 : memref<16x64xf32, #tpu.memory_space<vmem>>) target(%dma_start3A_530 : memref<16x64xf32, #tpu.memory_space<vmem_shared>>) target_semaphore(%run_scoped3A_526 : memref<!tpu.dma_semaphore, #tpu.memory_space<semaphore_mem>>)
      %dma_wait3A = arith.constant 0 : i32
      %dma_wait3A_531 = tpu.memref_slice %arg9[%add3A_421, %dma_wait3A] : memref<10240x64xf32, #tpu.memory_space<vmem_shared>> -> memref<16x64xf32, #tpu.memory_space<vmem_shared>>
      %dma_wait3A_532 = arith.constant 0 : i32
      %dma_wait3A_533 = tpu.memref_slice %arg9[%add3A_421, %dma_wait3A_532] : memref<10240x64xf32, #tpu.memory_space<vmem_shared>> -> memref<16x64xf32, #tpu.memory_space<vmem_shared>>
      tpu.wait_dma2 semaphore(%run_scoped3A_526 : memref<!tpu.dma_semaphore, #tpu.memory_space<semaphore_mem>>) src(%arg8 : memref<16x64xf32, #tpu.memory_space<vmem>>) dst(%dma_wait3A_533 : memref<16x64xf32, #tpu.memory_space<vmem_shared>>)
      tpu.yield
    }) : () -> ()
    %add3A_422 = arith.constant 304 : i32
    %add3A_423 = arith.addi %mul3A_384, %add3A_422 : i32
    "tpu.region"() ({
      %run_scoped3A_526 = tpu.sem_alloc : memref<!tpu.dma_semaphore, #tpu.memory_space<semaphore_mem>>
      %dma_start3A_527 = arith.constant 0 : i32
      %dma_start3A_528 = tpu.memref_slice %arg9[%add3A_423, %dma_start3A_527] : memref<10240x64xf32, #tpu.memory_space<vmem_shared>> -> memref<16x64xf32, #tpu.memory_space<vmem_shared>>
      %dma_start3A_529 = arith.constant 0 : i32
      %dma_start3A_530 = tpu.memref_slice %arg9[%add3A_423, %dma_start3A_529] : memref<10240x64xf32, #tpu.memory_space<vmem_shared>> -> memref<16x64xf32, #tpu.memory_space<vmem_shared>>
      tpu.enqueue_dma source(%arg8 : memref<16x64xf32, #tpu.memory_space<vmem>>) target(%dma_start3A_530 : memref<16x64xf32, #tpu.memory_space<vmem_shared>>) target_semaphore(%run_scoped3A_526 : memref<!tpu.dma_semaphore, #tpu.memory_space<semaphore_mem>>)
      %dma_wait3A = arith.constant 0 : i32
      %dma_wait3A_531 = tpu.memref_slice %arg9[%add3A_423, %dma_wait3A] : memref<10240x64xf32, #tpu.memory_space<vmem_shared>> -> memref<16x64xf32, #tpu.memory_space<vmem_shared>>
      %dma_wait3A_532 = arith.constant 0 : i32
      %dma_wait3A_533 = tpu.memref_slice %arg9[%add3A_423, %dma_wait3A_532] : memref<10240x64xf32, #tpu.memory_space<vmem_shared>> -> memref<16x64xf32, #tpu.memory_space<vmem_shared>>
      tpu.wait_dma2 semaphore(%run_scoped3A_526 : memref<!tpu.dma_semaphore, #tpu.memory_space<semaphore_mem>>) src(%arg8 : memref<16x64xf32, #tpu.memory_space<vmem>>) dst(%dma_wait3A_533 : memref<16x64xf32, #tpu.memory_space<vmem_shared>>)
      tpu.yield
    }) : () -> ()
    %add3A_424 = arith.constant 320 : i32
    %add3A_425 = arith.addi %mul3A_384, %add3A_424 : i32
    "tpu.region"() ({
      %run_scoped3A_526 = tpu.sem_alloc : memref<!tpu.dma_semaphore, #tpu.memory_space<semaphore_mem>>
      %dma_start3A_527 = arith.constant 0 : i32
      %dma_start3A_528 = tpu.memref_slice %arg9[%add3A_425, %dma_start3A_527] : memref<10240x64xf32, #tpu.memory_space<vmem_shared>> -> memref<16x64xf32, #tpu.memory_space<vmem_shared>>
      %dma_start3A_529 = arith.constant 0 : i32
      %dma_start3A_530 = tpu.memref_slice %arg9[%add3A_425, %dma_start3A_529] : memref<10240x64xf32, #tpu.memory_space<vmem_shared>> -> memref<16x64xf32, #tpu.memory_space<vmem_shared>>
      tpu.enqueue_dma source(%arg8 : memref<16x64xf32, #tpu.memory_space<vmem>>) target(%dma_start3A_530 : memref<16x64xf32, #tpu.memory_space<vmem_shared>>) target_semaphore(%run_scoped3A_526 : memref<!tpu.dma_semaphore, #tpu.memory_space<semaphore_mem>>)
      %dma_wait3A = arith.constant 0 : i32
      %dma_wait3A_531 = tpu.memref_slice %arg9[%add3A_425, %dma_wait3A] : memref<10240x64xf32, #tpu.memory_space<vmem_shared>> -> memref<16x64xf32, #tpu.memory_space<vmem_shared>>
      %dma_wait3A_532 = arith.constant 0 : i32
      %dma_wait3A_533 = tpu.memref_slice %arg9[%add3A_425, %dma_wait3A_532] : memref<10240x64xf32, #tpu.memory_space<vmem_shared>> -> memref<16x64xf32, #tpu.memory_space<vmem_shared>>
      tpu.wait_dma2 semaphore(%run_scoped3A_526 : memref<!tpu.dma_semaphore, #tpu.memory_space<semaphore_mem>>) src(%arg8 : memref<16x64xf32, #tpu.memory_space<vmem>>) dst(%dma_wait3A_533 : memref<16x64xf32, #tpu.memory_space<vmem_shared>>)
      tpu.yield
    }) : () -> ()
    %add3A_426 = arith.constant 336 : i32
    %add3A_427 = arith.addi %mul3A_384, %add3A_426 : i32
    "tpu.region"() ({
      %run_scoped3A_526 = tpu.sem_alloc : memref<!tpu.dma_semaphore, #tpu.memory_space<semaphore_mem>>
      %dma_start3A_527 = arith.constant 0 : i32
      %dma_start3A_528 = tpu.memref_slice %arg9[%add3A_427, %dma_start3A_527] : memref<10240x64xf32, #tpu.memory_space<vmem_shared>> -> memref<16x64xf32, #tpu.memory_space<vmem_shared>>
      %dma_start3A_529 = arith.constant 0 : i32
      %dma_start3A_530 = tpu.memref_slice %arg9[%add3A_427, %dma_start3A_529] : memref<10240x64xf32, #tpu.memory_space<vmem_shared>> -> memref<16x64xf32, #tpu.memory_space<vmem_shared>>
      tpu.enqueue_dma source(%arg8 : memref<16x64xf32, #tpu.memory_space<vmem>>) target(%dma_start3A_530 : memref<16x64xf32, #tpu.memory_space<vmem_shared>>) target_semaphore(%run_scoped3A_526 : memref<!tpu.dma_semaphore, #tpu.memory_space<semaphore_mem>>)
      %dma_wait3A = arith.constant 0 : i32
      %dma_wait3A_531 = tpu.memref_slice %arg9[%add3A_427, %dma_wait3A] : memref<10240x64xf32, #tpu.memory_space<vmem_shared>> -> memref<16x64xf32, #tpu.memory_space<vmem_shared>>
      %dma_wait3A_532 = arith.constant 0 : i32
      %dma_wait3A_533 = tpu.memref_slice %arg9[%add3A_427, %dma_wait3A_532] : memref<10240x64xf32, #tpu.memory_space<vmem_shared>> -> memref<16x64xf32, #tpu.memory_space<vmem_shared>>
      tpu.wait_dma2 semaphore(%run_scoped3A_526 : memref<!tpu.dma_semaphore, #tpu.memory_space<semaphore_mem>>) src(%arg8 : memref<16x64xf32, #tpu.memory_space<vmem>>) dst(%dma_wait3A_533 : memref<16x64xf32, #tpu.memory_space<vmem_shared>>)
      tpu.yield
    }) : () -> ()
    %add3A_428 = arith.constant 352 : i32
    %add3A_429 = arith.addi %mul3A_384, %add3A_428 : i32
    "tpu.region"() ({
      %run_scoped3A_526 = tpu.sem_alloc : memref<!tpu.dma_semaphore, #tpu.memory_space<semaphore_mem>>
      %dma_start3A_527 = arith.constant 0 : i32
      %dma_start3A_528 = tpu.memref_slice %arg9[%add3A_429, %dma_start3A_527] : memref<10240x64xf32, #tpu.memory_space<vmem_shared>> -> memref<16x64xf32, #tpu.memory_space<vmem_shared>>
      %dma_start3A_529 = arith.constant 0 : i32
      %dma_start3A_530 = tpu.memref_slice %arg9[%add3A_429, %dma_start3A_529] : memref<10240x64xf32, #tpu.memory_space<vmem_shared>> -> memref<16x64xf32, #tpu.memory_space<vmem_shared>>
      tpu.enqueue_dma source(%arg8 : memref<16x64xf32, #tpu.memory_space<vmem>>) target(%dma_start3A_530 : memref<16x64xf32, #tpu.memory_space<vmem_shared>>) target_semaphore(%run_scoped3A_526 : memref<!tpu.dma_semaphore, #tpu.memory_space<semaphore_mem>>)
      %dma_wait3A = arith.constant 0 : i32
      %dma_wait3A_531 = tpu.memref_slice %arg9[%add3A_429, %dma_wait3A] : memref<10240x64xf32, #tpu.memory_space<vmem_shared>> -> memref<16x64xf32, #tpu.memory_space<vmem_shared>>
      %dma_wait3A_532 = arith.constant 0 : i32
      %dma_wait3A_533 = tpu.memref_slice %arg9[%add3A_429, %dma_wait3A_532] : memref<10240x64xf32, #tpu.memory_space<vmem_shared>> -> memref<16x64xf32, #tpu.memory_space<vmem_shared>>
      tpu.wait_dma2 semaphore(%run_scoped3A_526 : memref<!tpu.dma_semaphore, #tpu.memory_space<semaphore_mem>>) src(%arg8 : memref<16x64xf32, #tpu.memory_space<vmem>>) dst(%dma_wait3A_533 : memref<16x64xf32, #tpu.memory_space<vmem_shared>>)
      tpu.yield
    }) : () -> ()
    %add3A_430 = arith.constant 368 : i32
    %add3A_431 = arith.addi %mul3A_384, %add3A_430 : i32
    "tpu.region"() ({
      %run_scoped3A_526 = tpu.sem_alloc : memref<!tpu.dma_semaphore, #tpu.memory_space<semaphore_mem>>
      %dma_start3A_527 = arith.constant 0 : i32
      %dma_start3A_528 = tpu.memref_slice %arg9[%add3A_431, %dma_start3A_527] : memref<10240x64xf32, #tpu.memory_space<vmem_shared>> -> memref<16x64xf32, #tpu.memory_space<vmem_shared>>
      %dma_start3A_529 = arith.constant 0 : i32
      %dma_start3A_530 = tpu.memref_slice %arg9[%add3A_431, %dma_start3A_529] : memref<10240x64xf32, #tpu.memory_space<vmem_shared>> -> memref<16x64xf32, #tpu.memory_space<vmem_shared>>
      tpu.enqueue_dma source(%arg8 : memref<16x64xf32, #tpu.memory_space<vmem>>) target(%dma_start3A_530 : memref<16x64xf32, #tpu.memory_space<vmem_shared>>) target_semaphore(%run_scoped3A_526 : memref<!tpu.dma_semaphore, #tpu.memory_space<semaphore_mem>>)
      %dma_wait3A = arith.constant 0 : i32
      %dma_wait3A_531 = tpu.memref_slice %arg9[%add3A_431, %dma_wait3A] : memref<10240x64xf32, #tpu.memory_space<vmem_shared>> -> memref<16x64xf32, #tpu.memory_space<vmem_shared>>
      %dma_wait3A_532 = arith.constant 0 : i32
      %dma_wait3A_533 = tpu.memref_slice %arg9[%add3A_431, %dma_wait3A_532] : memref<10240x64xf32, #tpu.memory_space<vmem_shared>> -> memref<16x64xf32, #tpu.memory_space<vmem_shared>>
      tpu.wait_dma2 semaphore(%run_scoped3A_526 : memref<!tpu.dma_semaphore, #tpu.memory_space<semaphore_mem>>) src(%arg8 : memref<16x64xf32, #tpu.memory_space<vmem>>) dst(%dma_wait3A_533 : memref<16x64xf32, #tpu.memory_space<vmem_shared>>)
      tpu.yield
    }) : () -> ()
    %add3A_432 = arith.constant 384 : i32
    %add3A_433 = arith.addi %mul3A_384, %add3A_432 : i32
    "tpu.region"() ({
      %run_scoped3A_526 = tpu.sem_alloc : memref<!tpu.dma_semaphore, #tpu.memory_space<semaphore_mem>>
      %dma_start3A_527 = arith.constant 0 : i32
      %dma_start3A_528 = tpu.memref_slice %arg9[%add3A_433, %dma_start3A_527] : memref<10240x64xf32, #tpu.memory_space<vmem_shared>> -> memref<16x64xf32, #tpu.memory_space<vmem_shared>>
      %dma_start3A_529 = arith.constant 0 : i32
      %dma_start3A_530 = tpu.memref_slice %arg9[%add3A_433, %dma_start3A_529] : memref<10240x64xf32, #tpu.memory_space<vmem_shared>> -> memref<16x64xf32, #tpu.memory_space<vmem_shared>>
      tpu.enqueue_dma source(%arg8 : memref<16x64xf32, #tpu.memory_space<vmem>>) target(%dma_start3A_530 : memref<16x64xf32, #tpu.memory_space<vmem_shared>>) target_semaphore(%run_scoped3A_526 : memref<!tpu.dma_semaphore, #tpu.memory_space<semaphore_mem>>)
      %dma_wait3A = arith.constant 0 : i32
      %dma_wait3A_531 = tpu.memref_slice %arg9[%add3A_433, %dma_wait3A] : memref<10240x64xf32, #tpu.memory_space<vmem_shared>> -> memref<16x64xf32, #tpu.memory_space<vmem_shared>>
      %dma_wait3A_532 = arith.constant 0 : i32
      %dma_wait3A_533 = tpu.memref_slice %arg9[%add3A_433, %dma_wait3A_532] : memref<10240x64xf32, #tpu.memory_space<vmem_shared>> -> memref<16x64xf32, #tpu.memory_space<vmem_shared>>
      tpu.wait_dma2 semaphore(%run_scoped3A_526 : memref<!tpu.dma_semaphore, #tpu.memory_space<semaphore_mem>>) src(%arg8 : memref<16x64xf32, #tpu.memory_space<vmem>>) dst(%dma_wait3A_533 : memref<16x64xf32, #tpu.memory_space<vmem_shared>>)
      tpu.yield
    }) : () -> ()
    %add3A_434 = arith.constant 400 : i32
    %add3A_435 = arith.addi %mul3A_384, %add3A_434 : i32
    "tpu.region"() ({
      %run_scoped3A_526 = tpu.sem_alloc : memref<!tpu.dma_semaphore, #tpu.memory_space<semaphore_mem>>
      %dma_start3A_527 = arith.constant 0 : i32
      %dma_start3A_528 = tpu.memref_slice %arg9[%add3A_435, %dma_start3A_527] : memref<10240x64xf32, #tpu.memory_space<vmem_shared>> -> memref<16x64xf32, #tpu.memory_space<vmem_shared>>
      %dma_start3A_529 = arith.constant 0 : i32
      %dma_start3A_530 = tpu.memref_slice %arg9[%add3A_435, %dma_start3A_529] : memref<10240x64xf32, #tpu.memory_space<vmem_shared>> -> memref<16x64xf32, #tpu.memory_space<vmem_shared>>
      tpu.enqueue_dma source(%arg8 : memref<16x64xf32, #tpu.memory_space<vmem>>) target(%dma_start3A_530 : memref<16x64xf32, #tpu.memory_space<vmem_shared>>) target_semaphore(%run_scoped3A_526 : memref<!tpu.dma_semaphore, #tpu.memory_space<semaphore_mem>>)
      %dma_wait3A = arith.constant 0 : i32
      %dma_wait3A_531 = tpu.memref_slice %arg9[%add3A_435, %dma_wait3A] : memref<10240x64xf32, #tpu.memory_space<vmem_shared>> -> memref<16x64xf32, #tpu.memory_space<vmem_shared>>
      %dma_wait3A_532 = arith.constant 0 : i32
      %dma_wait3A_533 = tpu.memref_slice %arg9[%add3A_435, %dma_wait3A_532] : memref<10240x64xf32, #tpu.memory_space<vmem_shared>> -> memref<16x64xf32, #tpu.memory_space<vmem_shared>>
      tpu.wait_dma2 semaphore(%run_scoped3A_526 : memref<!tpu.dma_semaphore, #tpu.memory_space<semaphore_mem>>) src(%arg8 : memref<16x64xf32, #tpu.memory_space<vmem>>) dst(%dma_wait3A_533 : memref<16x64xf32, #tpu.memory_space<vmem_shared>>)
      tpu.yield
    }) : () -> ()
    %add3A_436 = arith.constant 416 : i32
    %add3A_437 = arith.addi %mul3A_384, %add3A_436 : i32
    "tpu.region"() ({
      %run_scoped3A_526 = tpu.sem_alloc : memref<!tpu.dma_semaphore, #tpu.memory_space<semaphore_mem>>
      %dma_start3A_527 = arith.constant 0 : i32
      %dma_start3A_528 = tpu.memref_slice %arg9[%add3A_437, %dma_start3A_527] : memref<10240x64xf32, #tpu.memory_space<vmem_shared>> -> memref<16x64xf32, #tpu.memory_space<vmem_shared>>
      %dma_start3A_529 = arith.constant 0 : i32
      %dma_start3A_530 = tpu.memref_slice %arg9[%add3A_437, %dma_start3A_529] : memref<10240x64xf32, #tpu.memory_space<vmem_shared>> -> memref<16x64xf32, #tpu.memory_space<vmem_shared>>
      tpu.enqueue_dma source(%arg8 : memref<16x64xf32, #tpu.memory_space<vmem>>) target(%dma_start3A_530 : memref<16x64xf32, #tpu.memory_space<vmem_shared>>) target_semaphore(%run_scoped3A_526 : memref<!tpu.dma_semaphore, #tpu.memory_space<semaphore_mem>>)
      %dma_wait3A = arith.constant 0 : i32
      %dma_wait3A_531 = tpu.memref_slice %arg9[%add3A_437, %dma_wait3A] : memref<10240x64xf32, #tpu.memory_space<vmem_shared>> -> memref<16x64xf32, #tpu.memory_space<vmem_shared>>
      %dma_wait3A_532 = arith.constant 0 : i32
      %dma_wait3A_533 = tpu.memref_slice %arg9[%add3A_437, %dma_wait3A_532] : memref<10240x64xf32, #tpu.memory_space<vmem_shared>> -> memref<16x64xf32, #tpu.memory_space<vmem_shared>>
      tpu.wait_dma2 semaphore(%run_scoped3A_526 : memref<!tpu.dma_semaphore, #tpu.memory_space<semaphore_mem>>) src(%arg8 : memref<16x64xf32, #tpu.memory_space<vmem>>) dst(%dma_wait3A_533 : memref<16x64xf32, #tpu.memory_space<vmem_shared>>)
      tpu.yield
    }) : () -> ()
    %add3A_438 = arith.constant 432 : i32
    %add3A_439 = arith.addi %mul3A_384, %add3A_438 : i32
    "tpu.region"() ({
      %run_scoped3A_526 = tpu.sem_alloc : memref<!tpu.dma_semaphore, #tpu.memory_space<semaphore_mem>>
      %dma_start3A_527 = arith.constant 0 : i32
      %dma_start3A_528 = tpu.memref_slice %arg9[%add3A_439, %dma_start3A_527] : memref<10240x64xf32, #tpu.memory_space<vmem_shared>> -> memref<16x64xf32, #tpu.memory_space<vmem_shared>>
      %dma_start3A_529 = arith.constant 0 : i32
      %dma_start3A_530 = tpu.memref_slice %arg9[%add3A_439, %dma_start3A_529] : memref<10240x64xf32, #tpu.memory_space<vmem_shared>> -> memref<16x64xf32, #tpu.memory_space<vmem_shared>>
      tpu.enqueue_dma source(%arg8 : memref<16x64xf32, #tpu.memory_space<vmem>>) target(%dma_start3A_530 : memref<16x64xf32, #tpu.memory_space<vmem_shared>>) target_semaphore(%run_scoped3A_526 : memref<!tpu.dma_semaphore, #tpu.memory_space<semaphore_mem>>)
      %dma_wait3A = arith.constant 0 : i32
      %dma_wait3A_531 = tpu.memref_slice %arg9[%add3A_439, %dma_wait3A] : memref<10240x64xf32, #tpu.memory_space<vmem_shared>> -> memref<16x64xf32, #tpu.memory_space<vmem_shared>>
      %dma_wait3A_532 = arith.constant 0 : i32
      %dma_wait3A_533 = tpu.memref_slice %arg9[%add3A_439, %dma_wait3A_532] : memref<10240x64xf32, #tpu.memory_space<vmem_shared>> -> memref<16x64xf32, #tpu.memory_space<vmem_shared>>
      tpu.wait_dma2 semaphore(%run_scoped3A_526 : memref<!tpu.dma_semaphore, #tpu.memory_space<semaphore_mem>>) src(%arg8 : memref<16x64xf32, #tpu.memory_space<vmem>>) dst(%dma_wait3A_533 : memref<16x64xf32, #tpu.memory_space<vmem_shared>>)
      tpu.yield
    }) : () -> ()
    %add3A_440 = arith.constant 448 : i32
    %add3A_441 = arith.addi %mul3A_384, %add3A_440 : i32
    "tpu.region"() ({
      %run_scoped3A_526 = tpu.sem_alloc : memref<!tpu.dma_semaphore, #tpu.memory_space<semaphore_mem>>
      %dma_start3A_527 = arith.constant 0 : i32
      %dma_start3A_528 = tpu.memref_slice %arg9[%add3A_441, %dma_start3A_527] : memref<10240x64xf32, #tpu.memory_space<vmem_shared>> -> memref<16x64xf32, #tpu.memory_space<vmem_shared>>
      %dma_start3A_529 = arith.constant 0 : i32
      %dma_start3A_530 = tpu.memref_slice %arg9[%add3A_441, %dma_start3A_529] : memref<10240x64xf32, #tpu.memory_space<vmem_shared>> -> memref<16x64xf32, #tpu.memory_space<vmem_shared>>
      tpu.enqueue_dma source(%arg8 : memref<16x64xf32, #tpu.memory_space<vmem>>) target(%dma_start3A_530 : memref<16x64xf32, #tpu.memory_space<vmem_shared>>) target_semaphore(%run_scoped3A_526 : memref<!tpu.dma_semaphore, #tpu.memory_space<semaphore_mem>>)
      %dma_wait3A = arith.constant 0 : i32
      %dma_wait3A_531 = tpu.memref_slice %arg9[%add3A_441, %dma_wait3A] : memref<10240x64xf32, #tpu.memory_space<vmem_shared>> -> memref<16x64xf32, #tpu.memory_space<vmem_shared>>
      %dma_wait3A_532 = arith.constant 0 : i32
      %dma_wait3A_533 = tpu.memref_slice %arg9[%add3A_441, %dma_wait3A_532] : memref<10240x64xf32, #tpu.memory_space<vmem_shared>> -> memref<16x64xf32, #tpu.memory_space<vmem_shared>>
      tpu.wait_dma2 semaphore(%run_scoped3A_526 : memref<!tpu.dma_semaphore, #tpu.memory_space<semaphore_mem>>) src(%arg8 : memref<16x64xf32, #tpu.memory_space<vmem>>) dst(%dma_wait3A_533 : memref<16x64xf32, #tpu.memory_space<vmem_shared>>)
      tpu.yield
    }) : () -> ()
    %add3A_442 = arith.constant 464 : i32
    %add3A_443 = arith.addi %mul3A_384, %add3A_442 : i32
    "tpu.region"() ({
      %run_scoped3A_526 = tpu.sem_alloc : memref<!tpu.dma_semaphore, #tpu.memory_space<semaphore_mem>>
      %dma_start3A_527 = arith.constant 0 : i32
      %dma_start3A_528 = tpu.memref_slice %arg9[%add3A_443, %dma_start3A_527] : memref<10240x64xf32, #tpu.memory_space<vmem_shared>> -> memref<16x64xf32, #tpu.memory_space<vmem_shared>>
      %dma_start3A_529 = arith.constant 0 : i32
      %dma_start3A_530 = tpu.memref_slice %arg9[%add3A_443, %dma_start3A_529] : memref<10240x64xf32, #tpu.memory_space<vmem_shared>> -> memref<16x64xf32, #tpu.memory_space<vmem_shared>>
      tpu.enqueue_dma source(%arg8 : memref<16x64xf32, #tpu.memory_space<vmem>>) target(%dma_start3A_530 : memref<16x64xf32, #tpu.memory_space<vmem_shared>>) target_semaphore(%run_scoped3A_526 : memref<!tpu.dma_semaphore, #tpu.memory_space<semaphore_mem>>)
      %dma_wait3A = arith.constant 0 : i32
      %dma_wait3A_531 = tpu.memref_slice %arg9[%add3A_443, %dma_wait3A] : memref<10240x64xf32, #tpu.memory_space<vmem_shared>> -> memref<16x64xf32, #tpu.memory_space<vmem_shared>>
      %dma_wait3A_532 = arith.constant 0 : i32
      %dma_wait3A_533 = tpu.memref_slice %arg9[%add3A_443, %dma_wait3A_532] : memref<10240x64xf32, #tpu.memory_space<vmem_shared>> -> memref<16x64xf32, #tpu.memory_space<vmem_shared>>
      tpu.wait_dma2 semaphore(%run_scoped3A_526 : memref<!tpu.dma_semaphore, #tpu.memory_space<semaphore_mem>>) src(%arg8 : memref<16x64xf32, #tpu.memory_space<vmem>>) dst(%dma_wait3A_533 : memref<16x64xf32, #tpu.memory_space<vmem_shared>>)
      tpu.yield
    }) : () -> ()
    %add3A_444 = arith.constant 480 : i32
    %add3A_445 = arith.addi %mul3A_384, %add3A_444 : i32
    "tpu.region"() ({
      %run_scoped3A_526 = tpu.sem_alloc : memref<!tpu.dma_semaphore, #tpu.memory_space<semaphore_mem>>
      %dma_start3A_527 = arith.constant 0 : i32
      %dma_start3A_528 = tpu.memref_slice %arg9[%add3A_445, %dma_start3A_527] : memref<10240x64xf32, #tpu.memory_space<vmem_shared>> -> memref<16x64xf32, #tpu.memory_space<vmem_shared>>
      %dma_start3A_529 = arith.constant 0 : i32
      %dma_start3A_530 = tpu.memref_slice %arg9[%add3A_445, %dma_start3A_529] : memref<10240x64xf32, #tpu.memory_space<vmem_shared>> -> memref<16x64xf32, #tpu.memory_space<vmem_shared>>
      tpu.enqueue_dma source(%arg8 : memref<16x64xf32, #tpu.memory_space<vmem>>) target(%dma_start3A_530 : memref<16x64xf32, #tpu.memory_space<vmem_shared>>) target_semaphore(%run_scoped3A_526 : memref<!tpu.dma_semaphore, #tpu.memory_space<semaphore_mem>>)
      %dma_wait3A = arith.constant 0 : i32
      %dma_wait3A_531 = tpu.memref_slice %arg9[%add3A_445, %dma_wait3A] : memref<10240x64xf32, #tpu.memory_space<vmem_shared>> -> memref<16x64xf32, #tpu.memory_space<vmem_shared>>
      %dma_wait3A_532 = arith.constant 0 : i32
      %dma_wait3A_533 = tpu.memref_slice %arg9[%add3A_445, %dma_wait3A_532] : memref<10240x64xf32, #tpu.memory_space<vmem_shared>> -> memref<16x64xf32, #tpu.memory_space<vmem_shared>>
      tpu.wait_dma2 semaphore(%run_scoped3A_526 : memref<!tpu.dma_semaphore, #tpu.memory_space<semaphore_mem>>) src(%arg8 : memref<16x64xf32, #tpu.memory_space<vmem>>) dst(%dma_wait3A_533 : memref<16x64xf32, #tpu.memory_space<vmem_shared>>)
      tpu.yield
    }) : () -> ()
    %add3A_446 = arith.constant 496 : i32
    %add3A_447 = arith.addi %mul3A_384, %add3A_446 : i32
    "tpu.region"() ({
      %run_scoped3A_526 = tpu.sem_alloc : memref<!tpu.dma_semaphore, #tpu.memory_space<semaphore_mem>>
      %dma_start3A_527 = arith.constant 0 : i32
      %dma_start3A_528 = tpu.memref_slice %arg9[%add3A_447, %dma_start3A_527] : memref<10240x64xf32, #tpu.memory_space<vmem_shared>> -> memref<16x64xf32, #tpu.memory_space<vmem_shared>>
      %dma_start3A_529 = arith.constant 0 : i32
      %dma_start3A_530 = tpu.memref_slice %arg9[%add3A_447, %dma_start3A_529] : memref<10240x64xf32, #tpu.memory_space<vmem_shared>> -> memref<16x64xf32, #tpu.memory_space<vmem_shared>>
      tpu.enqueue_dma source(%arg8 : memref<16x64xf32, #tpu.memory_space<vmem>>) target(%dma_start3A_530 : memref<16x64xf32, #tpu.memory_space<vmem_shared>>) target_semaphore(%run_scoped3A_526 : memref<!tpu.dma_semaphore, #tpu.memory_space<semaphore_mem>>)
      %dma_wait3A = arith.constant 0 : i32
      %dma_wait3A_531 = tpu.memref_slice %arg9[%add3A_447, %dma_wait3A] : memref<10240x64xf32, #tpu.memory_space<vmem_shared>> -> memref<16x64xf32, #tpu.memory_space<vmem_shared>>
      %dma_wait3A_532 = arith.constant 0 : i32
      %dma_wait3A_533 = tpu.memref_slice %arg9[%add3A_447, %dma_wait3A_532] : memref<10240x64xf32, #tpu.memory_space<vmem_shared>> -> memref<16x64xf32, #tpu.memory_space<vmem_shared>>
      tpu.wait_dma2 semaphore(%run_scoped3A_526 : memref<!tpu.dma_semaphore, #tpu.memory_space<semaphore_mem>>) src(%arg8 : memref<16x64xf32, #tpu.memory_space<vmem>>) dst(%dma_wait3A_533 : memref<16x64xf32, #tpu.memory_space<vmem_shared>>)
      tpu.yield
    }) : () -> ()
    %add3A_448 = arith.constant 512 : i32
    %add3A_449 = arith.addi %mul3A_384, %add3A_448 : i32
    "tpu.region"() ({
      %run_scoped3A_526 = tpu.sem_alloc : memref<!tpu.dma_semaphore, #tpu.memory_space<semaphore_mem>>
      %dma_start3A_527 = arith.constant 0 : i32
      %dma_start3A_528 = tpu.memref_slice %arg9[%add3A_449, %dma_start3A_527] : memref<10240x64xf32, #tpu.memory_space<vmem_shared>> -> memref<16x64xf32, #tpu.memory_space<vmem_shared>>
      %dma_start3A_529 = arith.constant 0 : i32
      %dma_start3A_530 = tpu.memref_slice %arg9[%add3A_449, %dma_start3A_529] : memref<10240x64xf32, #tpu.memory_space<vmem_shared>> -> memref<16x64xf32, #tpu.memory_space<vmem_shared>>
      tpu.enqueue_dma source(%arg8 : memref<16x64xf32, #tpu.memory_space<vmem>>) target(%dma_start3A_530 : memref<16x64xf32, #tpu.memory_space<vmem_shared>>) target_semaphore(%run_scoped3A_526 : memref<!tpu.dma_semaphore, #tpu.memory_space<semaphore_mem>>)
      %dma_wait3A = arith.constant 0 : i32
      %dma_wait3A_531 = tpu.memref_slice %arg9[%add3A_449, %dma_wait3A] : memref<10240x64xf32, #tpu.memory_space<vmem_shared>> -> memref<16x64xf32, #tpu.memory_space<vmem_shared>>
      %dma_wait3A_532 = arith.constant 0 : i32
      %dma_wait3A_533 = tpu.memref_slice %arg9[%add3A_449, %dma_wait3A_532] : memref<10240x64xf32, #tpu.memory_space<vmem_shared>> -> memref<16x64xf32, #tpu.memory_space<vmem_shared>>
      tpu.wait_dma2 semaphore(%run_scoped3A_526 : memref<!tpu.dma_semaphore, #tpu.memory_space<semaphore_mem>>) src(%arg8 : memref<16x64xf32, #tpu.memory_space<vmem>>) dst(%dma_wait3A_533 : memref<16x64xf32, #tpu.memory_space<vmem_shared>>)
      tpu.yield
    }) : () -> ()
    %add3A_450 = arith.constant 528 : i32
    %add3A_451 = arith.addi %mul3A_384, %add3A_450 : i32
    "tpu.region"() ({
      %run_scoped3A_526 = tpu.sem_alloc : memref<!tpu.dma_semaphore, #tpu.memory_space<semaphore_mem>>
      %dma_start3A_527 = arith.constant 0 : i32
      %dma_start3A_528 = tpu.memref_slice %arg9[%add3A_451, %dma_start3A_527] : memref<10240x64xf32, #tpu.memory_space<vmem_shared>> -> memref<16x64xf32, #tpu.memory_space<vmem_shared>>
      %dma_start3A_529 = arith.constant 0 : i32
      %dma_start3A_530 = tpu.memref_slice %arg9[%add3A_451, %dma_start3A_529] : memref<10240x64xf32, #tpu.memory_space<vmem_shared>> -> memref<16x64xf32, #tpu.memory_space<vmem_shared>>
      tpu.enqueue_dma source(%arg8 : memref<16x64xf32, #tpu.memory_space<vmem>>) target(%dma_start3A_530 : memref<16x64xf32, #tpu.memory_space<vmem_shared>>) target_semaphore(%run_scoped3A_526 : memref<!tpu.dma_semaphore, #tpu.memory_space<semaphore_mem>>)
      %dma_wait3A = arith.constant 0 : i32
      %dma_wait3A_531 = tpu.memref_slice %arg9[%add3A_451, %dma_wait3A] : memref<10240x64xf32, #tpu.memory_space<vmem_shared>> -> memref<16x64xf32, #tpu.memory_space<vmem_shared>>
      %dma_wait3A_532 = arith.constant 0 : i32
      %dma_wait3A_533 = tpu.memref_slice %arg9[%add3A_451, %dma_wait3A_532] : memref<10240x64xf32, #tpu.memory_space<vmem_shared>> -> memref<16x64xf32, #tpu.memory_space<vmem_shared>>
      tpu.wait_dma2 semaphore(%run_scoped3A_526 : memref<!tpu.dma_semaphore, #tpu.memory_space<semaphore_mem>>) src(%arg8 : memref<16x64xf32, #tpu.memory_space<vmem>>) dst(%dma_wait3A_533 : memref<16x64xf32, #tpu.memory_space<vmem_shared>>)
      tpu.yield
    }) : () -> ()
    %add3A_452 = arith.constant 544 : i32
    %add3A_453 = arith.addi %mul3A_384, %add3A_452 : i32
    "tpu.region"() ({
      %run_scoped3A_526 = tpu.sem_alloc : memref<!tpu.dma_semaphore, #tpu.memory_space<semaphore_mem>>
      %dma_start3A_527 = arith.constant 0 : i32
      %dma_start3A_528 = tpu.memref_slice %arg9[%add3A_453, %dma_start3A_527] : memref<10240x64xf32, #tpu.memory_space<vmem_shared>> -> memref<16x64xf32, #tpu.memory_space<vmem_shared>>
      %dma_start3A_529 = arith.constant 0 : i32
      %dma_start3A_530 = tpu.memref_slice %arg9[%add3A_453, %dma_start3A_529] : memref<10240x64xf32, #tpu.memory_space<vmem_shared>> -> memref<16x64xf32, #tpu.memory_space<vmem_shared>>
      tpu.enqueue_dma source(%arg8 : memref<16x64xf32, #tpu.memory_space<vmem>>) target(%dma_start3A_530 : memref<16x64xf32, #tpu.memory_space<vmem_shared>>) target_semaphore(%run_scoped3A_526 : memref<!tpu.dma_semaphore, #tpu.memory_space<semaphore_mem>>)
      %dma_wait3A = arith.constant 0 : i32
      %dma_wait3A_531 = tpu.memref_slice %arg9[%add3A_453, %dma_wait3A] : memref<10240x64xf32, #tpu.memory_space<vmem_shared>> -> memref<16x64xf32, #tpu.memory_space<vmem_shared>>
      %dma_wait3A_532 = arith.constant 0 : i32
      %dma_wait3A_533 = tpu.memref_slice %arg9[%add3A_453, %dma_wait3A_532] : memref<10240x64xf32, #tpu.memory_space<vmem_shared>> -> memref<16x64xf32, #tpu.memory_space<vmem_shared>>
      tpu.wait_dma2 semaphore(%run_scoped3A_526 : memref<!tpu.dma_semaphore, #tpu.memory_space<semaphore_mem>>) src(%arg8 : memref<16x64xf32, #tpu.memory_space<vmem>>) dst(%dma_wait3A_533 : memref<16x64xf32, #tpu.memory_space<vmem_shared>>)
      tpu.yield
    }) : () -> ()
    %add3A_454 = arith.constant 560 : i32
    %add3A_455 = arith.addi %mul3A_384, %add3A_454 : i32
    "tpu.region"() ({
      %run_scoped3A_526 = tpu.sem_alloc : memref<!tpu.dma_semaphore, #tpu.memory_space<semaphore_mem>>
      %dma_start3A_527 = arith.constant 0 : i32
      %dma_start3A_528 = tpu.memref_slice %arg9[%add3A_455, %dma_start3A_527] : memref<10240x64xf32, #tpu.memory_space<vmem_shared>> -> memref<16x64xf32, #tpu.memory_space<vmem_shared>>
      %dma_start3A_529 = arith.constant 0 : i32
      %dma_start3A_530 = tpu.memref_slice %arg9[%add3A_455, %dma_start3A_529] : memref<10240x64xf32, #tpu.memory_space<vmem_shared>> -> memref<16x64xf32, #tpu.memory_space<vmem_shared>>
      tpu.enqueue_dma source(%arg8 : memref<16x64xf32, #tpu.memory_space<vmem>>) target(%dma_start3A_530 : memref<16x64xf32, #tpu.memory_space<vmem_shared>>) target_semaphore(%run_scoped3A_526 : memref<!tpu.dma_semaphore, #tpu.memory_space<semaphore_mem>>)
      %dma_wait3A = arith.constant 0 : i32
      %dma_wait3A_531 = tpu.memref_slice %arg9[%add3A_455, %dma_wait3A] : memref<10240x64xf32, #tpu.memory_space<vmem_shared>> -> memref<16x64xf32, #tpu.memory_space<vmem_shared>>
      %dma_wait3A_532 = arith.constant 0 : i32
      %dma_wait3A_533 = tpu.memref_slice %arg9[%add3A_455, %dma_wait3A_532] : memref<10240x64xf32, #tpu.memory_space<vmem_shared>> -> memref<16x64xf32, #tpu.memory_space<vmem_shared>>
      tpu.wait_dma2 semaphore(%run_scoped3A_526 : memref<!tpu.dma_semaphore, #tpu.memory_space<semaphore_mem>>) src(%arg8 : memref<16x64xf32, #tpu.memory_space<vmem>>) dst(%dma_wait3A_533 : memref<16x64xf32, #tpu.memory_space<vmem_shared>>)
      tpu.yield
    }) : () -> ()
    %add3A_456 = arith.constant 576 : i32
    %add3A_457 = arith.addi %mul3A_384, %add3A_456 : i32
    "tpu.region"() ({
      %run_scoped3A_526 = tpu.sem_alloc : memref<!tpu.dma_semaphore, #tpu.memory_space<semaphore_mem>>
      %dma_start3A_527 = arith.constant 0 : i32
      %dma_start3A_528 = tpu.memref_slice %arg9[%add3A_457, %dma_start3A_527] : memref<10240x64xf32, #tpu.memory_space<vmem_shared>> -> memref<16x64xf32, #tpu.memory_space<vmem_shared>>
      %dma_start3A_529 = arith.constant 0 : i32
      %dma_start3A_530 = tpu.memref_slice %arg9[%add3A_457, %dma_start3A_529] : memref<10240x64xf32, #tpu.memory_space<vmem_shared>> -> memref<16x64xf32, #tpu.memory_space<vmem_shared>>
      tpu.enqueue_dma source(%arg8 : memref<16x64xf32, #tpu.memory_space<vmem>>) target(%dma_start3A_530 : memref<16x64xf32, #tpu.memory_space<vmem_shared>>) target_semaphore(%run_scoped3A_526 : memref<!tpu.dma_semaphore, #tpu.memory_space<semaphore_mem>>)
      %dma_wait3A = arith.constant 0 : i32
      %dma_wait3A_531 = tpu.memref_slice %arg9[%add3A_457, %dma_wait3A] : memref<10240x64xf32, #tpu.memory_space<vmem_shared>> -> memref<16x64xf32, #tpu.memory_space<vmem_shared>>
      %dma_wait3A_532 = arith.constant 0 : i32
      %dma_wait3A_533 = tpu.memref_slice %arg9[%add3A_457, %dma_wait3A_532] : memref<10240x64xf32, #tpu.memory_space<vmem_shared>> -> memref<16x64xf32, #tpu.memory_space<vmem_shared>>
      tpu.wait_dma2 semaphore(%run_scoped3A_526 : memref<!tpu.dma_semaphore, #tpu.memory_space<semaphore_mem>>) src(%arg8 : memref<16x64xf32, #tpu.memory_space<vmem>>) dst(%dma_wait3A_533 : memref<16x64xf32, #tpu.memory_space<vmem_shared>>)
      tpu.yield
    }) : () -> ()
    %add3A_458 = arith.constant 592 : i32
    %add3A_459 = arith.addi %mul3A_384, %add3A_458 : i32
    "tpu.region"() ({
      %run_scoped3A_526 = tpu.sem_alloc : memref<!tpu.dma_semaphore, #tpu.memory_space<semaphore_mem>>
      %dma_start3A_527 = arith.constant 0 : i32
      %dma_start3A_528 = tpu.memref_slice %arg9[%add3A_459, %dma_start3A_527] : memref<10240x64xf32, #tpu.memory_space<vmem_shared>> -> memref<16x64xf32, #tpu.memory_space<vmem_shared>>
      %dma_start3A_529 = arith.constant 0 : i32
      %dma_start3A_530 = tpu.memref_slice %arg9[%add3A_459, %dma_start3A_529] : memref<10240x64xf32, #tpu.memory_space<vmem_shared>> -> memref<16x64xf32, #tpu.memory_space<vmem_shared>>
      tpu.enqueue_dma source(%arg8 : memref<16x64xf32, #tpu.memory_space<vmem>>) target(%dma_start3A_530 : memref<16x64xf32, #tpu.memory_space<vmem_shared>>) target_semaphore(%run_scoped3A_526 : memref<!tpu.dma_semaphore, #tpu.memory_space<semaphore_mem>>)
      %dma_wait3A = arith.constant 0 : i32
      %dma_wait3A_531 = tpu.memref_slice %arg9[%add3A_459, %dma_wait3A] : memref<10240x64xf32, #tpu.memory_space<vmem_shared>> -> memref<16x64xf32, #tpu.memory_space<vmem_shared>>
      %dma_wait3A_532 = arith.constant 0 : i32
      %dma_wait3A_533 = tpu.memref_slice %arg9[%add3A_459, %dma_wait3A_532] : memref<10240x64xf32, #tpu.memory_space<vmem_shared>> -> memref<16x64xf32, #tpu.memory_space<vmem_shared>>
      tpu.wait_dma2 semaphore(%run_scoped3A_526 : memref<!tpu.dma_semaphore, #tpu.memory_space<semaphore_mem>>) src(%arg8 : memref<16x64xf32, #tpu.memory_space<vmem>>) dst(%dma_wait3A_533 : memref<16x64xf32, #tpu.memory_space<vmem_shared>>)
      tpu.yield
    }) : () -> ()
    %add3A_460 = arith.constant 608 : i32
    %add3A_461 = arith.addi %mul3A_384, %add3A_460 : i32
    "tpu.region"() ({
      %run_scoped3A_526 = tpu.sem_alloc : memref<!tpu.dma_semaphore, #tpu.memory_space<semaphore_mem>>
      %dma_start3A_527 = arith.constant 0 : i32
      %dma_start3A_528 = tpu.memref_slice %arg9[%add3A_461, %dma_start3A_527] : memref<10240x64xf32, #tpu.memory_space<vmem_shared>> -> memref<16x64xf32, #tpu.memory_space<vmem_shared>>
      %dma_start3A_529 = arith.constant 0 : i32
      %dma_start3A_530 = tpu.memref_slice %arg9[%add3A_461, %dma_start3A_529] : memref<10240x64xf32, #tpu.memory_space<vmem_shared>> -> memref<16x64xf32, #tpu.memory_space<vmem_shared>>
      tpu.enqueue_dma source(%arg8 : memref<16x64xf32, #tpu.memory_space<vmem>>) target(%dma_start3A_530 : memref<16x64xf32, #tpu.memory_space<vmem_shared>>) target_semaphore(%run_scoped3A_526 : memref<!tpu.dma_semaphore, #tpu.memory_space<semaphore_mem>>)
      %dma_wait3A = arith.constant 0 : i32
      %dma_wait3A_531 = tpu.memref_slice %arg9[%add3A_461, %dma_wait3A] : memref<10240x64xf32, #tpu.memory_space<vmem_shared>> -> memref<16x64xf32, #tpu.memory_space<vmem_shared>>
      %dma_wait3A_532 = arith.constant 0 : i32
      %dma_wait3A_533 = tpu.memref_slice %arg9[%add3A_461, %dma_wait3A_532] : memref<10240x64xf32, #tpu.memory_space<vmem_shared>> -> memref<16x64xf32, #tpu.memory_space<vmem_shared>>
      tpu.wait_dma2 semaphore(%run_scoped3A_526 : memref<!tpu.dma_semaphore, #tpu.memory_space<semaphore_mem>>) src(%arg8 : memref<16x64xf32, #tpu.memory_space<vmem>>) dst(%dma_wait3A_533 : memref<16x64xf32, #tpu.memory_space<vmem_shared>>)
      tpu.yield
    }) : () -> ()
    %add3A_462 = arith.constant 624 : i32
    %add3A_463 = arith.addi %mul3A_384, %add3A_462 : i32
    "tpu.region"() ({
      %run_scoped3A_526 = tpu.sem_alloc : memref<!tpu.dma_semaphore, #tpu.memory_space<semaphore_mem>>
      %dma_start3A_527 = arith.constant 0 : i32
      %dma_start3A_528 = tpu.memref_slice %arg9[%add3A_463, %dma_start3A_527] : memref<10240x64xf32, #tpu.memory_space<vmem_shared>> -> memref<16x64xf32, #tpu.memory_space<vmem_shared>>
      %dma_start3A_529 = arith.constant 0 : i32
      %dma_start3A_530 = tpu.memref_slice %arg9[%add3A_463, %dma_start3A_529] : memref<10240x64xf32, #tpu.memory_space<vmem_shared>> -> memref<16x64xf32, #tpu.memory_space<vmem_shared>>
      tpu.enqueue_dma source(%arg8 : memref<16x64xf32, #tpu.memory_space<vmem>>) target(%dma_start3A_530 : memref<16x64xf32, #tpu.memory_space<vmem_shared>>) target_semaphore(%run_scoped3A_526 : memref<!tpu.dma_semaphore, #tpu.memory_space<semaphore_mem>>)
      %dma_wait3A = arith.constant 0 : i32
      %dma_wait3A_531 = tpu.memref_slice %arg9[%add3A_463, %dma_wait3A] : memref<10240x64xf32, #tpu.memory_space<vmem_shared>> -> memref<16x64xf32, #tpu.memory_space<vmem_shared>>
      %dma_wait3A_532 = arith.constant 0 : i32
      %dma_wait3A_533 = tpu.memref_slice %arg9[%add3A_463, %dma_wait3A_532] : memref<10240x64xf32, #tpu.memory_space<vmem_shared>> -> memref<16x64xf32, #tpu.memory_space<vmem_shared>>
      tpu.wait_dma2 semaphore(%run_scoped3A_526 : memref<!tpu.dma_semaphore, #tpu.memory_space<semaphore_mem>>) src(%arg8 : memref<16x64xf32, #tpu.memory_space<vmem>>) dst(%dma_wait3A_533 : memref<16x64xf32, #tpu.memory_space<vmem_shared>>)
      tpu.yield
    }) : () -> ()
    %barrier3A = arith.constant 0 : index
    tpu.barrier barrier_id(%barrier3A)
    %mul3A_464 = arith.constant 20000 : i32
    %mul3A_465 = arith.muli %arg1, %mul3A_464 : i32
    %run_scoped3A = arith.constant 1 : i32
    "tpu.region"() ({
      %run_scoped3A_526 = tpu.sem_alloc : memref<!tpu.dma_semaphore, #tpu.memory_space<semaphore_mem>>
      %dma_start3A_527 = arith.constant 0 : i32
      %dma_start3A_528 = tpu.memref_slice %arg3[%run_scoped3A, %dma_start3A_527] : memref<2x320000xi32, #tpu.memory_space<hbm>> -> memref<1x320000xi32, #tpu.memory_space<hbm>>
      %dma_start3A_529 = tpu.memref_squeeze %dma_start3A_528 : memref<1x320000xi32, #tpu.memory_space<hbm>> -> memref<320000xi32, #tpu.memory_space<hbm>>
      %dma_start3A_530 = tpu.memref_slice %dma_start3A_529[%mul3A_465] : memref<320000xi32, #tpu.memory_space<hbm>> -> memref<20000xi32, #tpu.memory_space<hbm>>
      %dma_start3A_531 = arith.constant 0 : i32
      %dma_start3A_532 = tpu.memref_slice %arg3[%run_scoped3A, %dma_start3A_531] : memref<2x320000xi32, #tpu.memory_space<hbm>> -> memref<1x320000xi32, #tpu.memory_space<hbm>>
      %dma_start3A_533 = tpu.memref_squeeze %dma_start3A_532 : memref<1x320000xi32, #tpu.memory_space<hbm>> -> memref<320000xi32, #tpu.memory_space<hbm>>
      %dma_start3A_534 = tpu.memref_slice %dma_start3A_533[%mul3A_465] : memref<320000xi32, #tpu.memory_space<hbm>> -> memref<20000xi32, #tpu.memory_space<hbm>>
      tpu.enqueue_dma source(%dma_start3A_534 : memref<20000xi32, #tpu.memory_space<hbm>>) target(%arg5 : memref<20000xi32, #tpu.memory_space<vmem>>) target_semaphore(%run_scoped3A_526 : memref<!tpu.dma_semaphore, #tpu.memory_space<semaphore_mem>>)
      %dma_wait3A = arith.constant 0 : i32
      %dma_wait3A_535 = tpu.memref_slice %arg3[%run_scoped3A, %dma_wait3A] : memref<2x320000xi32, #tpu.memory_space<hbm>> -> memref<1x320000xi32, #tpu.memory_space<hbm>>
      %dma_wait3A_536 = tpu.memref_squeeze %dma_wait3A_535 : memref<1x320000xi32, #tpu.memory_space<hbm>> -> memref<320000xi32, #tpu.memory_space<hbm>>
      %dma_wait3A_537 = tpu.memref_slice %dma_wait3A_536[%mul3A_465] : memref<320000xi32, #tpu.memory_space<hbm>> -> memref<20000xi32, #tpu.memory_space<hbm>>
      %dma_wait3A_538 = arith.constant 0 : i32
      %dma_wait3A_539 = tpu.memref_slice %arg3[%run_scoped3A, %dma_wait3A_538] : memref<2x320000xi32, #tpu.memory_space<hbm>> -> memref<1x320000xi32, #tpu.memory_space<hbm>>
      %dma_wait3A_540 = tpu.memref_squeeze %dma_wait3A_539 : memref<1x320000xi32, #tpu.memory_space<hbm>> -> memref<320000xi32, #tpu.memory_space<hbm>>
      %dma_wait3A_541 = tpu.memref_slice %dma_wait3A_540[%mul3A_465] : memref<320000xi32, #tpu.memory_space<hbm>> -> memref<20000xi32, #tpu.memory_space<hbm>>
      tpu.wait_dma2 semaphore(%run_scoped3A_526 : memref<!tpu.dma_semaphore, #tpu.memory_space<semaphore_mem>>) src(%dma_wait3A_541 : memref<20000xi32, #tpu.memory_space<hbm>>) dst(%arg5 : memref<20000xi32, #tpu.memory_space<vmem>>)
      tpu.yield
    }) : () -> ()
    %mul3A_466 = arith.constant 20000 : i32
    %mul3A_467 = arith.muli %arg1, %mul3A_466 : i32
    %run_scoped3A_468 = arith.constant 0 : i32
    "tpu.region"() ({
      %run_scoped3A_526 = tpu.sem_alloc : memref<!tpu.dma_semaphore, #tpu.memory_space<semaphore_mem>>
      %dma_start3A_527 = arith.constant 0 : i32
      %dma_start3A_528 = tpu.memref_slice %arg3[%run_scoped3A_468, %dma_start3A_527] : memref<2x320000xi32, #tpu.memory_space<hbm>> -> memref<1x320000xi32, #tpu.memory_space<hbm>>
      %dma_start3A_529 = tpu.memref_squeeze %dma_start3A_528 : memref<1x320000xi32, #tpu.memory_space<hbm>> -> memref<320000xi32, #tpu.memory_space<hbm>>
      %dma_start3A_530 = tpu.memref_slice %dma_start3A_529[%mul3A_467] : memref<320000xi32, #tpu.memory_space<hbm>> -> memref<20000xi32, #tpu.memory_space<hbm>>
      %dma_start3A_531 = arith.constant 0 : i32
      %dma_start3A_532 = tpu.memref_slice %arg3[%run_scoped3A_468, %dma_start3A_531] : memref<2x320000xi32, #tpu.memory_space<hbm>> -> memref<1x320000xi32, #tpu.memory_space<hbm>>
      %dma_start3A_533 = tpu.memref_squeeze %dma_start3A_532 : memref<1x320000xi32, #tpu.memory_space<hbm>> -> memref<320000xi32, #tpu.memory_space<hbm>>
      %dma_start3A_534 = tpu.memref_slice %dma_start3A_533[%mul3A_467] : memref<320000xi32, #tpu.memory_space<hbm>> -> memref<20000xi32, #tpu.memory_space<hbm>>
      tpu.enqueue_dma source(%dma_start3A_534 : memref<20000xi32, #tpu.memory_space<hbm>>) target(%arg6 : memref<20000xi32, #tpu.memory_space<vmem>>) target_semaphore(%run_scoped3A_526 : memref<!tpu.dma_semaphore, #tpu.memory_space<semaphore_mem>>)
      %dma_wait3A = arith.constant 0 : i32
      %dma_wait3A_535 = tpu.memref_slice %arg3[%run_scoped3A_468, %dma_wait3A] : memref<2x320000xi32, #tpu.memory_space<hbm>> -> memref<1x320000xi32, #tpu.memory_space<hbm>>
      %dma_wait3A_536 = tpu.memref_squeeze %dma_wait3A_535 : memref<1x320000xi32, #tpu.memory_space<hbm>> -> memref<320000xi32, #tpu.memory_space<hbm>>
      %dma_wait3A_537 = tpu.memref_slice %dma_wait3A_536[%mul3A_467] : memref<320000xi32, #tpu.memory_space<hbm>> -> memref<20000xi32, #tpu.memory_space<hbm>>
      %dma_wait3A_538 = arith.constant 0 : i32
      %dma_wait3A_539 = tpu.memref_slice %arg3[%run_scoped3A_468, %dma_wait3A_538] : memref<2x320000xi32, #tpu.memory_space<hbm>> -> memref<1x320000xi32, #tpu.memory_space<hbm>>
      %dma_wait3A_540 = tpu.memref_squeeze %dma_wait3A_539 : memref<1x320000xi32, #tpu.memory_space<hbm>> -> memref<320000xi32, #tpu.memory_space<hbm>>
      %dma_wait3A_541 = tpu.memref_slice %dma_wait3A_540[%mul3A_467] : memref<320000xi32, #tpu.memory_space<hbm>> -> memref<20000xi32, #tpu.memory_space<hbm>>
      tpu.wait_dma2 semaphore(%run_scoped3A_526 : memref<!tpu.dma_semaphore, #tpu.memory_space<semaphore_mem>>) src(%dma_wait3A_541 : memref<20000xi32, #tpu.memory_space<hbm>>) dst(%arg6 : memref<20000xi32, #tpu.memory_space<vmem>>)
      tpu.yield
    }) : () -> ()
    %dma_start3A = arith.constant 0 : i32
    %dma_start3A_469 = arith.constant 0 : i32
    %dma_start3A_470 = arith.constant 0 : i32
    %dma_start3A_471 = tpu.memref_slice %arg7[%dma_start3A, %dma_start3A_469, %dma_start3A_470] : memref<4x160x64xf32, #tpu.memory_space<vmem>> -> memref<1x160x64xf32, #tpu.memory_space<vmem>>
    %dma_start3A_472 = tpu.memref_squeeze %dma_start3A_471 : memref<1x160x64xf32, #tpu.memory_space<vmem>> -> memref<160x64xf32, #tpu.memory_space<vmem>>
    %dma_start3A_473 = arith.constant 0 : i32
    %dma_start3A_474 = tpu.memref_slice %arg5[%dma_start3A_473] : memref<20000xi32, #tpu.memory_space<vmem>> -> memref<160xi32, #tpu.memory_space<vmem>>
    %dma_start3A_475 = arith.constant 0 : i32
    %dma_start3A_476 = arith.constant 0 : i32
    %dma_start3A_477 = tpu.memref_slice %arg2[%arg0, %dma_start3A_475, %dma_start3A_476] : memref<2x10000x64xf32, #tpu.memory_space<hbm>> -> memref<1x10000x64xf32, #tpu.memory_space<hbm>>
    %dma_start3A_478 = tpu.memref_squeeze %dma_start3A_477 : memref<1x10000x64xf32, #tpu.memory_space<hbm>> -> memref<10000x64xf32, #tpu.memory_space<hbm>>
    %dma_start3A_479 = arith.constant 0 : i32
    %dma_start3A_480 = arith.constant 0 : i32
    %dma_start3A_481 = tpu.memref_slice %dma_start3A_478[%dma_start3A_479, %dma_start3A_480] : memref<10000x64xf32, #tpu.memory_space<hbm>> -> memref<10000x64xf32, #tpu.memory_space<hbm>>
    tpu.enqueue_indirect_dma source(%dma_start3A_481 : memref<10000x64xf32, #tpu.memory_space<hbm>>) target(%dma_start3A_472 : memref<160x64xf32, #tpu.memory_space<vmem>>) offsets(%dma_start3A_474 : memref<160xi32, #tpu.memory_space<vmem>>) semaphore(%arg10 : memref<!tpu.dma_semaphore, #tpu.memory_space<semaphore_mem>>)
    %dma_start3A_482 = arith.constant 1 : i32
    %dma_start3A_483 = arith.constant 0 : i32
    %dma_start3A_484 = arith.constant 0 : i32
    %dma_start3A_485 = tpu.memref_slice %arg7[%dma_start3A_482, %dma_start3A_483, %dma_start3A_484] : memref<4x160x64xf32, #tpu.memory_space<vmem>> -> memref<1x160x64xf32, #tpu.memory_space<vmem>>
    %dma_start3A_486 = tpu.memref_squeeze %dma_start3A_485 : memref<1x160x64xf32, #tpu.memory_space<vmem>> -> memref<160x64xf32, #tpu.memory_space<vmem>>
    %dma_start3A_487 = arith.constant 160 : i32
    %dma_start3A_488 = tpu.memref_slice %arg5[%dma_start3A_487] : memref<20000xi32, #tpu.memory_space<vmem>> -> memref<160xi32, #tpu.memory_space<vmem>>
    %dma_start3A_489 = arith.constant 0 : i32
    %dma_start3A_490 = arith.constant 0 : i32
    %dma_start3A_491 = tpu.memref_slice %arg2[%arg0, %dma_start3A_489, %dma_start3A_490] : memref<2x10000x64xf32, #tpu.memory_space<hbm>> -> memref<1x10000x64xf32, #tpu.memory_space<hbm>>
    %dma_start3A_492 = tpu.memref_squeeze %dma_start3A_491 : memref<1x10000x64xf32, #tpu.memory_space<hbm>> -> memref<10000x64xf32, #tpu.memory_space<hbm>>
    %dma_start3A_493 = arith.constant 0 : i32
    %dma_start3A_494 = arith.constant 0 : i32
    %dma_start3A_495 = tpu.memref_slice %dma_start3A_492[%dma_start3A_493, %dma_start3A_494] : memref<10000x64xf32, #tpu.memory_space<hbm>> -> memref<10000x64xf32, #tpu.memory_space<hbm>>
    tpu.enqueue_indirect_dma source(%dma_start3A_495 : memref<10000x64xf32, #tpu.memory_space<hbm>>) target(%dma_start3A_486 : memref<160x64xf32, #tpu.memory_space<vmem>>) offsets(%dma_start3A_488 : memref<160xi32, #tpu.memory_space<vmem>>) semaphore(%arg11 : memref<!tpu.dma_semaphore, #tpu.memory_space<semaphore_mem>>)
    %dma_start3A_496 = arith.constant 2 : i32
    %dma_start3A_497 = arith.constant 0 : i32
    %dma_start3A_498 = arith.constant 0 : i32
    %dma_start3A_499 = tpu.memref_slice %arg7[%dma_start3A_496, %dma_start3A_497, %dma_start3A_498] : memref<4x160x64xf32, #tpu.memory_space<vmem>> -> memref<1x160x64xf32, #tpu.memory_space<vmem>>
    %dma_start3A_500 = tpu.memref_squeeze %dma_start3A_499 : memref<1x160x64xf32, #tpu.memory_space<vmem>> -> memref<160x64xf32, #tpu.memory_space<vmem>>
    %dma_start3A_501 = arith.constant 320 : i32
    %dma_start3A_502 = tpu.memref_slice %arg5[%dma_start3A_501] : memref<20000xi32, #tpu.memory_space<vmem>> -> memref<160xi32, #tpu.memory_space<vmem>>
    %dma_start3A_503 = arith.constant 0 : i32
    %dma_start3A_504 = arith.constant 0 : i32
    %dma_start3A_505 = tpu.memref_slice %arg2[%arg0, %dma_start3A_503, %dma_start3A_504] : memref<2x10000x64xf32, #tpu.memory_space<hbm>> -> memref<1x10000x64xf32, #tpu.memory_space<hbm>>
    %dma_start3A_506 = tpu.memref_squeeze %dma_start3A_505 : memref<1x10000x64xf32, #tpu.memory_space<hbm>> -> memref<10000x64xf32, #tpu.memory_space<hbm>>
    %dma_start3A_507 = arith.constant 0 : i32
    %dma_start3A_508 = arith.constant 0 : i32
    %dma_start3A_509 = tpu.memref_slice %dma_start3A_506[%dma_start3A_507, %dma_start3A_508] : memref<10000x64xf32, #tpu.memory_space<hbm>> -> memref<10000x64xf32, #tpu.memory_space<hbm>>
    tpu.enqueue_indirect_dma source(%dma_start3A_509 : memref<10000x64xf32, #tpu.memory_space<hbm>>) target(%dma_start3A_500 : memref<160x64xf32, #tpu.memory_space<vmem>>) offsets(%dma_start3A_502 : memref<160xi32, #tpu.memory_space<vmem>>) semaphore(%arg12 : memref<!tpu.dma_semaphore, #tpu.memory_space<semaphore_mem>>)
    %scan3A = arith.constant 0 : i32
    %scan3A_510 = arith.constant 0 : i32
    %scan3A_511 = arith.constant 32 : i32
    %scan3A_512 = arith.addi %scan3A_510, %scan3A_511 : i32
    %scan3A_513 = arith.constant 1 : i32
    scf.for %scan3A_526 = %scan3A_510 to %scan3A_512 step %scan3A_513  : i32 {
      %mul3A_527 = arith.constant 4 : i32
      %mul3A_528 = arith.muli %scan3A_526, %mul3A_527 : i32
      %add3A_529 = arith.constant 0 : i32
      %add3A_530 = arith.addi %mul3A_528, %add3A_529 : i32
      %add3A_531 = arith.constant 4 : i32
      %add3A_532 = arith.addi %add3A_530, %add3A_531 : i32
      %sub3A = arith.constant 1 : i32
      %sub3A_533 = arith.subi %add3A_532, %sub3A : i32
      %lt3A = arith.constant 125 : i32
      %lt3A_534 = arith.cmpi slt, %sub3A_533, %lt3A : i32
      %convert_element_type3A = arith.extui %lt3A_534 : i1 to i32
      %cond3A = arith.constant 0 : i32
      %cond3A_535 = arith.cmpi ne, %convert_element_type3A, %cond3A : i32
      scf.if %cond3A_535 {
        %add3A_595 = arith.constant 4 : i32
        %add3A_596 = arith.addi %add3A_530, %add3A_595 : i32
        %sub3A_597 = arith.constant 1 : i32
        %sub3A_598 = arith.subi %add3A_596, %sub3A_597 : i32
        %mul3A_599 = arith.constant 160 : i32
        %mul3A_600 = arith.muli %sub3A_598, %mul3A_599 : i32
        %dma_start3A_601 = arith.constant 3 : i32
        %dma_start3A_602 = arith.constant 0 : i32
        %dma_start3A_603 = arith.constant 0 : i32
        %dma_start3A_604 = tpu.memref_slice %arg7[%dma_start3A_601, %dma_start3A_602, %dma_start3A_603] : memref<4x160x64xf32, #tpu.memory_space<vmem>> -> memref<1x160x64xf32, #tpu.memory_space<vmem>>
        %dma_start3A_605 = tpu.memref_squeeze %dma_start3A_604 : memref<1x160x64xf32, #tpu.memory_space<vmem>> -> memref<160x64xf32, #tpu.memory_space<vmem>>
        %dma_start3A_606 = tpu.memref_slice %arg5[%mul3A_600] : memref<20000xi32, #tpu.memory_space<vmem>> -> memref<160xi32, #tpu.memory_space<vmem>>
        %dma_start3A_607 = arith.constant 0 : i32
        %dma_start3A_608 = arith.constant 0 : i32
        %dma_start3A_609 = tpu.memref_slice %arg2[%arg0, %dma_start3A_607, %dma_start3A_608] : memref<2x10000x64xf32, #tpu.memory_space<hbm>> -> memref<1x10000x64xf32, #tpu.memory_space<hbm>>
        %dma_start3A_610 = tpu.memref_squeeze %dma_start3A_609 : memref<1x10000x64xf32, #tpu.memory_space<hbm>> -> memref<10000x64xf32, #tpu.memory_space<hbm>>
        %dma_start3A_611 = arith.constant 0 : i32
        %dma_start3A_612 = arith.constant 0 : i32
        %dma_start3A_613 = tpu.memref_slice %dma_start3A_610[%dma_start3A_611, %dma_start3A_612] : memref<10000x64xf32, #tpu.memory_space<hbm>> -> memref<10000x64xf32, #tpu.memory_space<hbm>>
        tpu.enqueue_indirect_dma source(%dma_start3A_613 : memref<10000x64xf32, #tpu.memory_space<hbm>>) target(%dma_start3A_605 : memref<160x64xf32, #tpu.memory_space<vmem>>) offsets(%dma_start3A_606 : memref<160xi32, #tpu.memory_space<vmem>>) semaphore(%arg13 : memref<!tpu.dma_semaphore, #tpu.memory_space<semaphore_mem>>)
      } else {
      }
      %lt3A_536 = arith.constant 125 : i32
      %lt3A_537 = arith.cmpi slt, %add3A_530, %lt3A_536 : i32
      %convert_element_type3A_538 = arith.extui %lt3A_537 : i1 to i32
      %cond3A_539 = arith.constant 0 : i32
      %cond3A_540 = arith.cmpi ne, %convert_element_type3A_538, %cond3A_539 : i32
      scf.if %cond3A_540 {
        %mul3A_595 = arith.constant 160 : i32
        %mul3A_596 = arith.muli %add3A_530, %mul3A_595 : i32
        %dma_wait3A = arith.constant 0 : i32
        %dma_wait3A_597 = arith.constant 0 : i32
        %dma_wait3A_598 = arith.constant 0 : i32
        %dma_wait3A_599 = tpu.memref_slice %arg7[%dma_wait3A, %dma_wait3A_597, %dma_wait3A_598] : memref<4x160x64xf32, #tpu.memory_space<vmem>> -> memref<1x160x64xf32, #tpu.memory_space<vmem>>
        %dma_wait3A_600 = tpu.memref_squeeze %dma_wait3A_599 : memref<1x160x64xf32, #tpu.memory_space<vmem>> -> memref<160x64xf32, #tpu.memory_space<vmem>>
        %dma_wait3A_601 = tpu.memref_slice %arg5[%mul3A_596] : memref<20000xi32, #tpu.memory_space<vmem>> -> memref<160xi32, #tpu.memory_space<vmem>>
        %dma_wait3A_602 = arith.constant 0 : i32
        %dma_wait3A_603 = arith.constant 0 : i32
        %dma_wait3A_604 = tpu.memref_slice %arg2[%arg0, %dma_wait3A_602, %dma_wait3A_603] : memref<2x10000x64xf32, #tpu.memory_space<hbm>> -> memref<1x10000x64xf32, #tpu.memory_space<hbm>>
        %dma_wait3A_605 = tpu.memref_squeeze %dma_wait3A_604 : memref<1x10000x64xf32, #tpu.memory_space<hbm>> -> memref<10000x64xf32, #tpu.memory_space<hbm>>
        %dma_wait3A_606 = arith.constant 0 : i32
        %dma_wait3A_607 = arith.constant 0 : i32
        %dma_wait3A_608 = tpu.memref_slice %dma_wait3A_605[%dma_wait3A_606, %dma_wait3A_607] : memref<10000x64xf32, #tpu.memory_space<hbm>> -> memref<10000x64xf32, #tpu.memory_space<hbm>>
        tpu.wait_indirect_dma semaphore(%arg10 : memref<!tpu.dma_semaphore, #tpu.memory_space<semaphore_mem>>) src(%dma_wait3A_608 : memref<10000x64xf32, #tpu.memory_space<hbm>>) dst(%dma_wait3A_600 : memref<160x64xf32, #tpu.memory_space<vmem>>)
        %mul3A_609 = arith.constant 160 : i32
        %mul3A_610 = arith.muli %add3A_530, %mul3A_609 : i32
        %run_scoped3A_611 = arith.constant 0 : i32
        "tpu.region"() ({
          %run_scoped3A_612 = tpu.sem_alloc : memref<!tpu.dma_semaphore, #tpu.memory_space<semaphore_mem>>
          %dma_start3A_613 = arith.constant 0 : i32
          %dma_start3A_614 = arith.constant 0 : i32
          %dma_start3A_615 = tpu.memref_slice %arg7[%run_scoped3A_611, %dma_start3A_613, %dma_start3A_614] : memref<4x160x64xf32, #tpu.memory_space<vmem>> -> memref<1x160x64xf32, #tpu.memory_space<vmem>>
          %dma_start3A_616 = tpu.memref_squeeze %dma_start3A_615 : memref<1x160x64xf32, #tpu.memory_space<vmem>> -> memref<160x64xf32, #tpu.memory_space<vmem>>
          %dma_start3A_617 = tpu.memref_slice %arg6[%mul3A_610] : memref<20000xi32, #tpu.memory_space<vmem>> -> memref<160xi32, #tpu.memory_space<vmem>>
          %dma_start3A_618 = arith.constant 0 : i32
          %dma_start3A_619 = arith.constant 0 : i32
          %dma_start3A_620 = tpu.memref_slice %arg9[%dma_start3A_618, %dma_start3A_619] : memref<10240x64xf32, #tpu.memory_space<vmem_shared>> -> memref<10240x64xf32, #tpu.memory_space<vmem_shared>>
          tpu.enqueue_indirect_dma source(%dma_start3A_616 : memref<160x64xf32, #tpu.memory_space<vmem>>) target(%dma_start3A_620 : memref<10240x64xf32, #tpu.memory_space<vmem_shared>>) offsets(%dma_start3A_617 : memref<160xi32, #tpu.memory_space<vmem>>) semaphore(%run_scoped3A_612 : memref<!tpu.dma_semaphore, #tpu.memory_space<semaphore_mem>>) {add = true}
          %dma_wait3A_621 = arith.constant 0 : i32
          %dma_wait3A_622 = arith.constant 0 : i32
          %dma_wait3A_623 = tpu.memref_slice %arg7[%run_scoped3A_611, %dma_wait3A_621, %dma_wait3A_622] : memref<4x160x64xf32, #tpu.memory_space<vmem>> -> memref<1x160x64xf32, #tpu.memory_space<vmem>>
          %dma_wait3A_624 = tpu.memref_squeeze %dma_wait3A_623 : memref<1x160x64xf32, #tpu.memory_space<vmem>> -> memref<160x64xf32, #tpu.memory_space<vmem>>
          %dma_wait3A_625 = tpu.memref_slice %arg6[%mul3A_610] : memref<20000xi32, #tpu.memory_space<vmem>> -> memref<160xi32, #tpu.memory_space<vmem>>
          %dma_wait3A_626 = arith.constant 0 : i32
          %dma_wait3A_627 = arith.constant 0 : i32
          %dma_wait3A_628 = tpu.memref_slice %arg9[%dma_wait3A_626, %dma_wait3A_627] : memref<10240x64xf32, #tpu.memory_space<vmem_shared>> -> memref<10240x64xf32, #tpu.memory_space<vmem_shared>>
          tpu.wait_indirect_dma semaphore(%run_scoped3A_612 : memref<!tpu.dma_semaphore, #tpu.memory_space<semaphore_mem>>) src(%dma_wait3A_624 : memref<160x64xf32, #tpu.memory_space<vmem>>) dst(%dma_wait3A_628 : memref<10240x64xf32, #tpu.memory_space<vmem_shared>>)
          tpu.yield
        }) : () -> ()
      } else {
      }
      %mul3A_541 = arith.constant 4 : i32
      %mul3A_542 = arith.muli %scan3A_526, %mul3A_541 : i32
      %add3A_543 = arith.constant 1 : i32
      %add3A_544 = arith.addi %mul3A_542, %add3A_543 : i32
      %add3A_545 = arith.constant 4 : i32
      %add3A_546 = arith.addi %add3A_544, %add3A_545 : i32
      %sub3A_547 = arith.constant 1 : i32
      %sub3A_548 = arith.subi %add3A_546, %sub3A_547 : i32
      %lt3A_549 = arith.constant 125 : i32
      %lt3A_550 = arith.cmpi slt, %sub3A_548, %lt3A_549 : i32
      %convert_element_type3A_551 = arith.extui %lt3A_550 : i1 to i32
      %cond3A_552 = arith.constant 0 : i32
      %cond3A_553 = arith.cmpi ne, %convert_element_type3A_551, %cond3A_552 : i32
      scf.if %cond3A_553 {
        %add3A_595 = arith.constant 4 : i32
        %add3A_596 = arith.addi %add3A_544, %add3A_595 : i32
        %sub3A_597 = arith.constant 1 : i32
        %sub3A_598 = arith.subi %add3A_596, %sub3A_597 : i32
        %mul3A_599 = arith.constant 160 : i32
        %mul3A_600 = arith.muli %sub3A_598, %mul3A_599 : i32
        %dma_start3A_601 = arith.constant 0 : i32
        %dma_start3A_602 = arith.constant 0 : i32
        %dma_start3A_603 = arith.constant 0 : i32
        %dma_start3A_604 = tpu.memref_slice %arg7[%dma_start3A_601, %dma_start3A_602, %dma_start3A_603] : memref<4x160x64xf32, #tpu.memory_space<vmem>> -> memref<1x160x64xf32, #tpu.memory_space<vmem>>
        %dma_start3A_605 = tpu.memref_squeeze %dma_start3A_604 : memref<1x160x64xf32, #tpu.memory_space<vmem>> -> memref<160x64xf32, #tpu.memory_space<vmem>>
        %dma_start3A_606 = tpu.memref_slice %arg5[%mul3A_600] : memref<20000xi32, #tpu.memory_space<vmem>> -> memref<160xi32, #tpu.memory_space<vmem>>
        %dma_start3A_607 = arith.constant 0 : i32
        %dma_start3A_608 = arith.constant 0 : i32
        %dma_start3A_609 = tpu.memref_slice %arg2[%arg0, %dma_start3A_607, %dma_start3A_608] : memref<2x10000x64xf32, #tpu.memory_space<hbm>> -> memref<1x10000x64xf32, #tpu.memory_space<hbm>>
        %dma_start3A_610 = tpu.memref_squeeze %dma_start3A_609 : memref<1x10000x64xf32, #tpu.memory_space<hbm>> -> memref<10000x64xf32, #tpu.memory_space<hbm>>
        %dma_start3A_611 = arith.constant 0 : i32
        %dma_start3A_612 = arith.constant 0 : i32
        %dma_start3A_613 = tpu.memref_slice %dma_start3A_610[%dma_start3A_611, %dma_start3A_612] : memref<10000x64xf32, #tpu.memory_space<hbm>> -> memref<10000x64xf32, #tpu.memory_space<hbm>>
        tpu.enqueue_indirect_dma source(%dma_start3A_613 : memref<10000x64xf32, #tpu.memory_space<hbm>>) target(%dma_start3A_605 : memref<160x64xf32, #tpu.memory_space<vmem>>) offsets(%dma_start3A_606 : memref<160xi32, #tpu.memory_space<vmem>>) semaphore(%arg10 : memref<!tpu.dma_semaphore, #tpu.memory_space<semaphore_mem>>)
      } else {
      }
      %lt3A_554 = arith.constant 125 : i32
      %lt3A_555 = arith.cmpi slt, %add3A_544, %lt3A_554 : i32
      %convert_element_type3A_556 = arith.extui %lt3A_555 : i1 to i32
      %cond3A_557 = arith.constant 0 : i32
      %cond3A_558 = arith.cmpi ne, %convert_element_type3A_556, %cond3A_557 : i32
      scf.if %cond3A_558 {
        %mul3A_595 = arith.constant 160 : i32
        %mul3A_596 = arith.muli %add3A_544, %mul3A_595 : i32
        %dma_wait3A = arith.constant 1 : i32
        %dma_wait3A_597 = arith.constant 0 : i32
        %dma_wait3A_598 = arith.constant 0 : i32
        %dma_wait3A_599 = tpu.memref_slice %arg7[%dma_wait3A, %dma_wait3A_597, %dma_wait3A_598] : memref<4x160x64xf32, #tpu.memory_space<vmem>> -> memref<1x160x64xf32, #tpu.memory_space<vmem>>
        %dma_wait3A_600 = tpu.memref_squeeze %dma_wait3A_599 : memref<1x160x64xf32, #tpu.memory_space<vmem>> -> memref<160x64xf32, #tpu.memory_space<vmem>>
        %dma_wait3A_601 = tpu.memref_slice %arg5[%mul3A_596] : memref<20000xi32, #tpu.memory_space<vmem>> -> memref<160xi32, #tpu.memory_space<vmem>>
        %dma_wait3A_602 = arith.constant 0 : i32
        %dma_wait3A_603 = arith.constant 0 : i32
        %dma_wait3A_604 = tpu.memref_slice %arg2[%arg0, %dma_wait3A_602, %dma_wait3A_603] : memref<2x10000x64xf32, #tpu.memory_space<hbm>> -> memref<1x10000x64xf32, #tpu.memory_space<hbm>>
        %dma_wait3A_605 = tpu.memref_squeeze %dma_wait3A_604 : memref<1x10000x64xf32, #tpu.memory_space<hbm>> -> memref<10000x64xf32, #tpu.memory_space<hbm>>
        %dma_wait3A_606 = arith.constant 0 : i32
        %dma_wait3A_607 = arith.constant 0 : i32
        %dma_wait3A_608 = tpu.memref_slice %dma_wait3A_605[%dma_wait3A_606, %dma_wait3A_607] : memref<10000x64xf32, #tpu.memory_space<hbm>> -> memref<10000x64xf32, #tpu.memory_space<hbm>>
        tpu.wait_indirect_dma semaphore(%arg11 : memref<!tpu.dma_semaphore, #tpu.memory_space<semaphore_mem>>) src(%dma_wait3A_608 : memref<10000x64xf32, #tpu.memory_space<hbm>>) dst(%dma_wait3A_600 : memref<160x64xf32, #tpu.memory_space<vmem>>)
        %mul3A_609 = arith.constant 160 : i32
        %mul3A_610 = arith.muli %add3A_544, %mul3A_609 : i32
        %run_scoped3A_611 = arith.constant 1 : i32
        "tpu.region"() ({
          %run_scoped3A_612 = tpu.sem_alloc : memref<!tpu.dma_semaphore, #tpu.memory_space<semaphore_mem>>
          %dma_start3A_613 = arith.constant 0 : i32
          %dma_start3A_614 = arith.constant 0 : i32
          %dma_start3A_615 = tpu.memref_slice %arg7[%run_scoped3A_611, %dma_start3A_613, %dma_start3A_614] : memref<4x160x64xf32, #tpu.memory_space<vmem>> -> memref<1x160x64xf32, #tpu.memory_space<vmem>>
          %dma_start3A_616 = tpu.memref_squeeze %dma_start3A_615 : memref<1x160x64xf32, #tpu.memory_space<vmem>> -> memref<160x64xf32, #tpu.memory_space<vmem>>
          %dma_start3A_617 = tpu.memref_slice %arg6[%mul3A_610] : memref<20000xi32, #tpu.memory_space<vmem>> -> memref<160xi32, #tpu.memory_space<vmem>>
          %dma_start3A_618 = arith.constant 0 : i32
          %dma_start3A_619 = arith.constant 0 : i32
          %dma_start3A_620 = tpu.memref_slice %arg9[%dma_start3A_618, %dma_start3A_619] : memref<10240x64xf32, #tpu.memory_space<vmem_shared>> -> memref<10240x64xf32, #tpu.memory_space<vmem_shared>>
          tpu.enqueue_indirect_dma source(%dma_start3A_616 : memref<160x64xf32, #tpu.memory_space<vmem>>) target(%dma_start3A_620 : memref<10240x64xf32, #tpu.memory_space<vmem_shared>>) offsets(%dma_start3A_617 : memref<160xi32, #tpu.memory_space<vmem>>) semaphore(%run_scoped3A_612 : memref<!tpu.dma_semaphore, #tpu.memory_space<semaphore_mem>>) {add = true}
          %dma_wait3A_621 = arith.constant 0 : i32
          %dma_wait3A_622 = arith.constant 0 : i32
          %dma_wait3A_623 = tpu.memref_slice %arg7[%run_scoped3A_611, %dma_wait3A_621, %dma_wait3A_622] : memref<4x160x64xf32, #tpu.memory_space<vmem>> -> memref<1x160x64xf32, #tpu.memory_space<vmem>>
          %dma_wait3A_624 = tpu.memref_squeeze %dma_wait3A_623 : memref<1x160x64xf32, #tpu.memory_space<vmem>> -> memref<160x64xf32, #tpu.memory_space<vmem>>
          %dma_wait3A_625 = tpu.memref_slice %arg6[%mul3A_610] : memref<20000xi32, #tpu.memory_space<vmem>> -> memref<160xi32, #tpu.memory_space<vmem>>
          %dma_wait3A_626 = arith.constant 0 : i32
          %dma_wait3A_627 = arith.constant 0 : i32
          %dma_wait3A_628 = tpu.memref_slice %arg9[%dma_wait3A_626, %dma_wait3A_627] : memref<10240x64xf32, #tpu.memory_space<vmem_shared>> -> memref<10240x64xf32, #tpu.memory_space<vmem_shared>>
          tpu.wait_indirect_dma semaphore(%run_scoped3A_612 : memref<!tpu.dma_semaphore, #tpu.memory_space<semaphore_mem>>) src(%dma_wait3A_624 : memref<160x64xf32, #tpu.memory_space<vmem>>) dst(%dma_wait3A_628 : memref<10240x64xf32, #tpu.memory_space<vmem_shared>>)
          tpu.yield
        }) : () -> ()
      } else {
      }
      %mul3A_559 = arith.constant 4 : i32
      %mul3A_560 = arith.muli %scan3A_526, %mul3A_559 : i32
      %add3A_561 = arith.constant 2 : i32
      %add3A_562 = arith.addi %mul3A_560, %add3A_561 : i32
      %add3A_563 = arith.constant 4 : i32
      %add3A_564 = arith.addi %add3A_562, %add3A_563 : i32
      %sub3A_565 = arith.constant 1 : i32
      %sub3A_566 = arith.subi %add3A_564, %sub3A_565 : i32
      %lt3A_567 = arith.constant 125 : i32
      %lt3A_568 = arith.cmpi slt, %sub3A_566, %lt3A_567 : i32
      %convert_element_type3A_569 = arith.extui %lt3A_568 : i1 to i32
      %cond3A_570 = arith.constant 0 : i32
      %cond3A_571 = arith.cmpi ne, %convert_element_type3A_569, %cond3A_570 : i32
      scf.if %cond3A_571 {
        %add3A_595 = arith.constant 4 : i32
        %add3A_596 = arith.addi %add3A_562, %add3A_595 : i32
        %sub3A_597 = arith.constant 1 : i32
        %sub3A_598 = arith.subi %add3A_596, %sub3A_597 : i32
        %mul3A_599 = arith.constant 160 : i32
        %mul3A_600 = arith.muli %sub3A_598, %mul3A_599 : i32
        %dma_start3A_601 = arith.constant 1 : i32
        %dma_start3A_602 = arith.constant 0 : i32
        %dma_start3A_603 = arith.constant 0 : i32
        %dma_start3A_604 = tpu.memref_slice %arg7[%dma_start3A_601, %dma_start3A_602, %dma_start3A_603] : memref<4x160x64xf32, #tpu.memory_space<vmem>> -> memref<1x160x64xf32, #tpu.memory_space<vmem>>
        %dma_start3A_605 = tpu.memref_squeeze %dma_start3A_604 : memref<1x160x64xf32, #tpu.memory_space<vmem>> -> memref<160x64xf32, #tpu.memory_space<vmem>>
        %dma_start3A_606 = tpu.memref_slice %arg5[%mul3A_600] : memref<20000xi32, #tpu.memory_space<vmem>> -> memref<160xi32, #tpu.memory_space<vmem>>
        %dma_start3A_607 = arith.constant 0 : i32
        %dma_start3A_608 = arith.constant 0 : i32
        %dma_start3A_609 = tpu.memref_slice %arg2[%arg0, %dma_start3A_607, %dma_start3A_608] : memref<2x10000x64xf32, #tpu.memory_space<hbm>> -> memref<1x10000x64xf32, #tpu.memory_space<hbm>>
        %dma_start3A_610 = tpu.memref_squeeze %dma_start3A_609 : memref<1x10000x64xf32, #tpu.memory_space<hbm>> -> memref<10000x64xf32, #tpu.memory_space<hbm>>
        %dma_start3A_611 = arith.constant 0 : i32
        %dma_start3A_612 = arith.constant 0 : i32
        %dma_start3A_613 = tpu.memref_slice %dma_start3A_610[%dma_start3A_611, %dma_start3A_612] : memref<10000x64xf32, #tpu.memory_space<hbm>> -> memref<10000x64xf32, #tpu.memory_space<hbm>>
        tpu.enqueue_indirect_dma source(%dma_start3A_613 : memref<10000x64xf32, #tpu.memory_space<hbm>>) target(%dma_start3A_605 : memref<160x64xf32, #tpu.memory_space<vmem>>) offsets(%dma_start3A_606 : memref<160xi32, #tpu.memory_space<vmem>>) semaphore(%arg11 : memref<!tpu.dma_semaphore, #tpu.memory_space<semaphore_mem>>)
      } else {
      }
      %lt3A_572 = arith.constant 125 : i32
      %lt3A_573 = arith.cmpi slt, %add3A_562, %lt3A_572 : i32
      %convert_element_type3A_574 = arith.extui %lt3A_573 : i1 to i32
      %cond3A_575 = arith.constant 0 : i32
      %cond3A_576 = arith.cmpi ne, %convert_element_type3A_574, %cond3A_575 : i32
      scf.if %cond3A_576 {
        %mul3A_595 = arith.constant 160 : i32
        %mul3A_596 = arith.muli %add3A_562, %mul3A_595 : i32
        %dma_wait3A = arith.constant 2 : i32
        %dma_wait3A_597 = arith.constant 0 : i32
        %dma_wait3A_598 = arith.constant 0 : i32
        %dma_wait3A_599 = tpu.memref_slice %arg7[%dma_wait3A, %dma_wait3A_597, %dma_wait3A_598] : memref<4x160x64xf32, #tpu.memory_space<vmem>> -> memref<1x160x64xf32, #tpu.memory_space<vmem>>
        %dma_wait3A_600 = tpu.memref_squeeze %dma_wait3A_599 : memref<1x160x64xf32, #tpu.memory_space<vmem>> -> memref<160x64xf32, #tpu.memory_space<vmem>>
        %dma_wait3A_601 = tpu.memref_slice %arg5[%mul3A_596] : memref<20000xi32, #tpu.memory_space<vmem>> -> memref<160xi32, #tpu.memory_space<vmem>>
        %dma_wait3A_602 = arith.constant 0 : i32
        %dma_wait3A_603 = arith.constant 0 : i32
        %dma_wait3A_604 = tpu.memref_slice %arg2[%arg0, %dma_wait3A_602, %dma_wait3A_603] : memref<2x10000x64xf32, #tpu.memory_space<hbm>> -> memref<1x10000x64xf32, #tpu.memory_space<hbm>>
        %dma_wait3A_605 = tpu.memref_squeeze %dma_wait3A_604 : memref<1x10000x64xf32, #tpu.memory_space<hbm>> -> memref<10000x64xf32, #tpu.memory_space<hbm>>
        %dma_wait3A_606 = arith.constant 0 : i32
        %dma_wait3A_607 = arith.constant 0 : i32
        %dma_wait3A_608 = tpu.memref_slice %dma_wait3A_605[%dma_wait3A_606, %dma_wait3A_607] : memref<10000x64xf32, #tpu.memory_space<hbm>> -> memref<10000x64xf32, #tpu.memory_space<hbm>>
        tpu.wait_indirect_dma semaphore(%arg12 : memref<!tpu.dma_semaphore, #tpu.memory_space<semaphore_mem>>) src(%dma_wait3A_608 : memref<10000x64xf32, #tpu.memory_space<hbm>>) dst(%dma_wait3A_600 : memref<160x64xf32, #tpu.memory_space<vmem>>)
        %mul3A_609 = arith.constant 160 : i32
        %mul3A_610 = arith.muli %add3A_562, %mul3A_609 : i32
        %run_scoped3A_611 = arith.constant 2 : i32
        "tpu.region"() ({
          %run_scoped3A_612 = tpu.sem_alloc : memref<!tpu.dma_semaphore, #tpu.memory_space<semaphore_mem>>
          %dma_start3A_613 = arith.constant 0 : i32
          %dma_start3A_614 = arith.constant 0 : i32
          %dma_start3A_615 = tpu.memref_slice %arg7[%run_scoped3A_611, %dma_start3A_613, %dma_start3A_614] : memref<4x160x64xf32, #tpu.memory_space<vmem>> -> memref<1x160x64xf32, #tpu.memory_space<vmem>>
          %dma_start3A_616 = tpu.memref_squeeze %dma_start3A_615 : memref<1x160x64xf32, #tpu.memory_space<vmem>> -> memref<160x64xf32, #tpu.memory_space<vmem>>
          %dma_start3A_617 = tpu.memref_slice %arg6[%mul3A_610] : memref<20000xi32, #tpu.memory_space<vmem>> -> memref<160xi32, #tpu.memory_space<vmem>>
          %dma_start3A_618 = arith.constant 0 : i32
          %dma_start3A_619 = arith.constant 0 : i32
          %dma_start3A_620 = tpu.memref_slice %arg9[%dma_start3A_618, %dma_start3A_619] : memref<10240x64xf32, #tpu.memory_space<vmem_shared>> -> memref<10240x64xf32, #tpu.memory_space<vmem_shared>>
          tpu.enqueue_indirect_dma source(%dma_start3A_616 : memref<160x64xf32, #tpu.memory_space<vmem>>) target(%dma_start3A_620 : memref<10240x64xf32, #tpu.memory_space<vmem_shared>>) offsets(%dma_start3A_617 : memref<160xi32, #tpu.memory_space<vmem>>) semaphore(%run_scoped3A_612 : memref<!tpu.dma_semaphore, #tpu.memory_space<semaphore_mem>>) {add = true}
          %dma_wait3A_621 = arith.constant 0 : i32
          %dma_wait3A_622 = arith.constant 0 : i32
          %dma_wait3A_623 = tpu.memref_slice %arg7[%run_scoped3A_611, %dma_wait3A_621, %dma_wait3A_622] : memref<4x160x64xf32, #tpu.memory_space<vmem>> -> memref<1x160x64xf32, #tpu.memory_space<vmem>>
          %dma_wait3A_624 = tpu.memref_squeeze %dma_wait3A_623 : memref<1x160x64xf32, #tpu.memory_space<vmem>> -> memref<160x64xf32, #tpu.memory_space<vmem>>
          %dma_wait3A_625 = tpu.memref_slice %arg6[%mul3A_610] : memref<20000xi32, #tpu.memory_space<vmem>> -> memref<160xi32, #tpu.memory_space<vmem>>
          %dma_wait3A_626 = arith.constant 0 : i32
          %dma_wait3A_627 = arith.constant 0 : i32
          %dma_wait3A_628 = tpu.memref_slice %arg9[%dma_wait3A_626, %dma_wait3A_627] : memref<10240x64xf32, #tpu.memory_space<vmem_shared>> -> memref<10240x64xf32, #tpu.memory_space<vmem_shared>>
          tpu.wait_indirect_dma semaphore(%run_scoped3A_612 : memref<!tpu.dma_semaphore, #tpu.memory_space<semaphore_mem>>) src(%dma_wait3A_624 : memref<160x64xf32, #tpu.memory_space<vmem>>) dst(%dma_wait3A_628 : memref<10240x64xf32, #tpu.memory_space<vmem_shared>>)
          tpu.yield
        }) : () -> ()
      } else {
      }
      %mul3A_577 = arith.constant 4 : i32
      %mul3A_578 = arith.muli %scan3A_526, %mul3A_577 : i32
      %add3A_579 = arith.constant 3 : i32
      %add3A_580 = arith.addi %mul3A_578, %add3A_579 : i32
      %add3A_581 = arith.constant 4 : i32
      %add3A_582 = arith.addi %add3A_580, %add3A_581 : i32
      %sub3A_583 = arith.constant 1 : i32
      %sub3A_584 = arith.subi %add3A_582, %sub3A_583 : i32
      %lt3A_585 = arith.constant 125 : i32
      %lt3A_586 = arith.cmpi slt, %sub3A_584, %lt3A_585 : i32
      %convert_element_type3A_587 = arith.extui %lt3A_586 : i1 to i32
      %cond3A_588 = arith.constant 0 : i32
      %cond3A_589 = arith.cmpi ne, %convert_element_type3A_587, %cond3A_588 : i32
      scf.if %cond3A_589 {
        %add3A_595 = arith.constant 4 : i32
        %add3A_596 = arith.addi %add3A_580, %add3A_595 : i32
        %sub3A_597 = arith.constant 1 : i32
        %sub3A_598 = arith.subi %add3A_596, %sub3A_597 : i32
        %mul3A_599 = arith.constant 160 : i32
        %mul3A_600 = arith.muli %sub3A_598, %mul3A_599 : i32
        %dma_start3A_601 = arith.constant 2 : i32
        %dma_start3A_602 = arith.constant 0 : i32
        %dma_start3A_603 = arith.constant 0 : i32
        %dma_start3A_604 = tpu.memref_slice %arg7[%dma_start3A_601, %dma_start3A_602, %dma_start3A_603] : memref<4x160x64xf32, #tpu.memory_space<vmem>> -> memref<1x160x64xf32, #tpu.memory_space<vmem>>
        %dma_start3A_605 = tpu.memref_squeeze %dma_start3A_604 : memref<1x160x64xf32, #tpu.memory_space<vmem>> -> memref<160x64xf32, #tpu.memory_space<vmem>>
        %dma_start3A_606 = tpu.memref_slice %arg5[%mul3A_600] : memref<20000xi32, #tpu.memory_space<vmem>> -> memref<160xi32, #tpu.memory_space<vmem>>
        %dma_start3A_607 = arith.constant 0 : i32
        %dma_start3A_608 = arith.constant 0 : i32
        %dma_start3A_609 = tpu.memref_slice %arg2[%arg0, %dma_start3A_607, %dma_start3A_608] : memref<2x10000x64xf32, #tpu.memory_space<hbm>> -> memref<1x10000x64xf32, #tpu.memory_space<hbm>>
        %dma_start3A_610 = tpu.memref_squeeze %dma_start3A_609 : memref<1x10000x64xf32, #tpu.memory_space<hbm>> -> memref<10000x64xf32, #tpu.memory_space<hbm>>
        %dma_start3A_611 = arith.constant 0 : i32
        %dma_start3A_612 = arith.constant 0 : i32
        %dma_start3A_613 = tpu.memref_slice %dma_start3A_610[%dma_start3A_611, %dma_start3A_612] : memref<10000x64xf32, #tpu.memory_space<hbm>> -> memref<10000x64xf32, #tpu.memory_space<hbm>>
        tpu.enqueue_indirect_dma source(%dma_start3A_613 : memref<10000x64xf32, #tpu.memory_space<hbm>>) target(%dma_start3A_605 : memref<160x64xf32, #tpu.memory_space<vmem>>) offsets(%dma_start3A_606 : memref<160xi32, #tpu.memory_space<vmem>>) semaphore(%arg12 : memref<!tpu.dma_semaphore, #tpu.memory_space<semaphore_mem>>)
      } else {
      }
      %lt3A_590 = arith.constant 125 : i32
      %lt3A_591 = arith.cmpi slt, %add3A_580, %lt3A_590 : i32
      %convert_element_type3A_592 = arith.extui %lt3A_591 : i1 to i32
      %cond3A_593 = arith.constant 0 : i32
      %cond3A_594 = arith.cmpi ne, %convert_element_type3A_592, %cond3A_593 : i32
      scf.if %cond3A_594 {
        %mul3A_595 = arith.constant 160 : i32
        %mul3A_596 = arith.muli %add3A_580, %mul3A_595 : i32
        %dma_wait3A = arith.constant 3 : i32
        %dma_wait3A_597 = arith.constant 0 : i32
        %dma_wait3A_598 = arith.constant 0 : i32
        %dma_wait3A_599 = tpu.memref_slice %arg7[%dma_wait3A, %dma_wait3A_597, %dma_wait3A_598] : memref<4x160x64xf32, #tpu.memory_space<vmem>> -> memref<1x160x64xf32, #tpu.memory_space<vmem>>
        %dma_wait3A_600 = tpu.memref_squeeze %dma_wait3A_599 : memref<1x160x64xf32, #tpu.memory_space<vmem>> -> memref<160x64xf32, #tpu.memory_space<vmem>>
        %dma_wait3A_601 = tpu.memref_slice %arg5[%mul3A_596] : memref<20000xi32, #tpu.memory_space<vmem>> -> memref<160xi32, #tpu.memory_space<vmem>>
        %dma_wait3A_602 = arith.constant 0 : i32
        %dma_wait3A_603 = arith.constant 0 : i32
        %dma_wait3A_604 = tpu.memref_slice %arg2[%arg0, %dma_wait3A_602, %dma_wait3A_603] : memref<2x10000x64xf32, #tpu.memory_space<hbm>> -> memref<1x10000x64xf32, #tpu.memory_space<hbm>>
        %dma_wait3A_605 = tpu.memref_squeeze %dma_wait3A_604 : memref<1x10000x64xf32, #tpu.memory_space<hbm>> -> memref<10000x64xf32, #tpu.memory_space<hbm>>
        %dma_wait3A_606 = arith.constant 0 : i32
        %dma_wait3A_607 = arith.constant 0 : i32
        %dma_wait3A_608 = tpu.memref_slice %dma_wait3A_605[%dma_wait3A_606, %dma_wait3A_607] : memref<10000x64xf32, #tpu.memory_space<hbm>> -> memref<10000x64xf32, #tpu.memory_space<hbm>>
        tpu.wait_indirect_dma semaphore(%arg13 : memref<!tpu.dma_semaphore, #tpu.memory_space<semaphore_mem>>) src(%dma_wait3A_608 : memref<10000x64xf32, #tpu.memory_space<hbm>>) dst(%dma_wait3A_600 : memref<160x64xf32, #tpu.memory_space<vmem>>)
        %mul3A_609 = arith.constant 160 : i32
        %mul3A_610 = arith.muli %add3A_580, %mul3A_609 : i32
        %run_scoped3A_611 = arith.constant 3 : i32
        "tpu.region"() ({
          %run_scoped3A_612 = tpu.sem_alloc : memref<!tpu.dma_semaphore, #tpu.memory_space<semaphore_mem>>
          %dma_start3A_613 = arith.constant 0 : i32
          %dma_start3A_614 = arith.constant 0 : i32
          %dma_start3A_615 = tpu.memref_slice %arg7[%run_scoped3A_611, %dma_start3A_613, %dma_start3A_614] : memref<4x160x64xf32, #tpu.memory_space<vmem>> -> memref<1x160x64xf32, #tpu.memory_space<vmem>>
          %dma_start3A_616 = tpu.memref_squeeze %dma_start3A_615 : memref<1x160x64xf32, #tpu.memory_space<vmem>> -> memref<160x64xf32, #tpu.memory_space<vmem>>
          %dma_start3A_617 = tpu.memref_slice %arg6[%mul3A_610] : memref<20000xi32, #tpu.memory_space<vmem>> -> memref<160xi32, #tpu.memory_space<vmem>>
          %dma_start3A_618 = arith.constant 0 : i32
          %dma_start3A_619 = arith.constant 0 : i32
          %dma_start3A_620 = tpu.memref_slice %arg9[%dma_start3A_618, %dma_start3A_619] : memref<10240x64xf32, #tpu.memory_space<vmem_shared>> -> memref<10240x64xf32, #tpu.memory_space<vmem_shared>>
          tpu.enqueue_indirect_dma source(%dma_start3A_616 : memref<160x64xf32, #tpu.memory_space<vmem>>) target(%dma_start3A_620 : memref<10240x64xf32, #tpu.memory_space<vmem_shared>>) offsets(%dma_start3A_617 : memref<160xi32, #tpu.memory_space<vmem>>) semaphore(%run_scoped3A_612 : memref<!tpu.dma_semaphore, #tpu.memory_space<semaphore_mem>>) {add = true}
          %dma_wait3A_621 = arith.constant 0 : i32
          %dma_wait3A_622 = arith.constant 0 : i32
          %dma_wait3A_623 = tpu.memref_slice %arg7[%run_scoped3A_611, %dma_wait3A_621, %dma_wait3A_622] : memref<4x160x64xf32, #tpu.memory_space<vmem>> -> memref<1x160x64xf32, #tpu.memory_space<vmem>>
          %dma_wait3A_624 = tpu.memref_squeeze %dma_wait3A_623 : memref<1x160x64xf32, #tpu.memory_space<vmem>> -> memref<160x64xf32, #tpu.memory_space<vmem>>
          %dma_wait3A_625 = tpu.memref_slice %arg6[%mul3A_610] : memref<20000xi32, #tpu.memory_space<vmem>> -> memref<160xi32, #tpu.memory_space<vmem>>
          %dma_wait3A_626 = arith.constant 0 : i32
          %dma_wait3A_627 = arith.constant 0 : i32
          %dma_wait3A_628 = tpu.memref_slice %arg9[%dma_wait3A_626, %dma_wait3A_627] : memref<10240x64xf32, #tpu.memory_space<vmem_shared>> -> memref<10240x64xf32, #tpu.memory_space<vmem_shared>>
          tpu.wait_indirect_dma semaphore(%run_scoped3A_612 : memref<!tpu.dma_semaphore, #tpu.memory_space<semaphore_mem>>) src(%dma_wait3A_624 : memref<160x64xf32, #tpu.memory_space<vmem>>) dst(%dma_wait3A_628 : memref<10240x64xf32, #tpu.memory_space<vmem_shared>>)
          tpu.yield
        }) : () -> ()
      } else {
      }
    }
    %scan3A_514 = arith.constant 32 : i32
    %barrier3A_515 = arith.constant 0 : index
    tpu.barrier barrier_id(%barrier3A_515)
    %add3A_516 = arith.constant 0 : i32
    %add3A_517 = arith.addi %mul3A_384, %add3A_516 : i32
    "tpu.region"() ({
      %run_scoped3A_526 = tpu.sem_alloc : memref<!tpu.dma_semaphore, #tpu.memory_space<semaphore_mem>>
      %dma_start3A_527 = arith.constant 0 : i32
      %dma_start3A_528 = arith.constant 0 : i32
      %dma_start3A_529 = tpu.memref_slice %arg4[%arg0, %dma_start3A_527, %dma_start3A_528] : memref<2x10240x64xf32, #tpu.memory_space<hbm>> -> memref<1x10240x64xf32, #tpu.memory_space<hbm>>
      %dma_start3A_530 = tpu.memref_squeeze %dma_start3A_529 : memref<1x10240x64xf32, #tpu.memory_space<hbm>> -> memref<10240x64xf32, #tpu.memory_space<hbm>>
      %dma_start3A_531 = arith.constant 0 : i32
      %dma_start3A_532 = tpu.memref_slice %dma_start3A_530[%add3A_517, %dma_start3A_531] : memref<10240x64xf32, #tpu.memory_space<hbm>> -> memref<128x64xf32, #tpu.memory_space<hbm>>
      %dma_start3A_533 = arith.constant 0 : i32
      %dma_start3A_534 = tpu.memref_slice %arg9[%add3A_517, %dma_start3A_533] : memref<10240x64xf32, #tpu.memory_space<vmem_shared>> -> memref<128x64xf32, #tpu.memory_space<vmem_shared>>
      tpu.enqueue_dma source(%dma_start3A_534 : memref<128x64xf32, #tpu.memory_space<vmem_shared>>) target(%dma_start3A_532 : memref<128x64xf32, #tpu.memory_space<hbm>>) target_semaphore(%run_scoped3A_526 : memref<!tpu.dma_semaphore, #tpu.memory_space<semaphore_mem>>)
      %dma_wait3A = arith.constant 0 : i32
      %dma_wait3A_535 = arith.constant 0 : i32
      %dma_wait3A_536 = tpu.memref_slice %arg4[%arg0, %dma_wait3A, %dma_wait3A_535] : memref<2x10240x64xf32, #tpu.memory_space<hbm>> -> memref<1x10240x64xf32, #tpu.memory_space<hbm>>
      %dma_wait3A_537 = tpu.memref_squeeze %dma_wait3A_536 : memref<1x10240x64xf32, #tpu.memory_space<hbm>> -> memref<10240x64xf32, #tpu.memory_space<hbm>>
      %dma_wait3A_538 = arith.constant 0 : i32
      %dma_wait3A_539 = tpu.memref_slice %dma_wait3A_537[%add3A_517, %dma_wait3A_538] : memref<10240x64xf32, #tpu.memory_space<hbm>> -> memref<128x64xf32, #tpu.memory_space<hbm>>
      %dma_wait3A_540 = arith.constant 0 : i32
      %dma_wait3A_541 = tpu.memref_slice %arg9[%add3A_517, %dma_wait3A_540] : memref<10240x64xf32, #tpu.memory_space<vmem_shared>> -> memref<128x64xf32, #tpu.memory_space<vmem_shared>>
      tpu.wait_dma2 semaphore(%run_scoped3A_526 : memref<!tpu.dma_semaphore, #tpu.memory_space<semaphore_mem>>) src(%dma_wait3A_541 : memref<128x64xf32, #tpu.memory_space<vmem_shared>>) dst(%dma_wait3A_539 : memref<128x64xf32, #tpu.memory_space<hbm>>)
      tpu.yield
    }) : () -> ()
    %add3A_518 = arith.constant 128 : i32
    %add3A_519 = arith.addi %mul3A_384, %add3A_518 : i32
    "tpu.region"() ({
      %run_scoped3A_526 = tpu.sem_alloc : memref<!tpu.dma_semaphore, #tpu.memory_space<semaphore_mem>>
      %dma_start3A_527 = arith.constant 0 : i32
      %dma_start3A_528 = arith.constant 0 : i32
      %dma_start3A_529 = tpu.memref_slice %arg4[%arg0, %dma_start3A_527, %dma_start3A_528] : memref<2x10240x64xf32, #tpu.memory_space<hbm>> -> memref<1x10240x64xf32, #tpu.memory_space<hbm>>
      %dma_start3A_530 = tpu.memref_squeeze %dma_start3A_529 : memref<1x10240x64xf32, #tpu.memory_space<hbm>> -> memref<10240x64xf32, #tpu.memory_space<hbm>>
      %dma_start3A_531 = arith.constant 0 : i32
      %dma_start3A_532 = tpu.memref_slice %dma_start3A_530[%add3A_519, %dma_start3A_531] : memref<10240x64xf32, #tpu.memory_space<hbm>> -> memref<128x64xf32, #tpu.memory_space<hbm>>
      %dma_start3A_533 = arith.constant 0 : i32
      %dma_start3A_534 = tpu.memref_slice %arg9[%add3A_519, %dma_start3A_533] : memref<10240x64xf32, #tpu.memory_space<vmem_shared>> -> memref<128x64xf32, #tpu.memory_space<vmem_shared>>
      tpu.enqueue_dma source(%dma_start3A_534 : memref<128x64xf32, #tpu.memory_space<vmem_shared>>) target(%dma_start3A_532 : memref<128x64xf32, #tpu.memory_space<hbm>>) target_semaphore(%run_scoped3A_526 : memref<!tpu.dma_semaphore, #tpu.memory_space<semaphore_mem>>)
      %dma_wait3A = arith.constant 0 : i32
      %dma_wait3A_535 = arith.constant 0 : i32
      %dma_wait3A_536 = tpu.memref_slice %arg4[%arg0, %dma_wait3A, %dma_wait3A_535] : memref<2x10240x64xf32, #tpu.memory_space<hbm>> -> memref<1x10240x64xf32, #tpu.memory_space<hbm>>
      %dma_wait3A_537 = tpu.memref_squeeze %dma_wait3A_536 : memref<1x10240x64xf32, #tpu.memory_space<hbm>> -> memref<10240x64xf32, #tpu.memory_space<hbm>>
      %dma_wait3A_538 = arith.constant 0 : i32
      %dma_wait3A_539 = tpu.memref_slice %dma_wait3A_537[%add3A_519, %dma_wait3A_538] : memref<10240x64xf32, #tpu.memory_space<hbm>> -> memref<128x64xf32, #tpu.memory_space<hbm>>
      %dma_wait3A_540 = arith.constant 0 : i32
      %dma_wait3A_541 = tpu.memref_slice %arg9[%add3A_519, %dma_wait3A_540] : memref<10240x64xf32, #tpu.memory_space<vmem_shared>> -> memref<128x64xf32, #tpu.memory_space<vmem_shared>>
      tpu.wait_dma2 semaphore(%run_scoped3A_526 : memref<!tpu.dma_semaphore, #tpu.memory_space<semaphore_mem>>) src(%dma_wait3A_541 : memref<128x64xf32, #tpu.memory_space<vmem_shared>>) dst(%dma_wait3A_539 : memref<128x64xf32, #tpu.memory_space<hbm>>)
      tpu.yield
    }) : () -> ()
    %add3A_520 = arith.constant 256 : i32
    %add3A_521 = arith.addi %mul3A_384, %add3A_520 : i32
    "tpu.region"() ({
      %run_scoped3A_526 = tpu.sem_alloc : memref<!tpu.dma_semaphore, #tpu.memory_space<semaphore_mem>>
      %dma_start3A_527 = arith.constant 0 : i32
      %dma_start3A_528 = arith.constant 0 : i32
      %dma_start3A_529 = tpu.memref_slice %arg4[%arg0, %dma_start3A_527, %dma_start3A_528] : memref<2x10240x64xf32, #tpu.memory_space<hbm>> -> memref<1x10240x64xf32, #tpu.memory_space<hbm>>
      %dma_start3A_530 = tpu.memref_squeeze %dma_start3A_529 : memref<1x10240x64xf32, #tpu.memory_space<hbm>> -> memref<10240x64xf32, #tpu.memory_space<hbm>>
      %dma_start3A_531 = arith.constant 0 : i32
      %dma_start3A_532 = tpu.memref_slice %dma_start3A_530[%add3A_521, %dma_start3A_531] : memref<10240x64xf32, #tpu.memory_space<hbm>> -> memref<128x64xf32, #tpu.memory_space<hbm>>
      %dma_start3A_533 = arith.constant 0 : i32
      %dma_start3A_534 = tpu.memref_slice %arg9[%add3A_521, %dma_start3A_533] : memref<10240x64xf32, #tpu.memory_space<vmem_shared>> -> memref<128x64xf32, #tpu.memory_space<vmem_shared>>
      tpu.enqueue_dma source(%dma_start3A_534 : memref<128x64xf32, #tpu.memory_space<vmem_shared>>) target(%dma_start3A_532 : memref<128x64xf32, #tpu.memory_space<hbm>>) target_semaphore(%run_scoped3A_526 : memref<!tpu.dma_semaphore, #tpu.memory_space<semaphore_mem>>)
      %dma_wait3A = arith.constant 0 : i32
      %dma_wait3A_535 = arith.constant 0 : i32
      %dma_wait3A_536 = tpu.memref_slice %arg4[%arg0, %dma_wait3A, %dma_wait3A_535] : memref<2x10240x64xf32, #tpu.memory_space<hbm>> -> memref<1x10240x64xf32, #tpu.memory_space<hbm>>
      %dma_wait3A_537 = tpu.memref_squeeze %dma_wait3A_536 : memref<1x10240x64xf32, #tpu.memory_space<hbm>> -> memref<10240x64xf32, #tpu.memory_space<hbm>>
      %dma_wait3A_538 = arith.constant 0 : i32
      %dma_wait3A_539 = tpu.memref_slice %dma_wait3A_537[%add3A_521, %dma_wait3A_538] : memref<10240x64xf32, #tpu.memory_space<hbm>> -> memref<128x64xf32, #tpu.memory_space<hbm>>
      %dma_wait3A_540 = arith.constant 0 : i32
      %dma_wait3A_541 = tpu.memref_slice %arg9[%add3A_521, %dma_wait3A_540] : memref<10240x64xf32, #tpu.memory_space<vmem_shared>> -> memref<128x64xf32, #tpu.memory_space<vmem_shared>>
      tpu.wait_dma2 semaphore(%run_scoped3A_526 : memref<!tpu.dma_semaphore, #tpu.memory_space<semaphore_mem>>) src(%dma_wait3A_541 : memref<128x64xf32, #tpu.memory_space<vmem_shared>>) dst(%dma_wait3A_539 : memref<128x64xf32, #tpu.memory_space<hbm>>)
      tpu.yield
    }) : () -> ()
    %add3A_522 = arith.constant 384 : i32
    %add3A_523 = arith.addi %mul3A_384, %add3A_522 : i32
    "tpu.region"() ({
      %run_scoped3A_526 = tpu.sem_alloc : memref<!tpu.dma_semaphore, #tpu.memory_space<semaphore_mem>>
      %dma_start3A_527 = arith.constant 0 : i32
      %dma_start3A_528 = arith.constant 0 : i32
      %dma_start3A_529 = tpu.memref_slice %arg4[%arg0, %dma_start3A_527, %dma_start3A_528] : memref<2x10240x64xf32, #tpu.memory_space<hbm>> -> memref<1x10240x64xf32, #tpu.memory_space<hbm>>
      %dma_start3A_530 = tpu.memref_squeeze %dma_start3A_529 : memref<1x10240x64xf32, #tpu.memory_space<hbm>> -> memref<10240x64xf32, #tpu.memory_space<hbm>>
      %dma_start3A_531 = arith.constant 0 : i32
      %dma_start3A_532 = tpu.memref_slice %dma_start3A_530[%add3A_523, %dma_start3A_531] : memref<10240x64xf32, #tpu.memory_space<hbm>> -> memref<128x64xf32, #tpu.memory_space<hbm>>
      %dma_start3A_533 = arith.constant 0 : i32
      %dma_start3A_534 = tpu.memref_slice %arg9[%add3A_523, %dma_start3A_533] : memref<10240x64xf32, #tpu.memory_space<vmem_shared>> -> memref<128x64xf32, #tpu.memory_space<vmem_shared>>
      tpu.enqueue_dma source(%dma_start3A_534 : memref<128x64xf32, #tpu.memory_space<vmem_shared>>) target(%dma_start3A_532 : memref<128x64xf32, #tpu.memory_space<hbm>>) target_semaphore(%run_scoped3A_526 : memref<!tpu.dma_semaphore, #tpu.memory_space<semaphore_mem>>)
      %dma_wait3A = arith.constant 0 : i32
      %dma_wait3A_535 = arith.constant 0 : i32
      %dma_wait3A_536 = tpu.memref_slice %arg4[%arg0, %dma_wait3A, %dma_wait3A_535] : memref<2x10240x64xf32, #tpu.memory_space<hbm>> -> memref<1x10240x64xf32, #tpu.memory_space<hbm>>
      %dma_wait3A_537 = tpu.memref_squeeze %dma_wait3A_536 : memref<1x10240x64xf32, #tpu.memory_space<hbm>> -> memref<10240x64xf32, #tpu.memory_space<hbm>>
      %dma_wait3A_538 = arith.constant 0 : i32
      %dma_wait3A_539 = tpu.memref_slice %dma_wait3A_537[%add3A_523, %dma_wait3A_538] : memref<10240x64xf32, #tpu.memory_space<hbm>> -> memref<128x64xf32, #tpu.memory_space<hbm>>
      %dma_wait3A_540 = arith.constant 0 : i32
      %dma_wait3A_541 = tpu.memref_slice %arg9[%add3A_523, %dma_wait3A_540] : memref<10240x64xf32, #tpu.memory_space<vmem_shared>> -> memref<128x64xf32, #tpu.memory_space<vmem_shared>>
      tpu.wait_dma2 semaphore(%run_scoped3A_526 : memref<!tpu.dma_semaphore, #tpu.memory_space<semaphore_mem>>) src(%dma_wait3A_541 : memref<128x64xf32, #tpu.memory_space<vmem_shared>>) dst(%dma_wait3A_539 : memref<128x64xf32, #tpu.memory_space<hbm>>)
      tpu.yield
    }) : () -> ()
    %add3A_524 = arith.constant 512 : i32
    %add3A_525 = arith.addi %mul3A_384, %add3A_524 : i32
    "tpu.region"() ({
      %run_scoped3A_526 = tpu.sem_alloc : memref<!tpu.dma_semaphore, #tpu.memory_space<semaphore_mem>>
      %dma_start3A_527 = arith.constant 0 : i32
      %dma_start3A_528 = arith.constant 0 : i32
      %dma_start3A_529 = tpu.memref_slice %arg4[%arg0, %dma_start3A_527, %dma_start3A_528] : memref<2x10240x64xf32, #tpu.memory_space<hbm>> -> memref<1x10240x64xf32, #tpu.memory_space<hbm>>
      %dma_start3A_530 = tpu.memref_squeeze %dma_start3A_529 : memref<1x10240x64xf32, #tpu.memory_space<hbm>> -> memref<10240x64xf32, #tpu.memory_space<hbm>>
      %dma_start3A_531 = arith.constant 0 : i32
      %dma_start3A_532 = tpu.memref_slice %dma_start3A_530[%add3A_525, %dma_start3A_531] : memref<10240x64xf32, #tpu.memory_space<hbm>> -> memref<128x64xf32, #tpu.memory_space<hbm>>
      %dma_start3A_533 = arith.constant 0 : i32
      %dma_start3A_534 = tpu.memref_slice %arg9[%add3A_525, %dma_start3A_533] : memref<10240x64xf32, #tpu.memory_space<vmem_shared>> -> memref<128x64xf32, #tpu.memory_space<vmem_shared>>
      tpu.enqueue_dma source(%dma_start3A_534 : memref<128x64xf32, #tpu.memory_space<vmem_shared>>) target(%dma_start3A_532 : memref<128x64xf32, #tpu.memory_space<hbm>>) target_semaphore(%run_scoped3A_526 : memref<!tpu.dma_semaphore, #tpu.memory_space<semaphore_mem>>)
      %dma_wait3A = arith.constant 0 : i32
      %dma_wait3A_535 = arith.constant 0 : i32
      %dma_wait3A_536 = tpu.memref_slice %arg4[%arg0, %dma_wait3A, %dma_wait3A_535] : memref<2x10240x64xf32, #tpu.memory_space<hbm>> -> memref<1x10240x64xf32, #tpu.memory_space<hbm>>
      %dma_wait3A_537 = tpu.memref_squeeze %dma_wait3A_536 : memref<1x10240x64xf32, #tpu.memory_space<hbm>> -> memref<10240x64xf32, #tpu.memory_space<hbm>>
      %dma_wait3A_538 = arith.constant 0 : i32
      %dma_wait3A_539 = tpu.memref_slice %dma_wait3A_537[%add3A_525, %dma_wait3A_538] : memref<10240x64xf32, #tpu.memory_space<hbm>> -> memref<128x64xf32, #tpu.memory_space<hbm>>
      %dma_wait3A_540 = arith.constant 0 : i32
      %dma_wait3A_541 = tpu.memref_slice %arg9[%add3A_525, %dma_wait3A_540] : memref<10240x64xf32, #tpu.memory_space<vmem_shared>> -> memref<128x64xf32, #tpu.memory_space<vmem_shared>>
      tpu.wait_dma2 semaphore(%run_scoped3A_526 : memref<!tpu.dma_semaphore, #tpu.memory_space<semaphore_mem>>) src(%dma_wait3A_541 : memref<128x64xf32, #tpu.memory_space<vmem_shared>>) dst(%dma_wait3A_539 : memref<128x64xf32, #tpu.memory_space<hbm>>)
      tpu.yield
    }) : () -> ()
    return
  }
}

#map = affine_map<(d0, d1) -> (0)>
#map1 = affine_map<(d0, d1) -> (0, 0)>
module attributes {stable_mosaic.version = 14 : i64} {
  func.func @_edge_logits_sc(%arg0: i32, %arg1: i32, %arg2: memref<40960xf32, #tpu.memory_space<hbm>>, %arg3: memref<2x320000xi32, #tpu.memory_space<hbm>>, %arg4: memref<2x320000xf32, #tpu.memory_space<hbm>>, %arg5: memref<40960xf32, #tpu.memory_space<vmem>>, %arg6: memref<10000xi32, #tpu.memory_space<vmem>>, %arg7: memref<10000xi32, #tpu.memory_space<vmem>>, %arg8: memref<10000xf32, #tpu.memory_space<vmem>>, %arg9: memref<10000xf32, #tpu.memory_space<vmem>>) attributes {dimension_semantics = [#tpu.dimension_semantics<core_parallel>, #tpu.dimension_semantics<subcore_parallel>], iteration_bounds = array<i64: 2, 16>, scalar_prefetch = 0 : i64, scratch_operands = 5 : i64, tpu.core_type = #tpu.core_type<sc_vector_subcore>, window_params = [{transform_indices = #map}, {transform_indices = #map1}, {transform_indices = #map1}]} {
    %mul3A = arith.constant 16 : i32
    %mul3A_0 = arith.muli %arg0, %mul3A : i32
    %add3A = arith.addi %mul3A_0, %arg1 : i32
    "tpu.region"() ({
      %run_scoped3A_37 = tpu.sem_alloc : memref<!tpu.dma_semaphore, #tpu.memory_space<semaphore_mem>>
      tpu.enqueue_dma source(%arg2 : memref<40960xf32, #tpu.memory_space<hbm>>) target(%arg5 : memref<40960xf32, #tpu.memory_space<vmem>>) target_semaphore(%run_scoped3A_37 : memref<!tpu.dma_semaphore, #tpu.memory_space<semaphore_mem>>)
      tpu.wait_dma2 semaphore(%run_scoped3A_37 : memref<!tpu.dma_semaphore, #tpu.memory_space<semaphore_mem>>) src(%arg2 : memref<40960xf32, #tpu.memory_space<hbm>>) dst(%arg5 : memref<40960xf32, #tpu.memory_space<vmem>>)
      tpu.yield
    }) : () -> ()
    %mul3A_1 = arith.constant 10000 : i32
    %mul3A_2 = arith.muli %add3A, %mul3A_1 : i32
    %run_scoped3A = arith.constant 0 : i32
    "tpu.region"() ({
      %run_scoped3A_37 = tpu.sem_alloc : memref<!tpu.dma_semaphore, #tpu.memory_space<semaphore_mem>>
      %dma_start3A = arith.constant 0 : i32
      %dma_start3A_38 = tpu.memref_slice %arg3[%run_scoped3A, %dma_start3A] : memref<2x320000xi32, #tpu.memory_space<hbm>> -> memref<1x320000xi32, #tpu.memory_space<hbm>>
      %dma_start3A_39 = tpu.memref_squeeze %dma_start3A_38 : memref<1x320000xi32, #tpu.memory_space<hbm>> -> memref<320000xi32, #tpu.memory_space<hbm>>
      %dma_start3A_40 = tpu.memref_slice %dma_start3A_39[%mul3A_2] : memref<320000xi32, #tpu.memory_space<hbm>> -> memref<10000xi32, #tpu.memory_space<hbm>>
      %dma_start3A_41 = arith.constant 0 : i32
      %dma_start3A_42 = tpu.memref_slice %arg3[%run_scoped3A, %dma_start3A_41] : memref<2x320000xi32, #tpu.memory_space<hbm>> -> memref<1x320000xi32, #tpu.memory_space<hbm>>
      %dma_start3A_43 = tpu.memref_squeeze %dma_start3A_42 : memref<1x320000xi32, #tpu.memory_space<hbm>> -> memref<320000xi32, #tpu.memory_space<hbm>>
      %dma_start3A_44 = tpu.memref_slice %dma_start3A_43[%mul3A_2] : memref<320000xi32, #tpu.memory_space<hbm>> -> memref<10000xi32, #tpu.memory_space<hbm>>
      tpu.enqueue_dma source(%dma_start3A_44 : memref<10000xi32, #tpu.memory_space<hbm>>) target(%arg6 : memref<10000xi32, #tpu.memory_space<vmem>>) target_semaphore(%run_scoped3A_37 : memref<!tpu.dma_semaphore, #tpu.memory_space<semaphore_mem>>)
      %dma_wait3A = arith.constant 0 : i32
      %dma_wait3A_45 = tpu.memref_slice %arg3[%run_scoped3A, %dma_wait3A] : memref<2x320000xi32, #tpu.memory_space<hbm>> -> memref<1x320000xi32, #tpu.memory_space<hbm>>
      %dma_wait3A_46 = tpu.memref_squeeze %dma_wait3A_45 : memref<1x320000xi32, #tpu.memory_space<hbm>> -> memref<320000xi32, #tpu.memory_space<hbm>>
      %dma_wait3A_47 = tpu.memref_slice %dma_wait3A_46[%mul3A_2] : memref<320000xi32, #tpu.memory_space<hbm>> -> memref<10000xi32, #tpu.memory_space<hbm>>
      %dma_wait3A_48 = arith.constant 0 : i32
      %dma_wait3A_49 = tpu.memref_slice %arg3[%run_scoped3A, %dma_wait3A_48] : memref<2x320000xi32, #tpu.memory_space<hbm>> -> memref<1x320000xi32, #tpu.memory_space<hbm>>
      %dma_wait3A_50 = tpu.memref_squeeze %dma_wait3A_49 : memref<1x320000xi32, #tpu.memory_space<hbm>> -> memref<320000xi32, #tpu.memory_space<hbm>>
      %dma_wait3A_51 = tpu.memref_slice %dma_wait3A_50[%mul3A_2] : memref<320000xi32, #tpu.memory_space<hbm>> -> memref<10000xi32, #tpu.memory_space<hbm>>
      tpu.wait_dma2 semaphore(%run_scoped3A_37 : memref<!tpu.dma_semaphore, #tpu.memory_space<semaphore_mem>>) src(%dma_wait3A_51 : memref<10000xi32, #tpu.memory_space<hbm>>) dst(%arg6 : memref<10000xi32, #tpu.memory_space<vmem>>)
      tpu.yield
    }) : () -> ()
    %mul3A_3 = arith.constant 10000 : i32
    %mul3A_4 = arith.muli %add3A, %mul3A_3 : i32
    %run_scoped3A_5 = arith.constant 1 : i32
    "tpu.region"() ({
      %run_scoped3A_37 = tpu.sem_alloc : memref<!tpu.dma_semaphore, #tpu.memory_space<semaphore_mem>>
      %dma_start3A = arith.constant 0 : i32
      %dma_start3A_38 = tpu.memref_slice %arg3[%run_scoped3A_5, %dma_start3A] : memref<2x320000xi32, #tpu.memory_space<hbm>> -> memref<1x320000xi32, #tpu.memory_space<hbm>>
      %dma_start3A_39 = tpu.memref_squeeze %dma_start3A_38 : memref<1x320000xi32, #tpu.memory_space<hbm>> -> memref<320000xi32, #tpu.memory_space<hbm>>
      %dma_start3A_40 = tpu.memref_slice %dma_start3A_39[%mul3A_4] : memref<320000xi32, #tpu.memory_space<hbm>> -> memref<10000xi32, #tpu.memory_space<hbm>>
      %dma_start3A_41 = arith.constant 0 : i32
      %dma_start3A_42 = tpu.memref_slice %arg3[%run_scoped3A_5, %dma_start3A_41] : memref<2x320000xi32, #tpu.memory_space<hbm>> -> memref<1x320000xi32, #tpu.memory_space<hbm>>
      %dma_start3A_43 = tpu.memref_squeeze %dma_start3A_42 : memref<1x320000xi32, #tpu.memory_space<hbm>> -> memref<320000xi32, #tpu.memory_space<hbm>>
      %dma_start3A_44 = tpu.memref_slice %dma_start3A_43[%mul3A_4] : memref<320000xi32, #tpu.memory_space<hbm>> -> memref<10000xi32, #tpu.memory_space<hbm>>
      tpu.enqueue_dma source(%dma_start3A_44 : memref<10000xi32, #tpu.memory_space<hbm>>) target(%arg7 : memref<10000xi32, #tpu.memory_space<vmem>>) target_semaphore(%run_scoped3A_37 : memref<!tpu.dma_semaphore, #tpu.memory_space<semaphore_mem>>)
      %dma_wait3A = arith.constant 0 : i32
      %dma_wait3A_45 = tpu.memref_slice %arg3[%run_scoped3A_5, %dma_wait3A] : memref<2x320000xi32, #tpu.memory_space<hbm>> -> memref<1x320000xi32, #tpu.memory_space<hbm>>
      %dma_wait3A_46 = tpu.memref_squeeze %dma_wait3A_45 : memref<1x320000xi32, #tpu.memory_space<hbm>> -> memref<320000xi32, #tpu.memory_space<hbm>>
      %dma_wait3A_47 = tpu.memref_slice %dma_wait3A_46[%mul3A_4] : memref<320000xi32, #tpu.memory_space<hbm>> -> memref<10000xi32, #tpu.memory_space<hbm>>
      %dma_wait3A_48 = arith.constant 0 : i32
      %dma_wait3A_49 = tpu.memref_slice %arg3[%run_scoped3A_5, %dma_wait3A_48] : memref<2x320000xi32, #tpu.memory_space<hbm>> -> memref<1x320000xi32, #tpu.memory_space<hbm>>
      %dma_wait3A_50 = tpu.memref_squeeze %dma_wait3A_49 : memref<1x320000xi32, #tpu.memory_space<hbm>> -> memref<320000xi32, #tpu.memory_space<hbm>>
      %dma_wait3A_51 = tpu.memref_slice %dma_wait3A_50[%mul3A_4] : memref<320000xi32, #tpu.memory_space<hbm>> -> memref<10000xi32, #tpu.memory_space<hbm>>
      tpu.wait_dma2 semaphore(%run_scoped3A_37 : memref<!tpu.dma_semaphore, #tpu.memory_space<semaphore_mem>>) src(%dma_wait3A_51 : memref<10000xi32, #tpu.memory_space<hbm>>) dst(%arg7 : memref<10000xi32, #tpu.memory_space<vmem>>)
      tpu.yield
    }) : () -> ()
    %scan3A = arith.constant 0 : i32
    %scan3A_6 = arith.constant 0 : i32
    %scan3A_7 = arith.constant 312 : i32
    %scan3A_8 = arith.addi %scan3A_6, %scan3A_7 : i32
    %scan3A_9 = arith.constant 1 : i32
    scf.for %scan3A_37 = %scan3A_6 to %scan3A_8 step %scan3A_9  : i32 {
      %mul3A_38 = arith.constant 2 : i32
      %mul3A_39 = arith.muli %scan3A_37, %mul3A_38 : i32
      %mul3A_40 = arith.constant 16 : i32
      %mul3A_41 = arith.muli %mul3A_39, %mul3A_40 : i32
      %get3A_42 = arith.index_cast %mul3A_41 : i32 to index
      %get3A_43 = tpu.vector_load %arg6[%get3A_42] {strides = array<i32>} : memref<10000xi32, #tpu.memory_space<vmem>>, vector<16xi32>,
      %mul3A_44 = arith.constant 16 : i32
      %mul3A_45 = arith.muli %mul3A_39, %mul3A_44 : i32
      %get3A_46 = arith.index_cast %mul3A_45 : i32 to index
      %get3A_47 = tpu.vector_load %arg7[%get3A_46] {strides = array<i32>} : memref<10000xi32, #tpu.memory_space<vmem>>, vector<16xi32>,
      %gather3A_48 = tpu.vector_load_idx %arg5[%get3A_43] : memref<40960xf32, #tpu.memory_space<vmem>>[vector<16xi32>], vector<16xf32>,
      %add3A_49 = arith.constant 20480 : i32
      %add3A_50 = vector.broadcast %add3A_49 : i32 to vector<16xi32>
      %add3A_51 = arith.addi %get3A_47, %add3A_50 : vector<16xi32>
      %gather3A_52 = tpu.vector_load_idx %arg5[%add3A_51] : memref<40960xf32, #tpu.memory_space<vmem>>[vector<16xi32>], vector<16xf32>,
      %add3A_53 = arith.addf %gather3A_48, %gather3A_52 : vector<16xf32>
      %mul3A_54 = arith.constant 16 : i32
      %mul3A_55 = arith.muli %mul3A_39, %mul3A_54 : i32
      %swap3A_56 = arith.index_cast %mul3A_55 : i32 to index
      %swap3A_57 = tpu.vector_load %arg8[%swap3A_56] {strides = array<i32>} : memref<10000xf32, #tpu.memory_space<vmem>>, vector<16xf32>,
      tpu.vector_store %arg8[%swap3A_56], %add3A_53 {strides = array<i32>} : memref<10000xf32, #tpu.memory_space<vmem>>, vector<16xf32>,
      %add3A_58 = arith.constant 10240 : i32
      %add3A_59 = vector.broadcast %add3A_58 : i32 to vector<16xi32>
      %add3A_60 = arith.addi %get3A_43, %add3A_59 : vector<16xi32>
      %gather3A_61 = tpu.vector_load_idx %arg5[%add3A_60] : memref<40960xf32, #tpu.memory_space<vmem>>[vector<16xi32>], vector<16xf32>,
      %add3A_62 = arith.constant 30720 : i32
      %add3A_63 = vector.broadcast %add3A_62 : i32 to vector<16xi32>
      %add3A_64 = arith.addi %get3A_47, %add3A_63 : vector<16xi32>
      %gather3A_65 = tpu.vector_load_idx %arg5[%add3A_64] : memref<40960xf32, #tpu.memory_space<vmem>>[vector<16xi32>], vector<16xf32>,
      %add3A_66 = arith.addf %gather3A_61, %gather3A_65 : vector<16xf32>
      %mul3A_67 = arith.constant 16 : i32
      %mul3A_68 = arith.muli %mul3A_39, %mul3A_67 : i32
      %swap3A_69 = arith.index_cast %mul3A_68 : i32 to index
      %swap3A_70 = tpu.vector_load %arg9[%swap3A_69] {strides = array<i32>} : memref<10000xf32, #tpu.memory_space<vmem>>, vector<16xf32>,
      tpu.vector_store %arg9[%swap3A_69], %add3A_66 {strides = array<i32>} : memref<10000xf32, #tpu.memory_space<vmem>>, vector<16xf32>,
      %mul3A_71 = arith.constant 2 : i32
      %mul3A_72 = arith.muli %scan3A_37, %mul3A_71 : i32
      %add3A_73 = arith.constant 1 : i32
      %add3A_74 = arith.addi %mul3A_72, %add3A_73 : i32
      %mul3A_75 = arith.constant 16 : i32
      %mul3A_76 = arith.muli %add3A_74, %mul3A_75 : i32
      %get3A_77 = arith.index_cast %mul3A_76 : i32 to index
      %get3A_78 = tpu.vector_load %arg6[%get3A_77] {strides = array<i32>} : memref<10000xi32, #tpu.memory_space<vmem>>, vector<16xi32>,
      %mul3A_79 = arith.constant 16 : i32
      %mul3A_80 = arith.muli %add3A_74, %mul3A_79 : i32
      %get3A_81 = arith.index_cast %mul3A_80 : i32 to index
      %get3A_82 = tpu.vector_load %arg7[%get3A_81] {strides = array<i32>} : memref<10000xi32, #tpu.memory_space<vmem>>, vector<16xi32>,
      %gather3A_83 = tpu.vector_load_idx %arg5[%get3A_78] : memref<40960xf32, #tpu.memory_space<vmem>>[vector<16xi32>], vector<16xf32>,
      %add3A_84 = arith.constant 20480 : i32
      %add3A_85 = vector.broadcast %add3A_84 : i32 to vector<16xi32>
      %add3A_86 = arith.addi %get3A_82, %add3A_85 : vector<16xi32>
      %gather3A_87 = tpu.vector_load_idx %arg5[%add3A_86] : memref<40960xf32, #tpu.memory_space<vmem>>[vector<16xi32>], vector<16xf32>,
      %add3A_88 = arith.addf %gather3A_83, %gather3A_87 : vector<16xf32>
      %mul3A_89 = arith.constant 16 : i32
      %mul3A_90 = arith.muli %add3A_74, %mul3A_89 : i32
      %swap3A_91 = arith.index_cast %mul3A_90 : i32 to index
      %swap3A_92 = tpu.vector_load %arg8[%swap3A_91] {strides = array<i32>} : memref<10000xf32, #tpu.memory_space<vmem>>, vector<16xf32>,
      tpu.vector_store %arg8[%swap3A_91], %add3A_88 {strides = array<i32>} : memref<10000xf32, #tpu.memory_space<vmem>>, vector<16xf32>,
      %add3A_93 = arith.constant 10240 : i32
      %add3A_94 = vector.broadcast %add3A_93 : i32 to vector<16xi32>
      %add3A_95 = arith.addi %get3A_78, %add3A_94 : vector<16xi32>
      %gather3A_96 = tpu.vector_load_idx %arg5[%add3A_95] : memref<40960xf32, #tpu.memory_space<vmem>>[vector<16xi32>], vector<16xf32>,
      %add3A_97 = arith.constant 30720 : i32
      %add3A_98 = vector.broadcast %add3A_97 : i32 to vector<16xi32>
      %add3A_99 = arith.addi %get3A_82, %add3A_98 : vector<16xi32>
      %gather3A_100 = tpu.vector_load_idx %arg5[%add3A_99] : memref<40960xf32, #tpu.memory_space<vmem>>[vector<16xi32>], vector<16xf32>,
      %add3A_101 = arith.addf %gather3A_96, %gather3A_100 : vector<16xf32>
      %mul3A_102 = arith.constant 16 : i32
      %mul3A_103 = arith.muli %add3A_74, %mul3A_102 : i32
      %swap3A_104 = arith.index_cast %mul3A_103 : i32 to index
      %swap3A_105 = tpu.vector_load %arg9[%swap3A_104] {strides = array<i32>} : memref<10000xf32, #tpu.memory_space<vmem>>, vector<16xf32>,
      tpu.vector_store %arg9[%swap3A_104], %add3A_101 {strides = array<i32>} : memref<10000xf32, #tpu.memory_space<vmem>>, vector<16xf32>,
    }
    %scan3A_10 = arith.constant 312 : i32
    %get3A = arith.constant 9984 : index
    %get3A_11 = tpu.vector_load %arg6[%get3A] {strides = array<i32>} : memref<10000xi32, #tpu.memory_space<vmem>>, vector<16xi32>,
    %get3A_12 = arith.constant 9984 : index
    %get3A_13 = tpu.vector_load %arg7[%get3A_12] {strides = array<i32>} : memref<10000xi32, #tpu.memory_space<vmem>>, vector<16xi32>,
    %gather3A = tpu.vector_load_idx %arg5[%get3A_11] : memref<40960xf32, #tpu.memory_space<vmem>>[vector<16xi32>], vector<16xf32>,
    %add3A_14 = arith.constant 20480 : i32
    %add3A_15 = vector.broadcast %add3A_14 : i32 to vector<16xi32>
    %add3A_16 = arith.addi %get3A_13, %add3A_15 : vector<16xi32>
    %gather3A_17 = tpu.vector_load_idx %arg5[%add3A_16] : memref<40960xf32, #tpu.memory_space<vmem>>[vector<16xi32>], vector<16xf32>,
    %add3A_18 = arith.addf %gather3A, %gather3A_17 : vector<16xf32>
    %swap3A = arith.constant 9984 : index
    %swap3A_19 = tpu.vector_load %arg8[%swap3A] {strides = array<i32>} : memref<10000xf32, #tpu.memory_space<vmem>>, vector<16xf32>,
    tpu.vector_store %arg8[%swap3A], %add3A_18 {strides = array<i32>} : memref<10000xf32, #tpu.memory_space<vmem>>, vector<16xf32>,
    %add3A_20 = arith.constant 10240 : i32
    %add3A_21 = vector.broadcast %add3A_20 : i32 to vector<16xi32>
    %add3A_22 = arith.addi %get3A_11, %add3A_21 : vector<16xi32>
    %gather3A_23 = tpu.vector_load_idx %arg5[%add3A_22] : memref<40960xf32, #tpu.memory_space<vmem>>[vector<16xi32>], vector<16xf32>,
    %add3A_24 = arith.constant 30720 : i32
    %add3A_25 = vector.broadcast %add3A_24 : i32 to vector<16xi32>
    %add3A_26 = arith.addi %get3A_13, %add3A_25 : vector<16xi32>
    %gather3A_27 = tpu.vector_load_idx %arg5[%add3A_26] : memref<40960xf32, #tpu.memory_space<vmem>>[vector<16xi32>], vector<16xf32>,
    %add3A_28 = arith.addf %gather3A_23, %gather3A_27 : vector<16xf32>
    %swap3A_29 = arith.constant 9984 : index
    %swap3A_30 = tpu.vector_load %arg9[%swap3A_29] {strides = array<i32>} : memref<10000xf32, #tpu.memory_space<vmem>>, vector<16xf32>,
    tpu.vector_store %arg9[%swap3A_29], %add3A_28 {strides = array<i32>} : memref<10000xf32, #tpu.memory_space<vmem>>, vector<16xf32>,
    %mul3A_31 = arith.constant 10000 : i32
    %mul3A_32 = arith.muli %add3A, %mul3A_31 : i32
    %run_scoped3A_33 = arith.constant 0 : i32
    "tpu.region"() ({
      %run_scoped3A_37 = tpu.sem_alloc : memref<!tpu.dma_semaphore, #tpu.memory_space<semaphore_mem>>
      %dma_start3A = arith.constant 0 : i32
      %dma_start3A_38 = tpu.memref_slice %arg4[%run_scoped3A_33, %dma_start3A] : memref<2x320000xf32, #tpu.memory_space<hbm>> -> memref<1x320000xf32, #tpu.memory_space<hbm>>
      %dma_start3A_39 = tpu.memref_squeeze %dma_start3A_38 : memref<1x320000xf32, #tpu.memory_space<hbm>> -> memref<320000xf32, #tpu.memory_space<hbm>>
      %dma_start3A_40 = tpu.memref_slice %dma_start3A_39[%mul3A_32] : memref<320000xf32, #tpu.memory_space<hbm>> -> memref<10000xf32, #tpu.memory_space<hbm>>
      %dma_start3A_41 = arith.constant 0 : i32
      %dma_start3A_42 = tpu.memref_slice %arg4[%run_scoped3A_33, %dma_start3A_41] : memref<2x320000xf32, #tpu.memory_space<hbm>> -> memref<1x320000xf32, #tpu.memory_space<hbm>>
      %dma_start3A_43 = tpu.memref_squeeze %dma_start3A_42 : memref<1x320000xf32, #tpu.memory_space<hbm>> -> memref<320000xf32, #tpu.memory_space<hbm>>
      %dma_start3A_44 = tpu.memref_slice %dma_start3A_43[%mul3A_32] : memref<320000xf32, #tpu.memory_space<hbm>> -> memref<10000xf32, #tpu.memory_space<hbm>>
      tpu.enqueue_dma source(%arg8 : memref<10000xf32, #tpu.memory_space<vmem>>) target(%dma_start3A_44 : memref<10000xf32, #tpu.memory_space<hbm>>) target_semaphore(%run_scoped3A_37 : memref<!tpu.dma_semaphore, #tpu.memory_space<semaphore_mem>>)
      %dma_wait3A = arith.constant 0 : i32
      %dma_wait3A_45 = tpu.memref_slice %arg4[%run_scoped3A_33, %dma_wait3A] : memref<2x320000xf32, #tpu.memory_space<hbm>> -> memref<1x320000xf32, #tpu.memory_space<hbm>>
      %dma_wait3A_46 = tpu.memref_squeeze %dma_wait3A_45 : memref<1x320000xf32, #tpu.memory_space<hbm>> -> memref<320000xf32, #tpu.memory_space<hbm>>
      %dma_wait3A_47 = tpu.memref_slice %dma_wait3A_46[%mul3A_32] : memref<320000xf32, #tpu.memory_space<hbm>> -> memref<10000xf32, #tpu.memory_space<hbm>>
      %dma_wait3A_48 = arith.constant 0 : i32
      %dma_wait3A_49 = tpu.memref_slice %arg4[%run_scoped3A_33, %dma_wait3A_48] : memref<2x320000xf32, #tpu.memory_space<hbm>> -> memref<1x320000xf32, #tpu.memory_space<hbm>>
      %dma_wait3A_50 = tpu.memref_squeeze %dma_wait3A_49 : memref<1x320000xf32, #tpu.memory_space<hbm>> -> memref<320000xf32, #tpu.memory_space<hbm>>
      %dma_wait3A_51 = tpu.memref_slice %dma_wait3A_50[%mul3A_32] : memref<320000xf32, #tpu.memory_space<hbm>> -> memref<10000xf32, #tpu.memory_space<hbm>>
      tpu.wait_dma2 semaphore(%run_scoped3A_37 : memref<!tpu.dma_semaphore, #tpu.memory_space<semaphore_mem>>) src(%arg8 : memref<10000xf32, #tpu.memory_space<vmem>>) dst(%dma_wait3A_51 : memref<10000xf32, #tpu.memory_space<hbm>>)
      tpu.yield
    }) : () -> ()
    %mul3A_34 = arith.constant 10000 : i32
    %mul3A_35 = arith.muli %add3A, %mul3A_34 : i32
    %run_scoped3A_36 = arith.constant 1 : i32
    "tpu.region"() ({
      %run_scoped3A_37 = tpu.sem_alloc : memref<!tpu.dma_semaphore, #tpu.memory_space<semaphore_mem>>
      %dma_start3A = arith.constant 0 : i32
      %dma_start3A_38 = tpu.memref_slice %arg4[%run_scoped3A_36, %dma_start3A] : memref<2x320000xf32, #tpu.memory_space<hbm>> -> memref<1x320000xf32, #tpu.memory_space<hbm>>
      %dma_start3A_39 = tpu.memref_squeeze %dma_start3A_38 : memref<1x320000xf32, #tpu.memory_space<hbm>> -> memref<320000xf32, #tpu.memory_space<hbm>>
      %dma_start3A_40 = tpu.memref_slice %dma_start3A_39[%mul3A_35] : memref<320000xf32, #tpu.memory_space<hbm>> -> memref<10000xf32, #tpu.memory_space<hbm>>
      %dma_start3A_41 = arith.constant 0 : i32
      %dma_start3A_42 = tpu.memref_slice %arg4[%run_scoped3A_36, %dma_start3A_41] : memref<2x320000xf32, #tpu.memory_space<hbm>> -> memref<1x320000xf32, #tpu.memory_space<hbm>>
      %dma_start3A_43 = tpu.memref_squeeze %dma_start3A_42 : memref<1x320000xf32, #tpu.memory_space<hbm>> -> memref<320000xf32, #tpu.memory_space<hbm>>
      %dma_start3A_44 = tpu.memref_slice %dma_start3A_43[%mul3A_35] : memref<320000xf32, #tpu.memory_space<hbm>> -> memref<10000xf32, #tpu.memory_space<hbm>>
      tpu.enqueue_dma source(%arg9 : memref<10000xf32, #tpu.memory_space<vmem>>) target(%dma_start3A_44 : memref<10000xf32, #tpu.memory_space<hbm>>) target_semaphore(%run_scoped3A_37 : memref<!tpu.dma_semaphore, #tpu.memory_space<semaphore_mem>>)
      %dma_wait3A = arith.constant 0 : i32
      %dma_wait3A_45 = tpu.memref_slice %arg4[%run_scoped3A_36, %dma_wait3A] : memref<2x320000xf32, #tpu.memory_space<hbm>> -> memref<1x320000xf32, #tpu.memory_space<hbm>>
      %dma_wait3A_46 = tpu.memref_squeeze %dma_wait3A_45 : memref<1x320000xf32, #tpu.memory_space<hbm>> -> memref<320000xf32, #tpu.memory_space<hbm>>
      %dma_wait3A_47 = tpu.memref_slice %dma_wait3A_46[%mul3A_35] : memref<320000xf32, #tpu.memory_space<hbm>> -> memref<10000xf32, #tpu.memory_space<hbm>>
      %dma_wait3A_48 = arith.constant 0 : i32
      %dma_wait3A_49 = tpu.memref_slice %arg4[%run_scoped3A_36, %dma_wait3A_48] : memref<2x320000xf32, #tpu.memory_space<hbm>> -> memref<1x320000xf32, #tpu.memory_space<hbm>>
      %dma_wait3A_50 = tpu.memref_squeeze %dma_wait3A_49 : memref<1x320000xf32, #tpu.memory_space<hbm>> -> memref<320000xf32, #tpu.memory_space<hbm>>
      %dma_wait3A_51 = tpu.memref_slice %dma_wait3A_50[%mul3A_35] : memref<320000xf32, #tpu.memory_space<hbm>> -> memref<10000xf32, #tpu.memory_space<hbm>>
      tpu.wait_dma2 semaphore(%run_scoped3A_37 : memref<!tpu.dma_semaphore, #tpu.memory_space<semaphore_mem>>) src(%arg9 : memref<10000xf32, #tpu.memory_space<vmem>>) dst(%dma_wait3A_51 : memref<10000xf32, #tpu.memory_space<hbm>>)
      tpu.yield
    }) : () -> ()
    return
  }
}

module attributes {stable_mosaic.version = 14 : i64} {
  func.func @_dense_tc_body(%arg0: i32, %arg1: memref<1280x128xf32, #tpu.memory_space<vmem>>, %arg2: memref<2x1280x64xf32, #tpu.memory_space<vmem>>, %arg3: memref<128x128xf32, #tpu.memory_space<vmem>>, %arg4: memref<128x128xf32, #tpu.memory_space<vmem>>, %arg5: memref<1x128xf32, #tpu.memory_space<vmem>>, %arg6: memref<128x8xf32, #tpu.memory_space<vmem>>, %arg7: memref<1x8xf32, #tpu.memory_space<vmem>>, %arg8: memref<2x1280xf32, #tpu.memory_space<vmem>>, %arg9: memref<4x1280xf32, #tpu.memory_space<vmem>>) attributes {dimension_semantics = [#tpu.dimension_semantics<arbitrary>], iteration_bounds = array<i64: 8>, scalar_prefetch = 0 : i64, scratch_operands = 0 : i64, tpu.core_type = #tpu.core_type<tc>, window_params = [{transform_indices = @transform_0, window_bounds = array<i64: 1280, 128>}, {transform_indices = @transform_1, window_bounds = array<i64: 2, 1280, 64>}, {pipeline_mode = #tpu.pipeline_mode<synchronous>, transform_indices = @transform_2, window_bounds = array<i64: 128, 128>}, {pipeline_mode = #tpu.pipeline_mode<synchronous>, transform_indices = @transform_3, window_bounds = array<i64: 128, 128>}, {pipeline_mode = #tpu.pipeline_mode<synchronous>, transform_indices = @transform_4, window_bounds = array<i64: 1, 128>}, {pipeline_mode = #tpu.pipeline_mode<synchronous>, transform_indices = @transform_5, window_bounds = array<i64: 128, 8>}, {pipeline_mode = #tpu.pipeline_mode<synchronous>, transform_indices = @transform_6, window_bounds = array<i64: 1, 8>}, {transform_indices = @transform_7, window_bounds = array<i64: 2, 1280>}, {transform_indices = @transform_8, window_bounds = array<i64: 4, 1280>}]} {
    %get3A = arith.constant 0 : index
    %get3A_0 = arith.constant 0 : index
    %get3A_1 = vector.load %arg4[%get3A, %get3A_0] : memref<128x128xf32, #tpu.memory_space<vmem>>, vector<128x128xf32>
    %get3A_2 = arith.constant 0 : index
    %get3A_3 = arith.constant 0 : index
    %get3A_4 = vector.load %arg1[%get3A_2, %get3A_3] : memref<1280x128xf32, #tpu.memory_space<vmem>>, vector<1280x128xf32>
    %get3A_5 = arith.constant 0 : index
    %get3A_6 = arith.constant 0 : index
    %get3A_7 = vector.load %arg3[%get3A_5, %get3A_6] : memref<128x128xf32, #tpu.memory_space<vmem>>, vector<128x128xf32>
    %dot_general3A = arith.constant dense<0.000000e+00> : vector<1280x128xf32>
    %dot_general3A_8 = tpu.matmul %get3A_4, %get3A_7, %dot_general3A {dimension_numbers = #tpu.dot_dimension_numbers<[1], [0], [0], [1], [0, 0, 1, 1], [], []>, transpose_lhs_hint = false} : vector<1280x128xf32>, vector<128x128xf32>, vector<1280x128xf32> -> vector<1280x128xf32>
    %get3A_9 = arith.constant 0 : index
    %get3A_10 = arith.constant 0 : index
    %get3A_11 = arith.constant 0 : index
    %get3A_12 = vector.load %arg2[%get3A_9, %get3A_10, %get3A_11] : memref<2x1280x64xf32, #tpu.memory_space<vmem>>, vector<1x1280x64xf32>
    %get3A_13 = vector.shape_cast %get3A_12 : vector<1x1280x64xf32> to vector<1280x64xf32>
    %slice3A = vector.extract_strided_slice %get3A_1 {offsets = [0, 0], sizes = [64, 128], strides = [1, 1]} : vector<128x128xf32> to vector<64x128xf32>
    %dot_general3A_14 = arith.constant dense<0.000000e+00> : vector<1280x128xf32>
    %dot_general3A_15 = tpu.matmul %get3A_13, %slice3A, %dot_general3A_14 {dimension_numbers = #tpu.dot_dimension_numbers<[1], [0], [0], [1], [0, 0, 1, 1], [], []>, transpose_lhs_hint = false} : vector<1280x64xf32>, vector<64x128xf32>, vector<1280x128xf32> -> vector<1280x128xf32>
    %add3A = arith.addf %dot_general3A_8, %dot_general3A_15 : vector<1280x128xf32>
    %get3A_16 = arith.constant 1 : index
    %get3A_17 = arith.constant 0 : index
    %get3A_18 = arith.constant 0 : index
    %get3A_19 = vector.load %arg2[%get3A_16, %get3A_17, %get3A_18] : memref<2x1280x64xf32, #tpu.memory_space<vmem>>, vector<1x1280x64xf32>
    %get3A_20 = vector.shape_cast %get3A_19 : vector<1x1280x64xf32> to vector<1280x64xf32>
    %slice3A_21 = vector.extract_strided_slice %get3A_1 {offsets = [64, 0], sizes = [64, 128], strides = [1, 1]} : vector<128x128xf32> to vector<64x128xf32>
    %dot_general3A_22 = arith.constant dense<0.000000e+00> : vector<1280x128xf32>
    %dot_general3A_23 = tpu.matmul %get3A_20, %slice3A_21, %dot_general3A_22 {dimension_numbers = #tpu.dot_dimension_numbers<[1], [0], [0], [1], [0, 0, 1, 1], [], []>, transpose_lhs_hint = false} : vector<1280x64xf32>, vector<64x128xf32>, vector<1280x128xf32> -> vector<1280x128xf32>
    %add3A_24 = arith.addf %add3A, %dot_general3A_23 : vector<1280x128xf32>
    %get3A_25 = arith.constant 0 : index
    %get3A_26 = arith.constant 0 : index
    %get3A_27 = vector.load %arg5[%get3A_25, %get3A_26] : memref<1x128xf32, #tpu.memory_space<vmem>>, vector<1x128xf32>
    %add3A_28 = vector.broadcast %get3A_27 : vector<1x128xf32> to vector<1280x128xf32>
    %add3A_29 = arith.addf %add3A_24, %add3A_28 : vector<1280x128xf32>
    %max3A = arith.constant 0.000000e+00 : f32
    %max3A_30 = vector.broadcast %max3A : f32 to vector<1280x128xf32>
    %max3A_31 = arith.maximumf %add3A_29, %max3A_30 : vector<1280x128xf32>
    %get3A_32 = arith.constant 0 : index
    %get3A_33 = arith.constant 0 : index
    %get3A_34 = vector.load %arg6[%get3A_32, %get3A_33] : memref<128x8xf32, #tpu.memory_space<vmem>>, vector<128x8xf32>
    %dot_general3A_35 = arith.constant dense<0.000000e+00> : vector<1280x8xf32>
    %dot_general3A_36 = tpu.matmul %max3A_31, %get3A_34, %dot_general3A_35 {dimension_numbers = #tpu.dot_dimension_numbers<[1], [0], [0], [1], [0, 0, 1, 1], [], []>, transpose_lhs_hint = false} : vector<1280x128xf32>, vector<128x8xf32>, vector<1280x8xf32> -> vector<1280x8xf32>
    %get3A_37 = arith.constant 0 : index
    %get3A_38 = arith.constant 0 : index
    %get3A_39 = vector.load %arg7[%get3A_37, %get3A_38] : memref<1x8xf32, #tpu.memory_space<vmem>>, vector<1x8xf32>
    %add3A_40 = vector.broadcast %get3A_39 : vector<1x8xf32> to vector<1280x8xf32>
    %add3A_41 = arith.addf %dot_general3A_36, %add3A_40 : vector<1280x8xf32>
    %slice3A_42 = vector.extract_strided_slice %add3A_41 {offsets = [0, 0], sizes = [1280, 2], strides = [1, 1]} : vector<1280x8xf32> to vector<1280x2xf32>
    %transpose3A = tpu.transpose %slice3A_42, [1, 0] : vector<1280x2xf32> -> vector<2x1280xf32>
    %swap3A = arith.constant 0 : index
    %swap3A_43 = arith.constant 0 : index
    %swap3A_44 = vector.load %arg8[%swap3A, %swap3A_43] : memref<2x1280xf32, #tpu.memory_space<vmem>>, vector<2x1280xf32>
    tpu.vector_store %arg8[%swap3A, %swap3A_43], %transpose3A {strides = array<i32>} : memref<2x1280xf32, #tpu.memory_space<vmem>>, vector<2x1280xf32>,
    %slice3A_45 = vector.extract_strided_slice %add3A_41 {offsets = [0, 2], sizes = [1280, 4], strides = [1, 1]} : vector<1280x8xf32> to vector<1280x4xf32>
    %transpose3A_46 = tpu.transpose %slice3A_45, [1, 0] : vector<1280x4xf32> -> vector<4x1280xf32>
    %swap3A_47 = arith.constant 0 : index
    %swap3A_48 = arith.constant 0 : index
    %swap3A_49 = vector.load %arg9[%swap3A_47, %swap3A_48] : memref<4x1280xf32, #tpu.memory_space<vmem>>, vector<4x1280xf32>
    tpu.vector_store %arg9[%swap3A_47, %swap3A_48], %transpose3A_46 {strides = array<i32>} : memref<4x1280xf32, #tpu.memory_space<vmem>>, vector<4x1280xf32>,
    return
  }
  func.func @transform_0(%arg0: i32) -> (i32, i32) {
    %c0_i32 = arith.constant 0 : i32
    %c0_i32_0 = arith.constant 0 : i32
    return %arg0, %c0_i32 : i32, i32
  }
  func.func @transform_1(%arg0: i32) -> (i32, i32, i32) {
    %c0_i32 = arith.constant 0 : i32
    %c0_i32_0 = arith.constant 0 : i32
    %c0_i32_1 = arith.constant 0 : i32
    return %c0_i32, %arg0, %c0_i32_0 : i32, i32, i32
  }
  func.func @transform_2(%arg0: i32) -> (i32, i32) {
    %c0_i32 = arith.constant 0 : i32
    %c0_i32_0 = arith.constant 0 : i32
    %c0_i32_1 = arith.constant 0 : i32
    return %c0_i32, %c0_i32_0 : i32, i32
  }
  func.func @transform_3(%arg0: i32) -> (i32, i32) {
    %c0_i32 = arith.constant 0 : i32
    %c0_i32_0 = arith.constant 0 : i32
    %c0_i32_1 = arith.constant 0 : i32
    return %c0_i32, %c0_i32_0 : i32, i32
  }
  func.func @transform_4(%arg0: i32) -> (i32, i32) {
    %c0_i32 = arith.constant 0 : i32
    %c0_i32_0 = arith.constant 0 : i32
    %c0_i32_1 = arith.constant 0 : i32
    return %c0_i32, %c0_i32_0 : i32, i32
  }
  func.func @transform_5(%arg0: i32) -> (i32, i32) {
    %c0_i32 = arith.constant 0 : i32
    %c0_i32_0 = arith.constant 0 : i32
    %c0_i32_1 = arith.constant 0 : i32
    return %c0_i32, %c0_i32_0 : i32, i32
  }
  func.func @transform_6(%arg0: i32) -> (i32, i32) {
    %c0_i32 = arith.constant 0 : i32
    %c0_i32_0 = arith.constant 0 : i32
    %c0_i32_1 = arith.constant 0 : i32
    return %c0_i32, %c0_i32_0 : i32, i32
  }
  func.func @transform_7(%arg0: i32) -> (i32, i32) {
    %c0_i32 = arith.constant 0 : i32
    %c0_i32_0 = arith.constant 0 : i32
    return %c0_i32, %arg0 : i32, i32
  }
  func.func @transform_8(%arg0: i32) -> (i32, i32) {
    %c0_i32 = arith.constant 0 : i32
    %c0_i32_0 = arith.constant 0 : i32
    return %c0_i32, %arg0 : i32, i32
  }
}

</mosaic_0001>

<sc_bundles>
// kernel: kernel.5.cloned.1.call-start
scs
__scs_entry_jumppad:
0x0: {  	(pc) =	sbr.rel $0x88, $3  }
0x1: {  	(tag) =	ssettag $0x0;
	lr =	simm.s32 $0x1  }
0x2: {  	[smem:$0x3F98] =	sst lr;
	_ =	strace $0xD0000000  }
0x3: {  	_ = 	snop  }
0x4: {  	_ = 	snop  }
0x5: {  	_ = 	snop  }
0x6: {  	_ = 	snop  }
0x7: {  	_ = 	snop  }
__scs_overlays_trampoline_lowered:
0x8: {  	[smem:$0x3FA7] =	sst s0  }
0x9: {  	[smem:$0x3FA8] =	sst s1  }
0xa: {  	[smem:$0x3FA9] =	sst s2  }
0xb: {  	[smem:$0x3FAA] =	sst s3  }
0xc: {  	[smem:$0x3FAB] =	sst s4  }
0xd: {  	[smem:$0x3FAC] =	sst s5  }
0xe: {  	[smem:$0x3FAD] =	sst s6  }
0xf: {  	[smem:$0x3FAE] =	sst s7  }
0x10: {  	[smem:$0x3FAF] =	sst s8  }
0x11: {  	[smem:$0x3FB0] =	sst s9;
	s0 =	simm.s32 @!p0 $0x0  }
0x12: {  	s1 =	sld [smem:$0x3F96];
	s0 =	simm.s32 @p0 $0x1  }
0x13: {  	[smem:$0x3FB1] =	sst s0;
	s0 =	simm.s32 @!p1 $0x0  }
0x14: {  	s2 =	sld [smem:$0x3F95];
	s0 =	simm.s32 @p1 $0x1  }
0x15: {  	[smem:$0x3FB2] =	sst s0;
	s0 =	simm.s32 @!p2 $0x0  }
0x16: {  	s3 =	sld [smem:$0x3FDB];
	s0 =	simm.s32 @p2 $0x1  }
0x17: {  	s4 =	simm.s32 $0x1BF5;
	[smem:$0x3FB4] =	sst s0  }
0x18: {  	s0 =	sld [smem:$0x3F97];
	_ =	swait.ge [sflag:s4], $0x0  }
0x19: {  	s7 =	sld [smem:$0x3F98]  }
0x1a: {  	s8 =	sadd.s32 $0xFFFFE003, lr  }
0x1b: {  	s9 =	sadd.s32 $0xFFFFFEF7, lr;
	s5 =	simm.s32 $0xFFFFFFFF;
	p2 =	slt.u32 s8, $0xFFFFF086  }
0x1c: {  	p1 =	slt.u32 s9, $0xF7A;
	s5 =	simm.s32 @!p2 $0x0  }
0x1d: {  	s5 =	simm.s32 @p1 $0x1;
	p0 =	seq.s32 s7, s2  }
0x1e: {  	s7 =	smul.u32 @!p0 $0xF7A, s2;
	p2 =	seq.s32 @!p0 s5, $0x0  }
0x1f: {  	s9 =	smul.u32 $0xF7A, s1;
	s8 =	simm.s32 @!p0 $0x1BF5;
	p2 =	por !p2, p0  }
0x20: {  	[sflag:s8] =	ssyncset.s32 @!p0 $0xFFFFF086;
	s6 =	sadd.s32 @!p0 s3, s7;
	s7 =	simm.s32 @!p0 $0x108  }
0x21: {  	s3 =	sadd.s32 s3, s9;
	s6 =	sadd.s32 @!p0 $0x88, s6;
	s7 =	simm.s32 @p2 $0x1082  }
0x22: {  	[simem:s7], [sflag:s8] =	dma.local @!p0 [hbm:s6], $0xF7A  }
0x23: {  	s9 =	sor.u32 $0xD0000000, s2;
	s6 =	simm.s32 $0x108;
	_ =	swait.ge @!p0 [sflag:s8], $0x0  }
0x24: {  	s3 =	sadd.s32 $0x88, s3;
	s6 =	simm.s32 @!p1 $0x1082;
	[sflag:s4] =	ssyncset.s32 $0xFFFFF086  }
0x25: {  	[simem:s6], [sflag:s4] =	dma.local [hbm:s3], $0xF7A  }
0x26: {  	[smem:$0x3F98] =	sst s1;
	(tag) =	ssettag s2;
	_ =	strace s9  }
0x27: {  	s1 =	sld [smem:$0x3FA8]  }
0x28: {  	s2 =	sld [smem:$0x3FA9]  }
0x29: {  	s4 =	sld [smem:$0x3FAB]  }
0x2a: {  	p0 =	seq.s32 s5, $0x0;
	s5 =	sld [smem:$0x3FAC]  }
0x2b: {  	s6 =	sld [smem:$0x3FAD]  }
0x2c: {  	s7 =	sld [smem:$0x3FAE]  }
0x2d: {  	s3 =	simm.s32 $0x108;
	s8 =	sld [smem:$0x3FAF]  }
0x2e: {  	s3 =	simm.s32 @!p0 $0x1082;
	s9 =	sld [smem:$0x3FB0]  }
0x2f: {  	lr =	sadd.s32 s0, s3;
	s0 =	sld [smem:$0x3FA7]  }
0x30: {  	s3 =	sld [smem:$0x3FAA]  }
0x31: {  	[smem:$0x3FB3] =	sst s10  }
0x32: {  	s10 =	sld [smem:$0x3FB1];
	_ =	sdelay $0x3  }
0x33: {  	p0 =	seq.s32 s10, $0x1;
	s10 =	sld [smem:$0x3FB3];
	_ =	sdelay $0x3  }
0x34: {  	[smem:$0x3FB3] =	sst s10  }
0x35: {  	s10 =	sld [smem:$0x3FB2];
	_ =	sdelay $0x3  }
0x36: {  	p1 =	seq.s32 s10, $0x1;
	s10 =	sld [smem:$0x3FB3];
	_ =	sdelay $0x3  }
0x37: {  	[smem:$0x3FB3] =	sst s10  }
0x38: {  	s10 =	sld [smem:$0x3FB4]  }
0x39: {  	_ = 	snop;
	(pc) =	sbr.ind lr, $3  }
0x3a: {  	_ = 	snop  }
0x3b: {  	_ = 	snop  }
0x3c: {  	p2 =	seq.s32 s10, $0x1;
	s10 =	sld [smem:$0x3FB3]  }
0x3d: {  	_ =	shalt  }
0x3e: {  	_ =	shalt  }
0x3f: {  	_ =	shalt  }
0x40: {  	_ =	shalt  }
0x41: {  	_ =	shalt  }
0x42: {  	_ =	shalt  }
0x43: {  	_ =	shalt  }
0x44: {  	_ =	shalt  }
0x45: {  	_ =	shalt  }
0x46: {  	_ =	shalt  }
0x47: {  	_ =	shalt  }
0x48: {  	_ =	shalt  }
0x49: {  	_ =	shalt  }
0x4a: {  	_ =	shalt  }
0x4b: {  	_ =	shalt  }
0x4c: {  	_ =	shalt  }
0x4d: {  	_ =	shalt  }
0x4e: {  	_ =	shalt  }
0x4f: {  	_ =	shalt  }
0x50: {  	_ =	shalt  }
0x51: {  	_ =	shalt  }
0x52: {  	_ =	shalt  }
0x53: {  	_ =	shalt  }
0x54: {  	_ =	shalt  }
0x55: {  	_ =	shalt  }
0x56: {  	_ =	shalt  }
0x57: {  	_ =	shalt  }
0x58: {  	_ =	shalt  }
0x59: {  	_ =	shalt  }
0x5a: {  	_ =	shalt  }
0x5b: {  	_ =	shalt  }
0x5c: {  	_ =	shalt  }
0x5d: {  	_ =	shalt  }
0x5e: {  	_ =	shalt  }
0x5f: {  	_ =	shalt  }
0x60: {  	_ =	shalt  }
0x61: {  	_ =	shalt  }
0x62: {  	_ =	shalt  }
0x63: {  	_ =	shalt  }
0x64: {  	_ =	shalt  }
0x65: {  	_ =	shalt  }
0x66: {  	_ =	shalt  }
0x67: {  	_ =	shalt  }
0x68: {  	_ =	shalt  }
0x69: {  	_ =	shalt  }
0x6a: {  	_ =	shalt  }
0x6b: {  	_ =	shalt  }
0x6c: {  	_ =	shalt  }
0x6d: {  	_ =	shalt  }
0x6e: {  	_ =	shalt  }
0x6f: {  	_ =	shalt  }
0x70: {  	_ =	shalt  }
0x71: {  	_ =	shalt  }
0x72: {  	_ =	shalt  }
0x73: {  	_ =	shalt  }
0x74: {  	_ =	shalt  }
0x75: {  	_ =	shalt  }
0x76: {  	_ =	shalt  }
0x77: {  	_ =	shalt  }
0x78: {  	_ =	shalt  }
0x79: {  	_ =	shalt  }
0x7a: {  	_ =	shalt  }
0x7b: {  	_ =	shalt  }
0x7c: {  	_ =	shalt  }
0x7d: {  	_ =	shalt  }
0x7e: {  	_ =	shalt  }
0x7f: {  	_ =	shalt  }
0x80: {  	_ =	shalt  }
0x81: {  	_ =	shalt  }
0x82: {  	_ =	shalt  }
0x83: {  	_ =	shalt  }
0x84: {  	_ =	shalt  }
0x85: {  	_ =	shalt  }
0x86: {  	_ =	shalt  }
0x87: {  	_ =	shalt  }
.Lfunc_end0:
.L_simem_size_0:
called_computation_lowered:
.L_overlay_start_0:
0x88: {  	s2 =	sld [smem:$0x3FD9]  }
0x89: {  	s3 =	sld [smem:$0x3FFE];
	_ =	sdelay $0x1  }
0x8a: {  	s1 =	srdreg.scid  }
0x8b: {  	s0 =	sand.u32 $0x1, s1  }
0x8c: {  	s14 =	sshll.u32 s0, $0xA;
	s2 =	sadd.s32 s3, s2  }
0x8d: {  	s2 =	sadd.s32 s2, s14  }
0x8e: {  	[smem:$0x3FBF] =	sst s2  }
0x8f: {  	_ = 	snop  }
0x90: {  	s2 =	sld [smem:$0x3FD0];
	_ =	sdelay $0x2  }
0x91: {  	s15 =	simm.s32 $0xA;
	s4 =	simm.s32 $0x10  }
0x92: {  	[smem:s4], [sflag:s15] =	dma.local [hbm:s2], $0x1  }
0x93: {  	_ =	swait.eq [sflag:s15], $0x1  }
0x94: {  	[sflag:s15] =	ssyncset.done $0x0  }
0x95: {  	[sflag:s15] =	ssyncadd.s32 $0xFFFFFFFF  }
0x96: {  	s16 =	sld [smem:$0x11];
	(tm) =	ssettm $0x1  }
0x97: {  	s17 =	sld [smem:$0x3FFB];
	_ =	sdelay $0x3  }
0x98: {  	_ =	strace s17  }
0x99: {  	s3 =	sld [smem:$0x3FFC];
	_ =	sdelay $0x3  }
0x9a: {  	_ =	strace s3  }
0x9b: {  	s3 =	sld [smem:$0x3FFD];
	_ =	sdelay $0x3  }
0x9c: {  	_ =	strace s3  }
0x9d: {  	_ =	strace $0x8FFFFFFF  }
0x9e: {  	s18 =	sld [smem:$0x3FDB];
	_ =	sdelay $0x1  }
0x9f: {  	s19 =	simm.s32 $_scs_section_size  }
0xa0: {  	s5 =	simm.s32 $_size__tile_overlayer_lowered;
	s6 =	simm.s32 $_tile_overlayer_lowered  }
0xa1: {  	s22 =	simm.s32 $0x1BFF;
	s21 =	sshll.u32 s6, $0x1;
	s3 =	sadd.s32 s19, s18  }
0xa2: {  	s7 =	simm.s32 $0x0;
	s20 =	sshll.u32 s5, $0x1;
	s5 =	sadd.s32 s21, s3  }
0xa3: {  	[timem:s7], [sflag:s22] =	dma.local [hbm:s5], s20  }
0xa4: {  	_ =	swait.ge [sflag:s22], s20  }
0xa5: {  	s4 =	ssub.s32 $0x0, s20;
	[sflag:s22] =	ssyncset.done $0x0  }
0xa6: {  	[sflag:s22] =	ssyncadd.s32 s4;
	_ =	sdelay $0x1  }
0xa7: {  	s23 =	simm.s32 $0x1B8B  }
0xa8: {  	_ =	swait.ge [sflag:s23], $0x1  }
0xa9: {  	[sflag:s23] =	ssyncset.done $0x0  }
0xaa: {  	s25 =	simm.s32 $0x1B8E;
	s24 =	sld [smem:$0x3FFE];
	[sflag:s23] =	ssyncadd.s32 $0xFFFFFFFF  }
0xab: {  	s26 =	simm.s32 $execute0_lowered;
	[smem:$0x3FD2] =	sst s25  }
0xac: {  	s5 =	sshll.u32 s26, $0x1;
	_ =	strace $0x80000046;
	[dreg:$0x1] =	wrdreg $0xFFFFFFFF  }
0xad: {  	s28 =	simm.s32 $_size_execute0_lowered;
	s3 =	sadd.s32 s3, s5;
	[dreg:$0x0] =	wrdreg $0x0  }
0xae: {  	s5 =	sshll.u32 s28, $0x1;
	[dreg:$0x2] =	wrdreg s3  }
0xaf: {  	[dreg:$0x3] =	wrdreg s5  }
0xb0: {  	[dreg:$0x4] =	wrdreg $0xC0  }
0xb1: {  	_ =	task [dreg:s7], $0x5FFFF  }
0xb2: {  	[dreg:$0x1] =	wrdreg $0xFFFFFFFF  }
0xb3: {  	[dreg:$0x0] =	wrdreg $0x60  }
0xb4: {  	[dreg:$0x2] =	wrdreg s24  }
0xb5: {  	[dreg:$0x3] =	wrdreg s16  }
0xb6: {  	[dreg:$0x4] =	wrdreg $0x140400  }
0xb7: {  	[dreg:$0x5] =	wrdreg $0x9  }
0xb8: {  	_ =	task.clear_ibuf [dreg:s7], $0x6FFFF;
	_ =	strace $0x90000046  }
0xb9: {  	s29 =	simm.s32 $0x9;
	_ =	strace $0x80000048  }
0xba: {  	_ =	swait.ge [sflag:s29], $0x1  }
0xbb: {  	[sflag:s29] =	ssyncadd.s32 $0xFFFFFFFF  }
0xbc: {  	_ =	strace $0x90000048  }
0xbd: {  	_ =	sfence  }
0xbe: {  	s30 =	sld [smem:$0x0];
	_ =	sdelay $0x2  }
0xbf: {  	s31 =	sshll.u32 s1, $0xD;
	s1 =	sshrl.u32 s1, $0x2  }
0xc0: {  	s3 =	sand.u32 $0x4000, s31;
	s1 =	sadd.s32 s1, s30  }
0xc1: {  	s0 =	sor.u32 s3, s0;
	s1 =	sshll.u32 s1, $0x11  }
0xc2: {  	s0 =	sor.u32 s1, s0  }
0xc3: {  	s0 =	sadd.s32 $0x8F2B, s0  }
0xc4: {  	[sflag:s0] =	ssyncadd.remote.s32 $0x1  }
0xc5: {  	_ =	sfence.sel $0xFFFF  }
0xc6: {  	[dreg:$0x0] =	wrdreg $0xFFFFFFFF;
	(pc) =	sbr.abs _section_cstart, $3  }
0xc7: {  	[dreg:$0x1] =	wrdreg $0xFFFFFFFF  }
0xc8: {  	_ =	task.clear_ibuf [dreg:s7], $0x2FFFF;
	_ =	strace $0x9FFFFFFF  }
0xc9: {  	(tm) =	ssettm $0x7FFFFFFF  }
tec
execute0_lowered:
.L_overlay_start_1:
0x0: {  	(tag) =	ssettag $0x1  }
0x1: {  	s3 =	rddreg [dreg:$0x0]  }
0x2: {  	s5 =	rddreg [dreg:$0x1];
	s11 =	stileid.u32  }
0x3: {  	s1 =	rddreg [dreg:$0x2];
	s7 =	smul.u32 $0x28000, s11  }
0x4: {  	s0 =	srdreg.scid;
	s8 =	smul.u32 $0xA000, s11  }
0x5: {  	s2 =	simm.s32 $0x0;
	s4 =	sand.u32 $0x1, s0;
	s11 =	smul.u32 $0x9C4, s11  }
0x6: {  	[smem:$0x7FF] =	sst s2;
	s14 =	sadd.s32 $0x9C40, s5;
	s0 =	smul.u32 $0x13880, s4  }
0x7: {  	s6 =	smul.u32 $0x14000, s4;
	_ =	strace $0x80000047;
	s4 =	ssub.s32 $0x2, s4  }
0x8: {  	s16 =	sshrl.u32 s4, $0x1;
	s7 =	sshrl.u32 s7, $0x2;
	s22 =	sadd.s32 $0x2000, s8  }
0x9: {  	s10 =	sadd.s32 $0x4000, s8;
	s12 =	sadd.s32 $0x6000, s8;
	s5 =	sadd.s32 s5, s11  }
0xa: {  	s11 =	sadd.s32 s11, s14;
	s7 =	sadd.s32 s7, s1;
	[dreg:$0xa] =	wrdreg s5  }
0xb: {  	s13 =	sadd.s32 $0x8000, s8;
	[dreg:$0xb] =	wrdreg s11;
	s9 =	sadd.s32 $0x400, s7  }
0xc: {  	s23 =	sshrl.u32 s8, $0x3;
	s17 =	sadd.s32 $0x800, s7;
	[dreg:$0x4] =	wrdreg s9  }
0xd: {  	s0 =	sadd.s32 s0, s3;
	s18 =	sadd.s32 $0xC00, s7;
	[dreg:$0x5] =	wrdreg s17  }
0xe: {  	s3 =	sadd.s32 s6, s3;
	s19 =	sadd.s32 $0x1000, s7;
	[dreg:$0x6] =	wrdreg s18  }
0xf: {  	s6 =	ssub.s32 s4, s16;
	s20 =	sadd.s32 $0x1400, s7;
	[dreg:$0x7] =	wrdreg s19  }
0x10: {  	s4 =	sadd.s32 s8, s1;
	s21 =	sadd.s32 $0x1800, s7;
	[dreg:$0x8] =	wrdreg s20  }
0x11: {  	s3 =	sadd.s32 $0x28800, s3;
	s11 =	sadd.s32 $0x5400, s7;
	[dreg:$0x9] =	wrdreg s21  }
0x12: {  	s24 =	sshrl.u32 s22, $0x3;
	s5 =	sadd.s32 s23, s3;
	[dreg:$0x1d] =	wrdreg s11  }
0x13: {  	s15 =	sshrl.u32 s10, $0x3;
	s26 =	sadd.s32 s24, s3;
	[dreg:$0xc] =	wrdreg s5  }
0x14: {  	s16 =	sshrl.u32 s12, $0x3;
	s8 =	sadd.s32 s15, s3;
	[dreg:$0xd] =	wrdreg s26  }
0x15: {  	s25 =	sshrl.u32 s13, $0x3;
	s14 =	sadd.s32 s16, s3;
	[dreg:$0xe] =	wrdreg s8  }
0x16: {  	s3 =	sadd.s32 s25, s3;
	[dreg:$0xf] =	wrdreg s14  }
0x17: {  	s15 =	sadd.s32 $0x1C00, s7;
	[dreg:$0x10] =	wrdreg s3  }
0x18: {  	s16 =	sadd.s32 $0x2400, s7;
	[dreg:$0x11] =	wrdreg s15  }
0x19: {  	s17 =	sadd.s32 $0x2800, s7;
	[dreg:$0x12] =	wrdreg s16  }
0x1a: {  	s18 =	sadd.s32 $0x2C00, s7;
	[dreg:$0x13] =	wrdreg s17  }
0x1b: {  	s23 =	sadd.s32 $0x3000, s7;
	[dreg:$0x14] =	wrdreg s18  }
0x1c: {  	s24 =	sadd.s32 $0x3400, s7;
	[dreg:$0x15] =	wrdreg s23  }
0x1d: {  	s25 =	sadd.s32 $0x3800, s7;
	[dreg:$0x16] =	wrdreg s24  }
0x1e: {  	s19 =	sadd.s32 s22, s1;
	s9 =	sadd.s32 $0x4C00, s7;
	[dreg:$0x17] =	wrdreg s25  }
0x1f: {  	s20 =	sadd.s32 s10, s1;
	s10 =	sadd.s32 $0x5000, s7;
	[dreg:$0x1b] =	wrdreg s9  }
0x20: {  	s21 =	sadd.s32 s12, s1;
	s12 =	sadd.s32 $0x5800, s7;
	[dreg:$0x1c] =	wrdreg s10  }
0x21: {  	s22 =	sadd.s32 s13, s1;
	s13 =	sadd.s32 $0x5C00, s7;
	[dreg:$0x1e] =	wrdreg s12  }
0x22: {  	s30 =	simm.s32 $0x13C40;
	s26 =	sadd.s32 $0x3C00, s7;
	[dreg:$0x1f] =	wrdreg s13  }
0x23: {  	s31 =	simm.s32 $0x5;
	s5 =	sadd.s32 $0x4400, s7;
	[dreg:$0x18] =	wrdreg s26  }
0x24: {  	s28 =	sadd.s32 $0x1600, s0;
	s8 =	sadd.s32 $0x4800, s7;
	[dreg:$0x19] =	wrdreg s5  }
0x25: {  	s29 =	smax.u32 s6, $0x1;
	s14 =	sadd.s32 $0x6400, s7;
	[dreg:$0x1a] =	wrdreg s8  }
0x26: {  	s0 =	simm.s32 $0xA0;
	s15 =	sadd.s32 $0x6800, s7;
	[smem:$0x7F5] =	sst s14  }
0x27: {  	s6 =	simm.s32 $0xEC40;
	s16 =	sadd.s32 $0x6C00, s7;
	[smem:$0x7F6] =	sst s15  }
0x28: {  	s11 =	simm.s32 $0x3;
	s17 =	sadd.s32 $0x7000, s7;
	[smem:$0x7F7] =	sst s16  }
0x29: {  	s18 =	sadd.s32 $0x7400, s7;
	s23 =	sadd.s32 $0x7800, s7;
	[smem:$0x7F8] =	sst s17  }
0x2a: {  	s24 =	sadd.s32 $0x7C00, s7;
	s25 =	sadd.s32 $0x8400, s7;
	[smem:$0x7F9] =	sst s18  }
0x2b: {  	s3 =	simm.s32 $0x9C40;
	s9 =	simm.s32 $0x6;
	[smem:$0x7FA] =	sst s23  }
0x2c: {  	s10 =	simm.s32 $0x2;
	s12 =	simm.s32 $0x4;
	[smem:$0x7FB] =	sst s24  }
0x2d: {  	s13 =	simm.s32 $0x0;
	[smem:$0x7FC] =	sst s25;
	s26 =	sadd.s32 $0x8800, s7  }
0x2e: {  	s18 =	sadd.s32 $0x8C00, s7;
	s23 =	sadd.s32 $0x9000, s7;
	s24 =	sadd.s32 $0x9400, s7  }
0x2f: {  	s25 =	sadd.s32 $0x9800, s7;
	s5 =	simm.s32 $0xC440;
	s8 =	simm.s32 $0x1  }
0x30: {  	v0 =	vimm.f32 $0.0e+00;
	[smem:$0x7FD] =	sst s26;
	s26 =	sadd.s32 $0x9C00, s7;
	s7 =	simm.s32 $0x11440  }
.LBB2_1:
0x31: {  	[tilespmem:$0x13C40] =	vst v0  }
0x32: {  	[tilespmem:$0x13C50] =	vst v0  }
0x33: {  	[tilespmem:$0x13C60] =	vst v0  }
0x34: {  	[tilespmem:$0x13C70] =	vst v0  }
0x35: {  	[tilespmem:$0x13C80] =	vst v0  }
0x36: {  	[tilespmem:$0x13C90] =	vst v0  }
0x37: {  	[tilespmem:$0x13CA0] =	vst v0  }
0x38: {  	[tilespmem:$0x13CB0] =	vst v0  }
0x39: {  	[tilespmem:$0x13CC0] =	vst v0  }
0x3a: {  	[tilespmem:$0x13CD0] =	vst v0  }
0x3b: {  	[tilespmem:$0x13CE0] =	vst v0  }
0x3c: {  	[tilespmem:$0x13CF0] =	vst v0  }
0x3d: {  	[tilespmem:$0x13D00] =	vst v0  }
0x3e: {  	[tilespmem:$0x13D10] =	vst v0  }
0x3f: {  	[tilespmem:$0x13D20] =	vst v0  }
0x40: {  	[tilespmem:$0x13D30] =	vst v0  }
0x41: {  	[tilespmem:$0x13D40] =	vst v0  }
0x42: {  	[tilespmem:$0x13D50] =	vst v0  }
0x43: {  	[tilespmem:$0x13D60] =	vst v0  }
0x44: {  	[tilespmem:$0x13D70] =	vst v0  }
0x45: {  	[tilespmem:$0x13D80] =	vst v0  }
0x46: {  	[tilespmem:$0x13D90] =	vst v0  }
0x47: {  	[tilespmem:$0x13DA0] =	vst v0  }
0x48: {  	[tilespmem:$0x13DB0] =	vst v0  }
0x49: {  	[tilespmem:$0x13DC0] =	vst v0  }
0x4a: {  	[tilespmem:$0x13DD0] =	vst v0  }
0x4b: {  	[tilespmem:$0x13DE0] =	vst v0  }
0x4c: {  	[tilespmem:$0x13DF0] =	vst v0  }
0x4d: {  	[tilespmem:$0x13E00] =	vst v0  }
0x4e: {  	[tilespmem:$0x13E10] =	vst v0  }
0x4f: {  	[tilespmem:$0x13E20] =	vst v0  }
0x50: {  	[tilespmem:$0x13E30] =	vst v0  }
0x51: {  	[tilespmem:$0x13E40] =	vst v0  }
0x52: {  	[tilespmem:$0x13E50] =	vst v0  }
0x53: {  	[tilespmem:$0x13E60] =	vst v0  }
0x54: {  	[tilespmem:$0x13E70] =	vst v0  }
0x55: {  	[tilespmem:$0x13E80] =	vst v0  }
0x56: {  	[tilespmem:$0x13E90] =	vst v0  }
0x57: {  	[tilespmem:$0x13EA0] =	vst v0  }
0x58: {  	[tilespmem:$0x13EB0] =	vst v0  }
0x59: {  	[tilespmem:$0x13EC0] =	vst v0  }
0x5a: {  	[tilespmem:$0x13ED0] =	vst v0  }
0x5b: {  	[tilespmem:$0x13EE0] =	vst v0  }
0x5c: {  	[tilespmem:$0x13EF0] =	vst v0  }
0x5d: {  	[tilespmem:$0x13F00] =	vst v0  }
0x5e: {  	[tilespmem:$0x13F10] =	vst v0  }
0x5f: {  	[tilespmem:$0x13F20] =	vst v0  }
0x60: {  	[tilespmem:$0x13F30] =	vst v0  }
0x61: {  	[tilespmem:$0x13F40] =	vst v0  }
0x62: {  	[tilespmem:$0x13F50] =	vst v0  }
0x63: {  	[tilespmem:$0x13F60] =	vst v0  }
0x64: {  	[tilespmem:$0x13F70] =	vst v0  }
0x65: {  	[tilespmem:$0x13F80] =	vst v0  }
0x66: {  	[tilespmem:$0x13F90] =	vst v0  }
0x67: {  	[tilespmem:$0x13FA0] =	vst v0  }
0x68: {  	[tilespmem:$0x13FB0] =	vst v0  }
0x69: {  	[tilespmem:$0x13FC0] =	vst v0  }
0x6a: {  	[tilespmem:$0x13FD0] =	vst v0  }
0x6b: {  	[tilespmem:$0x13FE0] =	vst v0  }
0x6c: {  	[tilespmem:$0x13FF0] =	vst v0  }
0x6d: {  	[tilespmem:$0x14000] =	vst v0  }
0x6e: {  	[tilespmem:$0x14010] =	vst v0  }
0x6f: {  	[tilespmem:$0x14020] =	vst v0  }
0x70: {  	[tilespmem:$0x14030] =	vst v0  }
0x71: {  	[spmem:s4] =	stream.linear.scatter [tilespmem:s30], [sflag:$0x5], $0x400, $0x38;
	[tilespmem:$0x1E040] =	vst v63  }
0x72: {  	_ =	swait.ge [sflag:s31], $0x400  }
0x73: {  	[sflag:s31] =	ssyncset.done $0x0  }
0x74: {  	s14 =	rddreg [dreg:$0x4];
	[sflag:s31] =	ssyncadd.s32 $0xFFFFFC00  }
0x75: {  	[spmem:s14] =	stream.linear.scatter [tilespmem:s30], [sflag:$0x5], $0x400, $0x38;
	[tilespmem:$0x1E040] =	vst v63  }
0x76: {  	_ =	swait.ge [sflag:s31], $0x400  }
0x77: {  	[sflag:s31] =	ssyncset.done $0x0  }
0x78: {  	s17 =	rddreg [dreg:$0x5];
	[sflag:s31] =	ssyncadd.s32 $0xFFFFFC00  }
0x79: {  	[spmem:s17] =	stream.linear.scatter [tilespmem:s30], [sflag:$0x5], $0x400, $0x38;
	[tilespmem:$0x1E040] =	vst v63  }
0x7a: {  	_ =	swait.ge [sflag:s31], $0x400  }
0x7b: {  	[sflag:s31] =	ssyncset.done $0x0  }
0x7c: {  	s15 =	rddreg [dreg:$0x6];
	[sflag:s31] =	ssyncadd.s32 $0xFFFFFC00  }
0x7d: {  	[spmem:s15] =	stream.linear.scatter [tilespmem:s30], [sflag:$0x5], $0x400, $0x38;
	[tilespmem:$0x1E040] =	vst v63  }
0x7e: {  	_ =	swait.ge [sflag:s31], $0x400  }
0x7f: {  	[sflag:s31] =	ssyncset.done $0x0  }
0x80: {  	s16 =	rddreg [dreg:$0x7];
	[sflag:s31] =	ssyncadd.s32 $0xFFFFFC00  }
0x81: {  	[spmem:s16] =	stream.linear.scatter [tilespmem:s30], [sflag:$0x5], $0x400, $0x38;
	[tilespmem:$0x1E040] =	vst v63  }
0x82: {  	_ =	swait.ge [sflag:s31], $0x400  }
0x83: {  	[sflag:s31] =	ssyncset.done $0x0  }
0x84: {  	s17 =	rddreg [dreg:$0x8];
	[sflag:s31] =	ssyncadd.s32 $0xFFFFFC00  }
0x85: {  	[spmem:s17] =	stream.linear.scatter [tilespmem:s30], [sflag:$0x5], $0x400, $0x38;
	[tilespmem:$0x1E040] =	vst v63  }
0x86: {  	_ =	swait.ge [sflag:s31], $0x400  }
0x87: {  	[sflag:s31] =	ssyncset.done $0x0  }
0x88: {  	s15 =	rddreg [dreg:$0x9];
	[sflag:s31] =	ssyncadd.s32 $0xFFFFFC00  }
0x89: {  	[spmem:s15] =	stream.linear.scatter [tilespmem:s30], [sflag:$0x5], $0x400, $0x38;
	[tilespmem:$0x1E040] =	vst v63  }
0x8a: {  	_ =	swait.ge [sflag:s31], $0x400  }
0x8b: {  	[sflag:s31] =	ssyncset.done $0x0  }
0x8c: {  	s16 =	rddreg [dreg:$0x11];
	[sflag:s31] =	ssyncadd.s32 $0xFFFFFC00  }
0x8d: {  	[spmem:s16] =	stream.linear.scatter [tilespmem:s30], [sflag:$0x5], $0x400, $0x38;
	[tilespmem:$0x1E040] =	vst v63  }
0x8e: {  	_ =	swait.ge [sflag:s31], $0x400  }
0x8f: {  	[sflag:s31] =	ssyncset.done $0x0  }
0x90: {  	[sflag:s31] =	ssyncadd.s32 $0xFFFFFC00  }
0x91: {  	[spmem:s19] =	stream.linear.scatter [tilespmem:s30], [sflag:$0x5], $0x400, $0x38;
	[tilespmem:$0x1E040] =	vst v63  }
0x92: {  	_ =	swait.ge [sflag:s31], $0x400  }
0x93: {  	[sflag:s31] =	ssyncset.done $0x0  }
0x94: {  	s17 =	rddreg [dreg:$0x12];
	[sflag:s31] =	ssyncadd.s32 $0xFFFFFC00  }
0x95: {  	[spmem:s17] =	stream.linear.scatter [tilespmem:s30], [sflag:$0x5], $0x400, $0x38;
	[tilespmem:$0x1E040] =	vst v63  }
0x96: {  	_ =	swait.ge [sflag:s31], $0x400  }
0x97: {  	[sflag:s31] =	ssyncset.done $0x0  }
0x98: {  	s15 =	rddreg [dreg:$0x13];
	[sflag:s31] =	ssyncadd.s32 $0xFFFFFC00  }
0x99: {  	[spmem:s15] =	stream.linear.scatter [tilespmem:s30], [sflag:$0x5], $0x400, $0x38;
	[tilespmem:$0x1E040] =	vst v63  }
0x9a: {  	_ =	swait.ge [sflag:s31], $0x400  }
0x9b: {  	[sflag:s31] =	ssyncset.done $0x0  }
0x9c: {  	s16 =	rddreg [dreg:$0x14];
	[sflag:s31] =	ssyncadd.s32 $0xFFFFFC00  }
0x9d: {  	[spmem:s16] =	stream.linear.scatter [tilespmem:s30], [sflag:$0x5], $0x400, $0x38;
	[tilespmem:$0x1E040] =	vst v63  }
0x9e: {  	_ =	swait.ge [sflag:s31], $0x400  }
0x9f: {  	[sflag:s31] =	ssyncset.done $0x0  }
0xa0: {  	s17 =	rddreg [dreg:$0x15];
	[sflag:s31] =	ssyncadd.s32 $0xFFFFFC00  }
0xa1: {  	[spmem:s17] =	stream.linear.scatter [tilespmem:s30], [sflag:$0x5], $0x400, $0x38;
	[tilespmem:$0x1E040] =	vst v63  }
0xa2: {  	_ =	swait.ge [sflag:s31], $0x400  }
0xa3: {  	[sflag:s31] =	ssyncset.done $0x0  }
0xa4: {  	s15 =	rddreg [dreg:$0x16];
	[sflag:s31] =	ssyncadd.s32 $0xFFFFFC00  }
0xa5: {  	[spmem:s15] =	stream.linear.scatter [tilespmem:s30], [sflag:$0x5], $0x400, $0x38;
	[tilespmem:$0x1E040] =	vst v63  }
0xa6: {  	_ =	swait.ge [sflag:s31], $0x400  }
0xa7: {  	[sflag:s31] =	ssyncset.done $0x0  }
0xa8: {  	s16 =	rddreg [dreg:$0x17];
	[sflag:s31] =	ssyncadd.s32 $0xFFFFFC00  }
0xa9: {  	[spmem:s16] =	stream.linear.scatter [tilespmem:s30], [sflag:$0x5], $0x400, $0x38;
	[tilespmem:$0x1E040] =	vst v63  }
0xaa: {  	_ =	swait.ge [sflag:s31], $0x400  }
0xab: {  	[sflag:s31] =	ssyncset.done $0x0  }
0xac: {  	s17 =	rddreg [dreg:$0x18];
	[sflag:s31] =	ssyncadd.s32 $0xFFFFFC00  }
0xad: {  	[spmem:s17] =	stream.linear.scatter [tilespmem:s30], [sflag:$0x5], $0x400, $0x38;
	[tilespmem:$0x1E040] =	vst v63  }
0xae: {  	_ =	swait.ge [sflag:s31], $0x400  }
0xaf: {  	[sflag:s31] =	ssyncset.done $0x0  }
0xb0: {  	[sflag:s31] =	ssyncadd.s32 $0xFFFFFC00  }
0xb1: {  	[spmem:s20] =	stream.linear.scatter [tilespmem:s30], [sflag:$0x5], $0x400, $0x38;
	[tilespmem:$0x1E040] =	vst v63  }
0xb2: {  	_ =	swait.ge [sflag:s31], $0x400  }
0xb3: {  	[sflag:s31] =	ssyncset.done $0x0  }
0xb4: {  	s15 =	rddreg [dreg:$0x19];
	[sflag:s31] =	ssyncadd.s32 $0xFFFFFC00  }
0xb5: {  	[spmem:s15] =	stream.linear.scatter [tilespmem:s30], [sflag:$0x5], $0x400, $0x38;
	[tilespmem:$0x1E040] =	vst v63  }
0xb6: {  	_ =	swait.ge [sflag:s31], $0x400  }
0xb7: {  	[sflag:s31] =	ssyncset.done $0x0  }
0xb8: {  	s16 =	rddreg [dreg:$0x1a];
	[sflag:s31] =	ssyncadd.s32 $0xFFFFFC00  }
0xb9: {  	[spmem:s16] =	stream.linear.scatter [tilespmem:s30], [sflag:$0x5], $0x400, $0x38;
	[tilespmem:$0x1E040] =	vst v63  }
0xba: {  	_ =	swait.ge [sflag:s31], $0x400  }
0xbb: {  	[sflag:s31] =	ssyncset.done $0x0  }
0xbc: {  	s17 =	rddreg [dreg:$0x1b];
	[sflag:s31] =	ssyncadd.s32 $0xFFFFFC00  }
0xbd: {  	[spmem:s17] =	stream.linear.scatter [tilespmem:s30], [sflag:$0x5], $0x400, $0x38;
	[tilespmem:$0x1E040] =	vst v63  }
0xbe: {  	_ =	swait.ge [sflag:s31], $0x400  }
0xbf: {  	[sflag:s31] =	ssyncset.done $0x0  }
0xc0: {  	s15 =	rddreg [dreg:$0x1c];
	[sflag:s31] =	ssyncadd.s32 $0xFFFFFC00  }
0xc1: {  	[spmem:s15] =	stream.linear.scatter [tilespmem:s30], [sflag:$0x5], $0x400, $0x38;
	[tilespmem:$0x1E040] =	vst v63  }
0xc2: {  	_ =	swait.ge [sflag:s31], $0x400  }
0xc3: {  	[sflag:s31] =	ssyncset.done $0x0  }
0xc4: {  	s16 =	rddreg [dreg:$0x1d];
	[sflag:s31] =	ssyncadd.s32 $0xFFFFFC00  }
0xc5: {  	[spmem:s16] =	stream.linear.scatter [tilespmem:s30], [sflag:$0x5], $0x400, $0x38;
	[tilespmem:$0x1E040] =	vst v63  }
0xc6: {  	_ =	swait.ge [sflag:s31], $0x400  }
0xc7: {  	[sflag:s31] =	ssyncset.done $0x0  }
0xc8: {  	s17 =	rddreg [dreg:$0x1e];
	[sflag:s31] =	ssyncadd.s32 $0xFFFFFC00  }
0xc9: {  	[spmem:s17] =	stream.linear.scatter [tilespmem:s30], [sflag:$0x5], $0x400, $0x38;
	[tilespmem:$0x1E040] =	vst v63  }
0xca: {  	_ =	swait.ge [sflag:s31], $0x400  }
0xcb: {  	[sflag:s31] =	ssyncset.done $0x0  }
0xcc: {  	s15 =	rddreg [dreg:$0x1f];
	[sflag:s31] =	ssyncadd.s32 $0xFFFFFC00  }
0xcd: {  	[spmem:s15] =	stream.linear.scatter [tilespmem:s30], [sflag:$0x5], $0x400, $0x38;
	[tilespmem:$0x1E040] =	vst v63  }
0xce: {  	_ =	swait.ge [sflag:s31], $0x400  }
0xcf: {  	[sflag:s31] =	ssyncset.done $0x0  }
0xd0: {  	[sflag:s31] =	ssyncadd.s32 $0xFFFFFC00  }
0xd1: {  	[spmem:s21] =	stream.linear.scatter [tilespmem:s30], [sflag:$0x5], $0x400, $0x38;
	[tilespmem:$0x1E040] =	vst v63  }
0xd2: {  	_ =	swait.ge [sflag:s31], $0x400  }
0xd3: {  	s16 =	sld [smem:$0x7F5]  }
0xd4: {  	[sflag:s31] =	ssyncset.done $0x0  }
0xd5: {  	[sflag:s31] =	ssyncadd.s32 $0xFFFFFC00  }
0xd6: {  	[spmem:s16] =	stream.linear.scatter [tilespmem:s30], [sflag:$0x5], $0x400, $0x38;
	[tilespmem:$0x1E040] =	vst v63  }
0xd7: {  	_ =	swait.ge [sflag:s31], $0x400  }
0xd8: {  	s17 =	sld [smem:$0x7F6]  }
0xd9: {  	[sflag:s31] =	ssyncset.done $0x0  }
0xda: {  	[sflag:s31] =	ssyncadd.s32 $0xFFFFFC00  }
0xdb: {  	[spmem:s17] =	stream.linear.scatter [tilespmem:s30], [sflag:$0x5], $0x400, $0x38;
	[tilespmem:$0x1E040] =	vst v63  }
0xdc: {  	_ =	swait.ge [sflag:s31], $0x400  }
0xdd: {  	s15 =	sld [smem:$0x7F7]  }
0xde: {  	[sflag:s31] =	ssyncset.done $0x0  }
0xdf: {  	[sflag:s31] =	ssyncadd.s32 $0xFFFFFC00  }
0xe0: {  	[spmem:s15] =	stream.linear.scatter [tilespmem:s30], [sflag:$0x5], $0x400, $0x38;
	[tilespmem:$0x1E040] =	vst v63  }
0xe1: {  	_ =	swait.ge [sflag:s31], $0x400  }
0xe2: {  	s16 =	sld [smem:$0x7F8]  }
0xe3: {  	[sflag:s31] =	ssyncset.done $0x0  }
0xe4: {  	[sflag:s31] =	ssyncadd.s32 $0xFFFFFC00  }
0xe5: {  	[spmem:s16] =	stream.linear.scatter [tilespmem:s30], [sflag:$0x5], $0x400, $0x38;
	[tilespmem:$0x1E040] =	vst v63  }
0xe6: {  	_ =	swait.ge [sflag:s31], $0x400  }
0xe7: {  	s17 =	sld [smem:$0x7F9]  }
0xe8: {  	[sflag:s31] =	ssyncset.done $0x0  }
0xe9: {  	[sflag:s31] =	ssyncadd.s32 $0xFFFFFC00  }
0xea: {  	[spmem:s17] =	stream.linear.scatter [tilespmem:s30], [sflag:$0x5], $0x400, $0x38;
	[tilespmem:$0x1E040] =	vst v63  }
0xeb: {  	_ =	swait.ge [sflag:s31], $0x400  }
0xec: {  	s15 =	sld [smem:$0x7FA]  }
0xed: {  	[sflag:s31] =	ssyncset.done $0x0  }
0xee: {  	[sflag:s31] =	ssyncadd.s32 $0xFFFFFC00  }
0xef: {  	[spmem:s15] =	stream.linear.scatter [tilespmem:s30], [sflag:$0x5], $0x400, $0x38;
	[tilespmem:$0x1E040] =	vst v63  }
0xf0: {  	_ =	swait.ge [sflag:s31], $0x400  }
0xf1: {  	s16 =	sld [smem:$0x7FB]  }
0xf2: {  	[sflag:s31] =	ssyncset.done $0x0  }
0xf3: {  	[sflag:s31] =	ssyncadd.s32 $0xFFFFFC00  }
0xf4: {  	[spmem:s16] =	stream.linear.scatter [tilespmem:s30], [sflag:$0x5], $0x400, $0x38;
	[tilespmem:$0x1E040] =	vst v63  }
0xf5: {  	_ =	swait.ge [sflag:s31], $0x400  }
0xf6: {  	[sflag:s31] =	ssyncset.done $0x0  }
0xf7: {  	[sflag:s31] =	ssyncadd.s32 $0xFFFFFC00  }
0xf8: {  	[spmem:s22] =	stream.linear.scatter [tilespmem:s30], [sflag:$0x5], $0x400, $0x38;
	[tilespmem:$0x1E040] =	vst v63  }
0xf9: {  	_ =	swait.ge [sflag:s31], $0x400  }
0xfa: {  	s17 =	sld [smem:$0x7FC]  }
0xfb: {  	[sflag:s31] =	ssyncset.done $0x0  }
0xfc: {  	[sflag:s31] =	ssyncadd.s32 $0xFFFFFC00  }
0xfd: {  	[spmem:s17] =	stream.linear.scatter [tilespmem:s30], [sflag:$0x5], $0x400, $0x38;
	[tilespmem:$0x1E040] =	vst v63  }
0xfe: {  	_ =	swait.ge [sflag:s31], $0x400  }
0xff: {  	s15 =	sld [smem:$0x7FD]  }
0x100: {  	[sflag:s31] =	ssyncset.done $0x0  }
0x101: {  	[sflag:s31] =	ssyncadd.s32 $0xFFFFFC00  }
0x102: {  	[spmem:s15] =	stream.linear.scatter [tilespmem:s30], [sflag:$0x5], $0x400, $0x38;
	[tilespmem:$0x1E040] =	vst v63  }
0x103: {  	_ =	swait.ge [sflag:s31], $0x400  }
0x104: {  	[sflag:s31] =	ssyncset.done $0x0  }
0x105: {  	[sflag:s31] =	ssyncadd.s32 $0xFFFFFC00  }
0x106: {  	[spmem:s18] =	stream.linear.scatter [tilespmem:s30], [sflag:$0x5], $0x400, $0x38;
	[tilespmem:$0x1E040] =	vst v63  }
0x107: {  	_ =	swait.ge [sflag:s31], $0x400  }
0x108: {  	[sflag:s31] =	ssyncset.done $0x0  }
0x109: {  	[sflag:s31] =	ssyncadd.s32 $0xFFFFFC00  }
0x10a: {  	[spmem:s23] =	stream.linear.scatter [tilespmem:s30], [sflag:$0x5], $0x400, $0x38;
	[tilespmem:$0x1E040] =	vst v63  }
0x10b: {  	_ =	swait.ge [sflag:s31], $0x400  }
0x10c: {  	[sflag:s31] =	ssyncset.done $0x0  }
0x10d: {  	[sflag:s31] =	ssyncadd.s32 $0xFFFFFC00  }
0x10e: {  	[spmem:s24] =	stream.linear.scatter [tilespmem:s30], [sflag:$0x5], $0x400, $0x38;
	[tilespmem:$0x1E040] =	vst v63  }
0x10f: {  	_ =	swait.ge [sflag:s31], $0x400  }
0x110: {  	[sflag:s31] =	ssyncset.done $0x0  }
0x111: {  	[sflag:s31] =	ssyncadd.s32 $0xFFFFFC00  }
0x112: {  	[spmem:s25] =	stream.linear.scatter [tilespmem:s30], [sflag:$0x5], $0x400, $0x38;
	[tilespmem:$0x1E040] =	vst v63  }
0x113: {  	_ =	swait.ge [sflag:s31], $0x400  }
0x114: {  	[sflag:s31] =	ssyncset.done $0x0  }
0x115: {  	[sflag:s31] =	ssyncadd.s32 $0xFFFFFC00  }
0x116: {  	[spmem:s26] =	stream.linear.scatter [tilespmem:s30], [sflag:$0x5], $0x400, $0x38;
	[tilespmem:$0x1E040] =	vst v63  }
0x117: {  	_ =	swait.ge [sflag:s31], $0x400  }
0x118: {  	[sflag:s31] =	ssyncset.done $0x0  }
0x119: {  	[sflag:s31] =	ssyncadd.s32 $0xFFFFFC00  }
0x11a: {  	[bflag:$0x0] =	sbarrier.arrive $0xFFFF  }
0x11b: {  	s16 =	rddreg [dreg:$0xb]  }
0x11c: {  	[tilespmem:s2], [sflag:$0x5] =	stream.linear.gather [hbm4b:s16+s2], $0x4E20, $0x38;
	[tilespmem:$0x1E040] =	vst v63  }
0x11d: {  	_ =	swait.ge [sflag:s31], $0x4E20  }
0x11e: {  	[sflag:s31] =	ssyncset.done $0x0  }
0x11f: {  	s15 =	simm.s32 $0x4E20;
	s17 =	rddreg [dreg:$0xa];
	[sflag:s31] =	ssyncadd.s32 $0xFFFFB1E0  }
0x120: {  	[tilespmem:s15], [sflag:$0x5] =	stream.linear.gather [hbm4b:s17+s2], $0x4E20, $0x38;
	[tilespmem:$0x1E040] =	vst v63  }
0x121: {  	_ =	swait.ge [sflag:s31], $0x4E20  }
0x122: {  	[sflag:s31] =	ssyncset.done $0x0  }
0x123: {  	[sflag:s31] =	ssyncadd.s32 $0xFFFFB1E0  }
0x124: {  	[tilespmem:s3], [sflag:$0x1] =	stream.indirect.gather [hbm4b:s28+s0], $0x40, s2, s0, $0xb8;
	[tilespmem:$0x1E040] =	vst v63  }
0x125: {  	_ = 	snop  }
0x126: {  	[tilespmem:s5], [sflag:$0x2] =	stream.indirect.gather [hbm4b:s28+s0], $0x40, s0, s0, $0xb8;
	[tilespmem:$0x1E040] =	vst v63  }
0x127: {  	s15 =	simm.s32 $0x140  }
0x128: {  	[tilespmem:s6], [sflag:$0x3] =	stream.indirect.gather [hbm4b:s28+s0], $0x40, s15, s0, $0xb8;
	[tilespmem:$0x1E040] =	vst v63  }
0x129: {  	s16 =	simm.s32 $0x1E0  }
0x12a: {  	[tilespmem:s7], [sflag:$0x4] =	stream.indirect.gather [hbm4b:s28+s0], $0x40, s16, s0, $0xb8;
	[tilespmem:$0x1E040] =	vst v63  }
0x12b: {  	_ =	swait.ge [sflag:s8], $0x2800  }
0x12c: {  	[sflag:s8] =	ssyncset.done $0x0  }
0x12d: {  	s17 =	simm.s32 $0x4E20;
	[sflag:s8] =	ssyncadd.s32 $0xFFFFD800  }
0x12e: {  	[spmem:s1] =	stream.indirect.scatter.add.f32 [tilespmem:s3], [sflag:$0x6], $0x40, s17, s0, $0xb8;
	[tilespmem:$0x1E040] =	vst v63  }
0x12f: {  	_ =	swait.ge [sflag:s9], $0x2800  }
0x130: {  	[sflag:s9] =	ssyncset.done $0x0  }
0x131: {  	s15 =	simm.s32 $0x280;
	[sflag:s9] =	ssyncadd.s32 $0xFFFFD800  }
0x132: {  	[tilespmem:s3], [sflag:$0x1] =	stream.indirect.gather [hbm4b:s28+s0], $0x40, s15, s0, $0xb8;
	[tilespmem:$0x1E040] =	vst v63  }
0x133: {  	_ =	swait.ge [sflag:s10], $0x2800  }
0x134: {  	[sflag:s10] =	ssyncset.done $0x0  }
0x135: {  	s16 =	simm.s32 $0x4EC0;
	[sflag:s10] =	ssyncadd.s32 $0xFFFFD800  }
0x136: {  	[spmem:s1] =	stream.indirect.scatter.add.f32 [tilespmem:s5], [sflag:$0x6], $0x40, s16, s0, $0xb8;
	[tilespmem:$0x1E040] =	vst v63  }
0x137: {  	_ =	swait.ge [sflag:s9], $0x2800  }
0x138: {  	[sflag:s9] =	ssyncset.done $0x0  }
0x139: {  	s17 =	simm.s32 $0x320;
	[sflag:s9] =	ssyncadd.s32 $0xFFFFD800  }
0x13a: {  	[tilespmem:s5], [sflag:$0x2] =	stream.indirect.gather [hbm4b:s28+s0], $0x40, s17, s0, $0xb8;
	[tilespmem:$0x1E040] =	vst v63  }
0x13b: {  	_ =	swait.ge [sflag:s11], $0x2800  }
0x13c: {  	[sflag:s11] =	ssyncset.done $0x0  }
0x13d: {  	s15 =	simm.s32 $0x4F60;
	[sflag:s11] =	ssyncadd.s32 $0xFFFFD800  }
0x13e: {  	[spmem:s1] =	stream.indirect.scatter.add.f32 [tilespmem:s6], [sflag:$0x6], $0x40, s15, s0, $0xb8;
	[tilespmem:$0x1E040] =	vst v63  }
0x13f: {  	_ =	swait.ge [sflag:s9], $0x2800  }
0x140: {  	[sflag:s9] =	ssyncset.done $0x0  }
0x141: {  	s16 =	simm.s32 $0x3C0;
	[sflag:s9] =	ssyncadd.s32 $0xFFFFD800  }
0x142: {  	[tilespmem:s6], [sflag:$0x3] =	stream.indirect.gather [hbm4b:s28+s0], $0x40, s16, s0, $0xb8;
	[tilespmem:$0x1E040] =	vst v63  }
0x143: {  	_ =	swait.ge [sflag:s12], $0x2800  }
0x144: {  	[sflag:s12] =	ssyncset.done $0x0  }
0x145: {  	s17 =	simm.s32 $0x5000;
	[sflag:s12] =	ssyncadd.s32 $0xFFFFD800  }
0x146: {  	[spmem:s1] =	stream.indirect.scatter.add.f32 [tilespmem:s7], [sflag:$0x5], $0x40, s17, s0, $0xb8;
	[tilespmem:$0x1E040] =	vst v63  }
0x147: {  	_ =	swait.ge [sflag:s31], $0x2800  }
0x148: {  	s14 =	simm.s32 $0x1400;
	s15 =	simm.s32 $0x280;
	[sflag:s31] =	ssyncset.done $0x0  }
.LBB2_2:
0x149: {  	s17 =	sadd.s32 $0x1E0, s15  }
0x14a: {  	[sflag:s31] =	ssyncadd.s32 $0xFFFFD800;
	s16 =	smov.u32 s14;
	s14 =	sadd.s32 $0xA00, s14  }
0x14b: {  	[tilespmem:s7], [sflag:$0x4] =	stream.indirect.gather [hbm4b:s28+s0], $0x40, s17, s0, $0xb8;
	[tilespmem:$0x1E040] =	vst v63  }
0x14c: {  	p0 =	sne.s32 s14, $0x12C00;
	_ =	swait.ge [sflag:s8], $0x2800  }
0x14d: {  	[sflag:s8] =	ssyncset.done $0x0  }
0x14e: {  	s17 =	sadd.s32 $0x4E20, s15;
	[sflag:s8] =	ssyncadd.s32 $0xFFFFD800  }
0x14f: {  	[spmem:s1] =	stream.indirect.scatter.add.f32 [tilespmem:s3], [sflag:$0x6], $0x40, s17, s0, $0xb8;
	[tilespmem:$0x1E040] =	vst v63  }
0x150: {  	_ =	swait.ge [sflag:s9], $0x2800  }
0x151: {  	[sflag:s9] =	ssyncset.done $0x0  }
0x152: {  	s17 =	sadd.s32 $0x280, s15;
	[sflag:s9] =	ssyncadd.s32 $0xFFFFD800  }
0x153: {  	[tilespmem:s3], [sflag:$0x1] =	stream.indirect.gather [hbm4b:s28+s0], $0x40, s17, s0, $0xb8;
	[tilespmem:$0x1E040] =	vst v63  }
0x154: {  	_ =	swait.ge [sflag:s10], $0x2800  }
0x155: {  	[sflag:s10] =	ssyncset.done $0x0  }
0x156: {  	s17 =	sadd.s32 $0x4EC0, s15;
	[sflag:s10] =	ssyncadd.s32 $0xFFFFD800  }
0x157: {  	[spmem:s1] =	stream.indirect.scatter.add.f32 [tilespmem:s5], [sflag:$0x6], $0x40, s17, s0, $0xb8;
	[tilespmem:$0x1E040] =	vst v63  }
0x158: {  	_ =	swait.ge [sflag:s9], $0x2800  }
0x159: {  	[sflag:s9] =	ssyncset.done $0x0  }
0x15a: {  	s17 =	sadd.s32 $0x320, s15;
	[sflag:s9] =	ssyncadd.s32 $0xFFFFD800  }
0x15b: {  	[tilespmem:s5], [sflag:$0x2] =	stream.indirect.gather [hbm4b:s28+s0], $0x40, s17, s0, $0xb8;
	[tilespmem:$0x1E040] =	vst v63  }
0x15c: {  	_ =	swait.ge [sflag:s11], $0x2800  }
0x15d: {  	[sflag:s11] =	ssyncset.done $0x0  }
0x15e: {  	s17 =	sadd.s32 $0x4F60, s15;
	[sflag:s11] =	ssyncadd.s32 $0xFFFFD800  }
0x15f: {  	[spmem:s1] =	stream.indirect.scatter.add.f32 [tilespmem:s6], [sflag:$0x6], $0x40, s17, s0, $0xb8;
	[tilespmem:$0x1E040] =	vst v63  }
0x160: {  	_ =	swait.ge [sflag:s9], $0x2800  }
0x161: {  	[sflag:s9] =	ssyncset.done $0x0  }
0x162: {  	s17 =	sadd.s32 $0x3C0, s15;
	[sflag:s9] =	ssyncadd.s32 $0xFFFFD800  }
0x163: {  	[tilespmem:s6], [sflag:$0x3] =	stream.indirect.gather [hbm4b:s28+s0], $0x40, s17, s0, $0xb8;
	[tilespmem:$0x1E040] =	vst v63  }
0x164: {  	_ =	swait.ge [sflag:s12], $0x2800  }
.Ltmp0:
0x165: {  	[sflag:s12] =	ssyncset.done $0x0;
	(pc) =	sbr.rel @p0 .LBB2_2-.Ltmp0, $4  }
0x166: {  	s15 =	sadd.s32 $0x5000, s15;
	[sflag:s12] =	ssyncadd.s32 $0xFFFFD800  }
0x167: {  	[spmem:s1] =	stream.indirect.scatter.add.f32 [tilespmem:s7], [sflag:$0x5], $0x40, s15, s0, $0xb8;
	[tilespmem:$0x1E040] =	vst v63  }
0x168: {  	_ =	swait.ge [sflag:s31], $0x2800  }
0x169: {  	s15 =	sshra.s32 s16, $0x2;
	[sflag:s31] =	ssyncset.done $0x0  }
0x16a: {  	s16 =	sadd.s32 $0x1E0, s15;
	[sflag:s31] =	ssyncadd.s32 $0xFFFFD800  }
0x16b: {  	[tilespmem:s7], [sflag:$0x4] =	stream.indirect.gather [hbm4b:s28+s0], $0x40, s16, s0, $0xb8;
	[tilespmem:$0x1E040] =	vst v63  }
0x16c: {  	_ =	swait.ge [sflag:s8], $0x2800  }
0x16d: {  	[sflag:s8] =	ssyncset.done $0x0  }
0x16e: {  	s17 =	sadd.s32 $0x4E20, s15;
	[sflag:s8] =	ssyncadd.s32 $0xFFFFD800  }
0x16f: {  	[spmem:s1] =	stream.indirect.scatter.add.f32 [tilespmem:s3], [sflag:$0x6], $0x40, s17, s0, $0xb8;
	[tilespmem:$0x1E040] =	vst v63  }
0x170: {  	_ =	swait.ge [sflag:s9], $0x2800  }
0x171: {  	[sflag:s9] =	ssyncset.done $0x0  }
0x172: {  	s17 =	sadd.s32 $0x280, s15;
	[sflag:s9] =	ssyncadd.s32 $0xFFFFD800  }
0x173: {  	[tilespmem:s3], [sflag:$0x1] =	stream.indirect.gather [hbm4b:s28+s0], $0x40, s17, s0, $0xb8;
	[tilespmem:$0x1E040] =	vst v63  }
0x174: {  	_ =	swait.ge [sflag:s10], $0x2800  }
0x175: {  	[sflag:s10] =	ssyncset.done $0x0  }
0x176: {  	s17 =	sadd.s32 $0x4EC0, s15;
	[sflag:s10] =	ssyncadd.s32 $0xFFFFD800  }
0x177: {  	[spmem:s1] =	stream.indirect.scatter.add.f32 [tilespmem:s5], [sflag:$0x6], $0x40, s17, s0, $0xb8;
	[tilespmem:$0x1E040] =	vst v63  }
0x178: {  	_ =	swait.ge [sflag:s9], $0x2800  }
0x179: {  	[sflag:s9] =	ssyncset.done $0x0  }
0x17a: {  	s17 =	sadd.s32 $0x320, s15;
	[sflag:s9] =	ssyncadd.s32 $0xFFFFD800  }
0x17b: {  	[tilespmem:s5], [sflag:$0x2] =	stream.indirect.gather [hbm4b:s28+s0], $0x40, s17, s0, $0xb8;
	[tilespmem:$0x1E040] =	vst v63  }
0x17c: {  	_ =	swait.ge [sflag:s11], $0x2800  }
0x17d: {  	[sflag:s11] =	ssyncset.done $0x0  }
0x17e: {  	s17 =	sadd.s32 $0x4F60, s15;
	[sflag:s11] =	ssyncadd.s32 $0xFFFFD800  }
0x17f: {  	[spmem:s1] =	stream.indirect.scatter.add.f32 [tilespmem:s6], [sflag:$0x6], $0x40, s17, s0, $0xb8;
	[tilespmem:$0x1E040] =	vst v63  }
0x180: {  	_ =	swait.ge [sflag:s9], $0x2800  }
0x181: {  	[sflag:s9] =	ssyncset.done $0x0  }
0x182: {  	s17 =	sadd.s32 $0x3C0, s15;
	[sflag:s9] =	ssyncadd.s32 $0xFFFFD800  }
0x183: {  	[tilespmem:s6], [sflag:$0x3] =	stream.indirect.gather [hbm4b:s28+s0], $0x40, s17, s0, $0xb8;
	[tilespmem:$0x1E040] =	vst v63  }
0x184: {  	_ =	swait.ge [sflag:s12], $0x2800  }
0x185: {  	[sflag:s12] =	ssyncset.done $0x0  }
0x186: {  	s17 =	sadd.s32 $0x5000, s15;
	[sflag:s12] =	ssyncadd.s32 $0xFFFFD800  }
0x187: {  	[spmem:s1] =	stream.indirect.scatter.add.f32 [tilespmem:s7], [sflag:$0x5], $0x40, s17, s0, $0xb8;
	[tilespmem:$0x1E040] =	vst v63  }
0x188: {  	_ =	swait.ge [sflag:s31], $0x2800  }
0x189: {  	[sflag:s31] =	ssyncset.done $0x0  }
0x18a: {  	s16 =	simm.s32 $0x4CE0;
	[sflag:s31] =	ssyncadd.s32 $0xFFFFD800  }
0x18b: {  	[tilespmem:s7], [sflag:$0x4] =	stream.indirect.gather [hbm4b:s28+s0], $0x40, s16, s0, $0xb8;
	[tilespmem:$0x1E040] =	vst v63  }
0x18c: {  	_ =	swait.ge [sflag:s8], $0x2800  }
0x18d: {  	s14 =	sshra.s32 s14, $0x2;
	[sflag:s8] =	ssyncset.done $0x0  }
0x18e: {  	s17 =	sadd.s32 $0x4E20, s14;
	[sflag:s8] =	ssyncadd.s32 $0xFFFFD800  }
0x18f: {  	[spmem:s1] =	stream.indirect.scatter.add.f32 [tilespmem:s3], [sflag:$0x6], $0x40, s17, s0, $0xb8;
	[tilespmem:$0x1E040] =	vst v63  }
0x190: {  	_ =	swait.ge [sflag:s9], $0x2800  }
0x191: {  	[sflag:s9] =	ssyncset.done $0x0  }
0x192: {  	s16 =	sadd.s32 $0x280, s14;
	[sflag:s9] =	ssyncadd.s32 $0xFFFFD800  }
0x193: {  	[tilespmem:s3], [sflag:$0x1] =	stream.indirect.gather [hbm4b:s28+s0], $0x40, s16, s0, $0xb8;
	[tilespmem:$0x1E040] =	vst v63  }
0x194: {  	_ =	swait.ge [sflag:s10], $0x2800  }
0x195: {  	[sflag:s10] =	ssyncset.done $0x0  }
0x196: {  	s17 =	sadd.s32 $0x4EC0, s14;
	[sflag:s10] =	ssyncadd.s32 $0xFFFFD800  }
0x197: {  	[spmem:s1] =	stream.indirect.scatter.add.f32 [tilespmem:s5], [sflag:$0x6], $0x40, s17, s0, $0xb8;
	[tilespmem:$0x1E040] =	vst v63  }
0x198: {  	_ =	swait.ge [sflag:s9], $0x2800  }
0x199: {  	[sflag:s9] =	ssyncset.done $0x0  }
0x19a: {  	[sflag:s9] =	ssyncadd.s32 $0xFFFFD800  }
0x19b: {  	_ =	swait.ge [sflag:s11], $0x2800  }
0x19c: {  	[sflag:s11] =	ssyncset.done $0x0  }
0x19d: {  	s14 =	sadd.s32 $0x4F60, s14;
	[sflag:s11] =	ssyncadd.s32 $0xFFFFD800  }
0x19e: {  	[spmem:s1] =	stream.indirect.scatter.add.f32 [tilespmem:s6], [sflag:$0x6], $0x40, s14, s0, $0xb8;
	[tilespmem:$0x1E040] =	vst v63  }
0x19f: {  	_ =	swait.ge [sflag:s9], $0x2800  }
0x1a0: {  	[sflag:s9] =	ssyncset.done $0x0  }
0x1a1: {  	[sflag:s9] =	ssyncadd.s32 $0xFFFFD800  }
0x1a2: {  	_ =	swait.ge [sflag:s12], $0x2800  }
0x1a3: {  	[sflag:s12] =	ssyncset.done $0x0  }
0x1a4: {  	s16 =	simm.s32 $0x9B00;
	[sflag:s12] =	ssyncadd.s32 $0xFFFFD800  }
0x1a5: {  	[spmem:s1] =	stream.indirect.scatter.add.f32 [tilespmem:s7], [sflag:$0x5], $0x40, s16, s0, $0xb8;
	[tilespmem:$0x1E040] =	vst v63  }
0x1a6: {  	_ =	swait.ge [sflag:s31], $0x2800  }
0x1a7: {  	[sflag:s31] =	ssyncset.done $0x0  }
0x1a8: {  	[sflag:s31] =	ssyncadd.s32 $0xFFFFD800  }
0x1a9: {  	_ =	swait.ge [sflag:s8], $0x2800  }
0x1aa: {  	[sflag:s8] =	ssyncset.done $0x0  }
0x1ab: {  	s17 =	simm.s32 $0x9BA0;
	[sflag:s8] =	ssyncadd.s32 $0xFFFFD800  }
0x1ac: {  	[spmem:s1] =	stream.indirect.scatter.add.f32 [tilespmem:s3], [sflag:$0x6], $0x40, s17, s0, $0xb8;
	[tilespmem:$0x1E040] =	vst v63  }
0x1ad: {  	_ =	swait.ge [sflag:s9], $0x2800  }
0x1ae: {  	[sflag:s9] =	ssyncset.done $0x0  }
0x1af: {  	s15 =	stileid.u32;
	[sflag:s9] =	ssyncadd.s32 $0xFFFFD800  }
0x1b0: {  	s14 =	sshll.u32 s15, $0x6;
	[bflag:$0x0] =	sbarrier.arrive $0xFFFF  }
0x1b1: {  	s14 =	sor.u32 $0x1C05, s14;
	s16 =	sshrl.u32 s4, $0x3;
	s17 =	rddreg [dreg:$0xc]  }
0x1b2: {  	[hbm:s17], [sflag:s14] =	dma.local [spmem:s16], $0x400  }
0x1b3: {  	_ =	swait.ge [sflag:s31], $0x400  }
0x1b4: {  	[sflag:s31] =	ssyncset.done $0x0  }
0x1b5: {  	s16 =	sshrl.u32 s19, $0x3;
	s17 =	rddreg [dreg:$0xd];
	[sflag:s31] =	ssyncadd.s32 $0xFFFFFC00  }
0x1b6: {  	[hbm:s17], [sflag:s14] =	dma.local [spmem:s16], $0x400  }
0x1b7: {  	_ =	swait.ge [sflag:s31], $0x400  }
0x1b8: {  	[sflag:s31] =	ssyncset.done $0x0  }
0x1b9: {  	s16 =	sshrl.u32 s20, $0x3;
	s17 =	rddreg [dreg:$0xe];
	[sflag:s31] =	ssyncadd.s32 $0xFFFFFC00  }
0x1ba: {  	[hbm:s17], [sflag:s14] =	dma.local [spmem:s16], $0x400  }
0x1bb: {  	_ =	swait.ge [sflag:s31], $0x400  }
0x1bc: {  	[sflag:s31] =	ssyncset.done $0x0  }
0x1bd: {  	s16 =	sshrl.u32 s21, $0x3;
	s17 =	rddreg [dreg:$0xf];
	[sflag:s31] =	ssyncadd.s32 $0xFFFFFC00  }
0x1be: {  	[hbm:s17], [sflag:s14] =	dma.local [spmem:s16], $0x400  }
0x1bf: {  	s13 =	sadd.s32 $0x1, s13;
	_ =	swait.ge [sflag:s31], $0x400  }
0x1c0: {  	p0 =	sne.s32 s13, s29;
	s16 =	sshrl.u32 s22, $0x3;
	[sflag:s31] =	ssyncset.done $0x0  }
.Ltmp1:
0x1c1: {  	s17 =	rddreg [dreg:$0x10];
	[sflag:s31] =	ssyncadd.s32 $0xFFFFFC00;
	(pc) =	sbr.rel @p0 .LBB2_1-.Ltmp1, $4  }
0x1c2: {  	[hbm:s17], [sflag:s14] =	dma.local [spmem:s16], $0x400  }
0x1c3: {  	_ =	swait.ge [sflag:s31], $0x400  }
0x1c4: {  	[sflag:s31] =	ssyncset.done $0x0  }
0x1c5: {  	[sflag:s31] =	ssyncadd.s32 $0xFFFFFC00  }
0x1c6: {  	_ =	sfence.sel $0x180000  }
0x1c7: {  	[bflag:$0x0] =	sbarrier.arrive $0xFFFF  }
0x1c8: {  	_ =	strace $0x90000047  }
0x1c9: {  	s0 =	stileid.u32;
	[bflag:$0x2] =	sbarrier.arrive $0xFFFF  }
0x1ca: {  	p0 =	sne.s32 s0, $0x0;
	s0 =	rddreg [dreg:$0x3]  }
0x1cb: {  	s0 =	sadd.s32 @!p0 $0x100000, s0  }
0x1cc: {  	[sflag:s0] =	ssyncadd.tile.s32 @!p0 $0x1;
	_ =	shalt  }
.Lfunc_end2:
_tile_overlayer_lowered:
.L_overlay_start_2:
0x1cd: {  	(tag) =	ssettag $0x2  }
0x1ce: {  	s0 =	rddreg [dreg:$0x0];
	s2 =	stileid.u32  }
0x1cf: {  	s1 =	rddreg [dreg:$0x1];
	p0 =	sne.s32 s2, $0x0  }
0x1d0: {  	s3 =	rddreg [dreg:$0x2];
	[bflag:$0x3] =	sbarrier.arrive $0xFFFF;
	s2 =	simm.s32 @!p0 $0x1C05  }
0x1d1: {  	[timem:s3], [sflag:s2] =	dma.local @!p0 [hbm:s0], s1  }
0x1d2: {  	s0 =	simm.s32 @!p0 $0x5  }
0x1d3: {  	_ =	swait.ge @!p0 [sflag:s0], s1  }
0x1d4: {  	s1 =	ssub.s32 @!p0 $0x0, s1;
	[sflag:s0] =	ssyncset.done @!p0 $0x0  }
0x1d5: {  	[sflag:s0] =	ssyncadd.s32 @!p0 s1  }
0x1d6: {  	[bflag:$0x3] =	sbarrier.arrive $0xFFFF  }
0x1d7: {  	_ =	shalt  }

// kernel: kernel.8.cloned.1.call-start
scs
__scs_entry_jumppad:
0x0: {  	(pc) =	sbr.rel $0x88, $3  }
0x1: {  	(tag) =	ssettag $0x0;
	lr =	simm.s32 $0x1  }
0x2: {  	[smem:$0x3F98] =	sst lr;
	_ =	strace $0xD0000000  }
0x3: {  	_ = 	snop  }
0x4: {  	_ = 	snop  }
0x5: {  	_ = 	snop  }
0x6: {  	_ = 	snop  }
0x7: {  	_ = 	snop  }
__scs_overlays_trampoline_lowered:
0x8: {  	[smem:$0x3FA7] =	sst s0  }
0x9: {  	[smem:$0x3FA8] =	sst s1  }
0xa: {  	[smem:$0x3FA9] =	sst s2  }
0xb: {  	[smem:$0x3FAA] =	sst s3  }
0xc: {  	[smem:$0x3FAB] =	sst s4  }
0xd: {  	[smem:$0x3FAC] =	sst s5  }
0xe: {  	[smem:$0x3FAD] =	sst s6  }
0xf: {  	[smem:$0x3FAE] =	sst s7  }
0x10: {  	[smem:$0x3FAF] =	sst s8  }
0x11: {  	[smem:$0x3FB0] =	sst s9;
	s0 =	simm.s32 @!p0 $0x0  }
0x12: {  	s1 =	sld [smem:$0x3F96];
	s0 =	simm.s32 @p0 $0x1  }
0x13: {  	[smem:$0x3FB1] =	sst s0;
	s0 =	simm.s32 @!p1 $0x0  }
0x14: {  	s2 =	sld [smem:$0x3F95];
	s0 =	simm.s32 @p1 $0x1  }
0x15: {  	[smem:$0x3FB2] =	sst s0;
	s0 =	simm.s32 @!p2 $0x0  }
0x16: {  	s3 =	sld [smem:$0x3FDB];
	s0 =	simm.s32 @p2 $0x1  }
0x17: {  	s4 =	simm.s32 $0x1BF5;
	[smem:$0x3FB4] =	sst s0  }
0x18: {  	s0 =	sld [smem:$0x3F97];
	_ =	swait.ge [sflag:s4], $0x0  }
0x19: {  	s7 =	sld [smem:$0x3F98]  }
0x1a: {  	s8 =	sadd.s32 $0xFFFFE003, lr  }
0x1b: {  	s9 =	sadd.s32 $0xFFFFFEF7, lr;
	s5 =	simm.s32 $0xFFFFFFFF;
	p2 =	slt.u32 s8, $0xFFFFF086  }
0x1c: {  	p1 =	slt.u32 s9, $0xF7A;
	s5 =	simm.s32 @!p2 $0x0  }
0x1d: {  	s5 =	simm.s32 @p1 $0x1;
	p0 =	seq.s32 s7, s2  }
0x1e: {  	s7 =	smul.u32 @!p0 $0xF7A, s2;
	p2 =	seq.s32 @!p0 s5, $0x0  }
0x1f: {  	s9 =	smul.u32 $0xF7A, s1;
	s8 =	simm.s32 @!p0 $0x1BF5;
	p2 =	por !p2, p0  }
0x20: {  	[sflag:s8] =	ssyncset.s32 @!p0 $0xFFFFF086;
	s6 =	sadd.s32 @!p0 s3, s7;
	s7 =	simm.s32 @!p0 $0x108  }
0x21: {  	s3 =	sadd.s32 s3, s9;
	s6 =	sadd.s32 @!p0 $0x88, s6;
	s7 =	simm.s32 @p2 $0x1082  }
0x22: {  	[simem:s7], [sflag:s8] =	dma.local @!p0 [hbm:s6], $0xF7A  }
0x23: {  	s9 =	sor.u32 $0xD0000000, s2;
	s6 =	simm.s32 $0x108;
	_ =	swait.ge @!p0 [sflag:s8], $0x0  }
0x24: {  	s3 =	sadd.s32 $0x88, s3;
	s6 =	simm.s32 @!p1 $0x1082;
	[sflag:s4] =	ssyncset.s32 $0xFFFFF086  }
0x25: {  	[simem:s6], [sflag:s4] =	dma.local [hbm:s3], $0xF7A  }
0x26: {  	[smem:$0x3F98] =	sst s1;
	(tag) =	ssettag s2;
	_ =	strace s9  }
0x27: {  	s1 =	sld [smem:$0x3FA8]  }
0x28: {  	s2 =	sld [smem:$0x3FA9]  }
0x29: {  	s4 =	sld [smem:$0x3FAB]  }
0x2a: {  	p0 =	seq.s32 s5, $0x0;
	s5 =	sld [smem:$0x3FAC]  }
0x2b: {  	s6 =	sld [smem:$0x3FAD]  }
0x2c: {  	s7 =	sld [smem:$0x3FAE]  }
0x2d: {  	s3 =	simm.s32 $0x108;
	s8 =	sld [smem:$0x3FAF]  }
0x2e: {  	s3 =	simm.s32 @!p0 $0x1082;
	s9 =	sld [smem:$0x3FB0]  }
0x2f: {  	lr =	sadd.s32 s0, s3;
	s0 =	sld [smem:$0x3FA7]  }
0x30: {  	s3 =	sld [smem:$0x3FAA]  }
0x31: {  	[smem:$0x3FB3] =	sst s10  }
0x32: {  	s10 =	sld [smem:$0x3FB1];
	_ =	sdelay $0x3  }
0x33: {  	p0 =	seq.s32 s10, $0x1;
	s10 =	sld [smem:$0x3FB3];
	_ =	sdelay $0x3  }
0x34: {  	[smem:$0x3FB3] =	sst s10  }
0x35: {  	s10 =	sld [smem:$0x3FB2];
	_ =	sdelay $0x3  }
0x36: {  	p1 =	seq.s32 s10, $0x1;
	s10 =	sld [smem:$0x3FB3];
	_ =	sdelay $0x3  }
0x37: {  	[smem:$0x3FB3] =	sst s10  }
0x38: {  	s10 =	sld [smem:$0x3FB4]  }
0x39: {  	_ = 	snop;
	(pc) =	sbr.ind lr, $3  }
0x3a: {  	_ = 	snop  }
0x3b: {  	_ = 	snop  }
0x3c: {  	p2 =	seq.s32 s10, $0x1;
	s10 =	sld [smem:$0x3FB3]  }
0x3d: {  	_ =	shalt  }
0x3e: {  	_ =	shalt  }
0x3f: {  	_ =	shalt  }
0x40: {  	_ =	shalt  }
0x41: {  	_ =	shalt  }
0x42: {  	_ =	shalt  }
0x43: {  	_ =	shalt  }
0x44: {  	_ =	shalt  }
0x45: {  	_ =	shalt  }
0x46: {  	_ =	shalt  }
0x47: {  	_ =	shalt  }
0x48: {  	_ =	shalt  }
0x49: {  	_ =	shalt  }
0x4a: {  	_ =	shalt  }
0x4b: {  	_ =	shalt  }
0x4c: {  	_ =	shalt  }
0x4d: {  	_ =	shalt  }
0x4e: {  	_ =	shalt  }
0x4f: {  	_ =	shalt  }
0x50: {  	_ =	shalt  }
0x51: {  	_ =	shalt  }
0x52: {  	_ =	shalt  }
0x53: {  	_ =	shalt  }
0x54: {  	_ =	shalt  }
0x55: {  	_ =	shalt  }
0x56: {  	_ =	shalt  }
0x57: {  	_ =	shalt  }
0x58: {  	_ =	shalt  }
0x59: {  	_ =	shalt  }
0x5a: {  	_ =	shalt  }
0x5b: {  	_ =	shalt  }
0x5c: {  	_ =	shalt  }
0x5d: {  	_ =	shalt  }
0x5e: {  	_ =	shalt  }
0x5f: {  	_ =	shalt  }
0x60: {  	_ =	shalt  }
0x61: {  	_ =	shalt  }
0x62: {  	_ =	shalt  }
0x63: {  	_ =	shalt  }
0x64: {  	_ =	shalt  }
0x65: {  	_ =	shalt  }
0x66: {  	_ =	shalt  }
0x67: {  	_ =	shalt  }
0x68: {  	_ =	shalt  }
0x69: {  	_ =	shalt  }
0x6a: {  	_ =	shalt  }
0x6b: {  	_ =	shalt  }
0x6c: {  	_ =	shalt  }
0x6d: {  	_ =	shalt  }
0x6e: {  	_ =	shalt  }
0x6f: {  	_ =	shalt  }
0x70: {  	_ =	shalt  }
0x71: {  	_ =	shalt  }
0x72: {  	_ =	shalt  }
0x73: {  	_ =	shalt  }
0x74: {  	_ =	shalt  }
0x75: {  	_ =	shalt  }
0x76: {  	_ =	shalt  }
0x77: {  	_ =	shalt  }
0x78: {  	_ =	shalt  }
0x79: {  	_ =	shalt  }
0x7a: {  	_ =	shalt  }
0x7b: {  	_ =	shalt  }
0x7c: {  	_ =	shalt  }
0x7d: {  	_ =	shalt  }
0x7e: {  	_ =	shalt  }
0x7f: {  	_ =	shalt  }
0x80: {  	_ =	shalt  }
0x81: {  	_ =	shalt  }
0x82: {  	_ =	shalt  }
0x83: {  	_ =	shalt  }
0x84: {  	_ =	shalt  }
0x85: {  	_ =	shalt  }
0x86: {  	_ =	shalt  }
0x87: {  	_ =	shalt  }
.Lfunc_end0:
.L_simem_size_0:
called_computation.1_lowered:
.L_overlay_start_0:
0x88: {  	s2 =	sld [smem:$0x3FD9]  }
0x89: {  	s3 =	sld [smem:$0x3FFE];
	_ =	sdelay $0x1  }
0x8a: {  	s1 =	srdreg.scid  }
0x8b: {  	s0 =	sand.u32 $0x1, s1  }
0x8c: {  	s14 =	sshll.u32 s0, $0xA;
	s2 =	sadd.s32 s3, s2  }
0x8d: {  	s2 =	sadd.s32 s2, s14  }
0x8e: {  	[smem:$0x3FBF] =	sst s2  }
0x8f: {  	_ = 	snop  }
0x90: {  	s2 =	sld [smem:$0x3FD0];
	_ =	sdelay $0x2  }
0x91: {  	s15 =	simm.s32 $0xA;
	s4 =	simm.s32 $0x10  }
0x92: {  	[smem:s4], [sflag:s15] =	dma.local [hbm:s2], $0x1  }
0x93: {  	_ =	swait.eq [sflag:s15], $0x1  }
0x94: {  	[sflag:s15] =	ssyncset.done $0x0  }
0x95: {  	[sflag:s15] =	ssyncadd.s32 $0xFFFFFFFF  }
0x96: {  	s16 =	sld [smem:$0x11];
	(tm) =	ssettm $0x1  }
0x97: {  	s17 =	sld [smem:$0x3FFB];
	_ =	sdelay $0x3  }
0x98: {  	_ =	strace s17  }
0x99: {  	s3 =	sld [smem:$0x3FFC];
	_ =	sdelay $0x3  }
0x9a: {  	_ =	strace s3  }
0x9b: {  	s3 =	sld [smem:$0x3FFD];
	_ =	sdelay $0x3  }
0x9c: {  	_ =	strace s3  }
0x9d: {  	_ =	strace $0x8FFFFFFF  }
0x9e: {  	s18 =	sld [smem:$0x3FDB];
	_ =	sdelay $0x1  }
0x9f: {  	s19 =	simm.s32 $_scs_section_size  }
0xa0: {  	s5 =	simm.s32 $_size__tile_overlayer_lowered;
	s6 =	simm.s32 $_tile_overlayer_lowered  }
0xa1: {  	s22 =	simm.s32 $0x1BFF;
	s21 =	sshll.u32 s6, $0x1;
	s3 =	sadd.s32 s19, s18  }
0xa2: {  	s7 =	simm.s32 $0x0;
	s20 =	sshll.u32 s5, $0x1;
	s5 =	sadd.s32 s21, s3  }
0xa3: {  	[timem:s7], [sflag:s22] =	dma.local [hbm:s5], s20  }
0xa4: {  	_ =	swait.ge [sflag:s22], s20  }
0xa5: {  	s4 =	ssub.s32 $0x0, s20;
	[sflag:s22] =	ssyncset.done $0x0  }
0xa6: {  	[sflag:s22] =	ssyncadd.s32 s4;
	_ =	sdelay $0x1  }
0xa7: {  	s23 =	simm.s32 $0x1B8B  }
0xa8: {  	_ =	swait.ge [sflag:s23], $0x1  }
0xa9: {  	[sflag:s23] =	ssyncset.done $0x0  }
0xaa: {  	s25 =	simm.s32 $0x1B8E;
	s24 =	sld [smem:$0x3FFE];
	[sflag:s23] =	ssyncadd.s32 $0xFFFFFFFF  }
0xab: {  	s26 =	simm.s32 $execute0_lowered;
	[smem:$0x3FD2] =	sst s25  }
0xac: {  	s5 =	sshll.u32 s26, $0x1;
	_ =	strace $0x80000049;
	[dreg:$0x1] =	wrdreg $0xFFFFFFFF  }
0xad: {  	s28 =	simm.s32 $_size_execute0_lowered;
	s3 =	sadd.s32 s3, s5;
	[dreg:$0x0] =	wrdreg $0x0  }
0xae: {  	s5 =	sshll.u32 s28, $0x1;
	[dreg:$0x2] =	wrdreg s3  }
0xaf: {  	[dreg:$0x3] =	wrdreg s5  }
0xb0: {  	[dreg:$0x4] =	wrdreg $0xC0  }
0xb1: {  	_ =	task [dreg:s7], $0x5FFFF  }
0xb2: {  	[dreg:$0x1] =	wrdreg $0xFFFFFFFF  }
0xb3: {  	[dreg:$0x0] =	wrdreg $0x60  }
0xb4: {  	[dreg:$0x2] =	wrdreg s24  }
0xb5: {  	[dreg:$0x3] =	wrdreg s16  }
0xb6: {  	[dreg:$0x4] =	wrdreg $0x9  }
0xb7: {  	_ =	task.clear_ibuf [dreg:s7], $0x5FFFF;
	_ =	strace $0x90000049  }
0xb8: {  	s29 =	simm.s32 $0x9;
	_ =	strace $0x8000004B  }
0xb9: {  	_ =	swait.ge [sflag:s29], $0x1  }
0xba: {  	[sflag:s29] =	ssyncadd.s32 $0xFFFFFFFF  }
0xbb: {  	_ =	strace $0x9000004B  }
0xbc: {  	_ =	sfence  }
0xbd: {  	s30 =	sld [smem:$0x0];
	_ =	sdelay $0x2  }
0xbe: {  	s31 =	sshll.u32 s1, $0xD;
	s1 =	sshrl.u32 s1, $0x2  }
0xbf: {  	s3 =	sand.u32 $0x4000, s31;
	s1 =	sadd.s32 s1, s30  }
0xc0: {  	s0 =	sor.u32 s3, s0;
	s1 =	sshll.u32 s1, $0x11  }
0xc1: {  	s0 =	sor.u32 s1, s0  }
0xc2: {  	s0 =	sadd.s32 $0x8F2B, s0  }
0xc3: {  	[sflag:s0] =	ssyncadd.remote.s32 $0x1  }
0xc4: {  	_ =	sfence.sel $0xFFFF  }
0xc5: {  	[dreg:$0x0] =	wrdreg $0xFFFFFFFF;
	(pc) =	sbr.abs _section_cstart, $3  }
0xc6: {  	[dreg:$0x1] =	wrdreg $0xFFFFFFFF  }
0xc7: {  	_ =	task.clear_ibuf [dreg:s7], $0x2FFFF;
	_ =	strace $0x9FFFFFFF  }
0xc8: {  	(tm) =	ssettm $0x7FFFFFFF  }
0xc9: {  	_ =	shalt  }
tec
execute0_lowered:
.L_overlay_start_1:
0x0: {  	(tag) =	ssettag $0x1  }
0x1: {  	s6 =	rddreg [dreg:$0x0]  }
0x2: {  	s0 =	srdreg.scid;
	s5 =	rddreg [dreg:$0x1]  }
0x3: {  	s1 =	stileid.u32;
	s2 =	simm.s32 $0x0;
	s10 =	simm.s32 $0xC710  }
0x4: {  	s11 =	simm.s32 $0xEE20;
	s3 =	sand.u32 $0x1, s0;
	s0 =	rddreg [dreg:$0x2]  }
0x5: {  	s14 =	simm.s32 $0x0;
	[smem:$0x7FF] =	sst s2;
	s4 =	sshll.u32 s3, $0x4  }
0x6: {  	s9 =	sadd.s32 $0x9C40, s5;
	s31 =	ssub.s32 $0x2, s3;
	s4 =	sor.u32 s1, s4  }
0x7: {  	s13 =	sadd.s32 $0xC640, s6;
	s7 =	sshrl.u32 s31, $0x1;
	s12 =	smul.u32 $0x4E2, s4  }
0x8: {  	_ =	strace $0x8000004A;
	s3 =	sadd.s32 $0x1600, s6;
	s7 =	ssub.s32 s31, s7  }
0x9: {  	s8 =	sadd.s32 s12, s6;
	s4 =	sadd.s32 s5, s12;
	s6 =	smax.u32 s7, $0x1  }
0xa: {  	s7 =	simm.s32 $0x1;
	s9 =	sadd.s32 s12, s9;
	s12 =	sadd.s32 s12, s13  }
0xb: {  	s13 =	simm.s32 $0x11530;
	s5 =	sadd.s32 $0x2A00, s8;
	s8 =	simm.s32 $0xA000  }
.LBB2_1:
0xc: {  	[tilespmem:s2], [sflag:$0x1] =	stream.linear.gather [hbm4b:s3+s2], $0xA000, $0x38;
	[tilespmem:$0x13C40] =	vst v63  }
0xd: {  	_ =	swait.ge [sflag:s7], $0xA000  }
0xe: {  	[sflag:s7] =	ssyncset.done $0x0  }
0xf: {  	[sflag:s7] =	ssyncadd.s32 $0xFFFF6000  }
0x10: {  	[tilespmem:s8], [sflag:$0x1] =	stream.linear.gather [hbm4b:s4+s2], $0x2710, $0x38;
	[tilespmem:$0x13C40] =	vst v63  }
0x11: {  	_ =	swait.ge [sflag:s7], $0x2710  }
0x12: {  	[sflag:s7] =	ssyncset.done $0x0  }
0x13: {  	[sflag:s7] =	ssyncadd.s32 $0xFFFFD8F0  }
0x14: {  	[tilespmem:s10], [sflag:$0x1] =	stream.linear.gather [hbm4b:s9+s2], $0x2710, $0x38;
	[tilespmem:$0x13C40] =	vst v63  }
0x15: {  	_ =	swait.ge [sflag:s7], $0x2710  }
0x16: {  	[sflag:s7] =	ssyncset.done $0x0  }
0x17: {  	s15 =	simm.s32 $0x0;
	[sflag:s7] =	ssyncadd.s32 $0xFFFFD8F0  }
0x18: {  	v0 =	vld [tilespmem:s15+$0xC710]  }
0x19: {  	v1 =	vld [tilespmem:s15+$0xA000];
	_ =	sdelay $0x3  }
0x1a: {  	v2 =	vadd.s32 $0x5000, v0;
	_ =	sdelay $0x3  }
0x1b: {  	v3 =	vld.idx.msk [tilespmem:v1+s2+$0x0], $0xffff  }
0x1c: {  	v2 =	vld.idx.msk [tilespmem:v2+s2+$0x0], $0xffff;
	_ =	sdelay $0x2  }
0x1d: {  	v1 =	vadd.s32 $0x2800, v1  }
0x1e: {  	v0 =	vadd.s32 $0x7800, v0  }
0x1f: {  	v2 =	vadd.f32 v2, v3  }
0x20: {  	v3 =	vld [tilespmem:s15+$0xC720]  }
0x21: {  	[tilespmem:s15+$0xEE20] =	vst v2;
	v2 =	vld [tilespmem:s15+$0xA010]  }
0x22: {  	v1 =	vld.idx.msk [tilespmem:v1+s2+$0x0], $0xffff  }
0x23: {  	v0 =	vld.idx.msk [tilespmem:v0+s2+$0x0], $0xffff;
	_ =	sdelay $0x3  }
0x24: {  	v4 =	vadd.s32 $0x5000, v3  }
0x25: {  	v0 =	vadd.f32 v0, v1;
	_ =	sdelay $0x1  }
0x26: {  	[tilespmem:s15+$0x11530] =	vst v0  }
0x27: {  	v0 =	vld.idx.msk [tilespmem:v2+s2+$0x0], $0xffff  }
0x28: {  	v1 =	vld.idx.msk [tilespmem:v4+s2+$0x0], $0xffff;
	_ =	sdelay $0x2  }
0x29: {  	v2 =	vadd.s32 $0x2800, v2  }
0x2a: {  	v4 =	vadd.s32 $0x7800, v3  }
0x2b: {  	v0 =	vadd.f32 v1, v0  }
0x2c: {  	s17 =	simm.s32 $0x20  }
0x2d: {  	v1 =	vld [tilespmem:s17+$0xC710];
	[tilespmem:s15+$0xEE30] =	vst v0  }
0x2e: {  	v3 =	vld.idx.msk [tilespmem:v2+s2+$0x0], $0xffff  }
0x2f: {  	v4 =	vld.idx.msk [tilespmem:v4+s2+$0x0], $0xffff  }
0x30: {  	v2 =	vld [tilespmem:s17+$0xA000]  }
0x31: {  	s16 =	simm.s32 $0x100;
	v0 =	vld [tilespmem:s17+$0xC720]  }
.LBB2_2:
0x32: {  	p0 =	sne.s32 s16, $0x9B80;
	v5 =	vadd.s32 $0x5000, v1;
	s18 =	smov.u32 s16;
	s16 =	sadd.s32 $0x80, s16  }
0x33: {  	_ =	sdelay $0x1  }
0x34: {  	v3 =	vadd.f32 v4, v3;
	_ =	sdelay $0x1  }
0x35: {  	[tilespmem:s15+$0x11540] =	vst v3;
	s15 =	smov.u32 s17  }
0x36: {  	v3 =	vld.idx.msk [tilespmem:v5+s2+$0x0], $0xffff  }
0x37: {  	v4 =	vld.idx.msk [tilespmem:v2+s2+$0x0], $0xffff;
	_ =	sdelay $0x3  }
0x38: {  	v2 =	vadd.s32 $0x2800, v2  }
0x39: {  	v1 =	vadd.s32 $0x7800, v1  }
0x3a: {  	v3 =	vadd.f32 v3, v4;
	_ =	sdelay $0x1  }
0x3b: {  	[tilespmem:s15+$0xEE20] =	vst v3  }
0x3c: {  	v2 =	vld.idx.msk [tilespmem:v2+s2+$0x0], $0xffff  }
0x3d: {  	v1 =	vld.idx.msk [tilespmem:v1+s2+$0x0], $0xffff  }
0x3e: {  	v3 =	vld [tilespmem:s15+$0xA010];
	_ =	sdelay $0x3  }
0x3f: {  	v4 =	vadd.s32 $0x5000, v0  }
0x40: {  	v1 =	vadd.f32 v1, v2;
	_ =	sdelay $0x1  }
0x41: {  	[tilespmem:s15+$0x11530] =	vst v1  }
0x42: {  	v1 =	vld.idx.msk [tilespmem:v3+s2+$0x0], $0xffff  }
0x43: {  	v2 =	vld.idx.msk [tilespmem:v4+s2+$0x0], $0xffff;
	_ =	sdelay $0x3  }
0x44: {  	v3 =	vadd.s32 $0x2800, v3  }
0x45: {  	v0 =	vadd.s32 $0x7800, v0  }
0x46: {  	v2 =	vadd.f32 v2, v1  }
0x47: {  	s17 =	sshra.s32 s18, $0x2  }
.Ltmp0:
0x48: {  	v1 =	vld [tilespmem:s17+$0xC710];
	[tilespmem:s15+$0xEE30] =	vst v2;
	(pc) =	sbr.rel @p0 .LBB2_2-.Ltmp0, $4  }
0x49: {  	v3 =	vld.idx.msk [tilespmem:v3+s2+$0x0], $0xffff  }
0x4a: {  	v4 =	vld.idx.msk [tilespmem:v0+s2+$0x0], $0xffff  }
0x4b: {  	v2 =	vld [tilespmem:s17+$0xA000]  }
0x4c: {  	v0 =	vld [tilespmem:s17+$0xC720]  }
0x4d: {  	_ = 	snop  }
0x4e: {  	v5 =	vadd.s32 $0x5000, v1;
	_ =	sdelay $0x1  }
0x4f: {  	v3 =	vadd.f32 v4, v3;
	_ =	sdelay $0x1  }
0x50: {  	[tilespmem:s15+$0x11540] =	vst v3  }
0x51: {  	v3 =	vld.idx.msk [tilespmem:v5+s2+$0x0], $0xffff  }
0x52: {  	v54 =	vld.idx.msk [tilespmem:v2+s2+$0x0], $0xffff;
	_ =	sdelay $0x2  }
0x53: {  	v55 =	vadd.s32 $0x2800, v2  }
0x54: {  	v56 =	vadd.s32 $0x7800, v1  }
0x55: {  	v3 =	vadd.f32 v3, v54;
	_ =	sdelay $0x1  }
0x56: {  	v57 =	vld [tilespmem:s17+$0xA010];
	[tilespmem:s17+$0xEE20] =	vst v3  }
0x57: {  	v2 =	vld.idx.msk [tilespmem:v55+s2+$0x0], $0xffff  }
0x58: {  	v1 =	vld.idx.msk [tilespmem:v56+s2+$0x0], $0xffff;
	_ =	sdelay $0x3  }
0x59: {  	v58 =	vadd.s32 $0x5000, v0  }
0x5a: {  	v1 =	vadd.f32 v1, v2;
	_ =	sdelay $0x1  }
0x5b: {  	[tilespmem:s17+$0x11530] =	vst v1  }
0x5c: {  	v1 =	vld.idx.msk [tilespmem:v57+s2+$0x0], $0xffff  }
0x5d: {  	v59 =	vld.idx.msk [tilespmem:v58+s2+$0x0], $0xffff;
	_ =	sdelay $0x2  }
0x5e: {  	v3 =	vadd.s32 $0x2800, v57  }
0x5f: {  	v60 =	vadd.s32 $0x7800, v0  }
0x60: {  	v1 =	vadd.f32 v59, v1;
	_ =	sdelay $0x1  }
0x61: {  	[tilespmem:s17+$0xEE30] =	vst v1  }
0x62: {  	v1 =	vld.idx.msk [tilespmem:v3+s2+$0x0], $0xffff  }
0x63: {  	v0 =	vld.idx.msk [tilespmem:v60+s2+$0x0], $0xffff;
	_ =	sdelay $0x4  }
0x64: {  	v0 =	vadd.f32 v0, v1;
	_ =	sdelay $0x1  }
0x65: {  	[tilespmem:s17+$0x11540] =	vst v0  }
0x66: {  	v0 =	vld [tilespmem:$0xEE10]  }
0x67: {  	v61 =	vld [tilespmem:$0xC700];
	_ =	sdelay $0x3  }
0x68: {  	v62 =	vadd.s32 $0x5000, v0;
	_ =	sdelay $0x3  }
0x69: {  	v63 =	vld.idx.msk [tilespmem:v61+s2+$0x0], $0xffff  }
0x6a: {  	v2 =	vld.idx.msk [tilespmem:v62+s2+$0x0], $0xffff;
	_ =	sdelay $0x2  }
0x6b: {  	v1 =	vadd.s32 $0x2800, v61  }
0x6c: {  	v0 =	vadd.s32 $0x7800, v0  }
0x6d: {  	v2 =	vadd.f32 v2, v63;
	_ =	sdelay $0x1  }
0x6e: {  	[tilespmem:$0x11520] =	vst v2  }
0x6f: {  	v1 =	vld.idx.msk [tilespmem:v1+s2+$0x0], $0xffff  }
0x70: {  	v0 =	vld.idx.msk [tilespmem:v0+s2+$0x0], $0xffff;
	_ =	sdelay $0x4  }
0x71: {  	v0 =	vadd.f32 v0, v1;
	_ =	sdelay $0x1  }
0x72: {  	[tilespmem:$0x13C30] =	vst v0  }
0x73: {  	[hbm4b:s5+s2] =	stream.linear.scatter [tilespmem:s11], [sflag:$0x1], $0x2710, $0x38;
	[tilespmem:$0x13C40] =	vst v63  }
0x74: {  	s14 =	sadd.s32 $0x1, s14;
	_ =	swait.ge [sflag:s7], $0x2710  }
0x75: {  	p0 =	sne.s32 s14, s6;
	[sflag:s7] =	ssyncset.done $0x0  }
.Ltmp1:
0x76: {  	[sflag:s7] =	ssyncadd.s32 $0xFFFFD8F0;
	(pc) =	sbr.rel @p0 .LBB2_1-.Ltmp1, $4  }
0x77: {  	[hbm4b:s12+s2] =	stream.linear.scatter [tilespmem:s13], [sflag:$0x1], $0x2710, $0x38;
	[tilespmem:$0x13C40] =	vst v63  }
0x78: {  	_ =	swait.ge [sflag:s7], $0x2710  }
0x79: {  	[sflag:s7] =	ssyncset.done $0x0  }
0x7a: {  	[sflag:s7] =	ssyncadd.s32 $0xFFFFD8F0  }
0x7b: {  	_ =	sfence.sel $0x180000  }
0x7c: {  	[bflag:$0x0] =	sbarrier.arrive $0xFFFF  }
0x7d: {  	p0 =	sne.s32 s1, $0x0;
	_ =	strace $0x9000004A  }
0x7e: {  	s0 =	sadd.s32 @!p0 $0x100000, s0;
	[bflag:$0x2] =	sbarrier.arrive $0xFFFF  }
0x7f: {  	[sflag:s0] =	ssyncadd.tile.s32 @!p0 $0x1;
	_ =	shalt  }
.Lfunc_end2:
_tile_overlayer_lowered:
.L_overlay_start_2:
0x80: {  	(tag) =	ssettag $0x2  }
0x81: {  	s0 =	rddreg [dreg:$0x0];
	s2 =	stileid.u32  }
0x82: {  	s1 =	rddreg [dreg:$0x1];
	p0 =	sne.s32 s2, $0x0  }
0x83: {  	s3 =	rddreg [dreg:$0x2];
	[bflag:$0x3] =	sbarrier.arrive $0xFFFF;
	s2 =	simm.s32 @!p0 $0x1C01  }
0x84: {  	[timem:s3], [sflag:s2] =	dma.local @!p0 [hbm:s0], s1  }
0x85: {  	s0 =	simm.s32 @!p0 $0x1  }
0x86: {  	_ =	swait.ge @!p0 [sflag:s0], s1  }
0x87: {  	s1 =	ssub.s32 @!p0 $0x0, s1;
	[sflag:s0] =	ssyncset.done @!p0 $0x0  }
0x88: {  	[sflag:s0] =	ssyncadd.s32 @!p0 s1  }
0x89: {  	[bflag:$0x3] =	sbarrier.arrive $0xFFFF  }
0x8a: {  	_ =	shalt  }

</sc_bundles>
